<compile_context>
chip_gen: v7x
topology: tpu7x:2x2x1
jax: 0.10.2.dev20260603
libtpu: 0.0.44.dev20260713+nightly
codegen_flags: <defaults>
</compile_context>

<pallas_src>
import functools

import jax
import jax.numpy as jnp
from jax import lax
from jax.experimental import pallas as pl
from jax.experimental.pallas import tpu as pltpu
from jax.experimental.pallas import tpu_sc as plsc

N = 10000
E = 320000
T = 5
IN_FEAT = 128
HID = 16
LAT = 4
FB = T * 2 * LAT
OUT_FEAT = 64

NC = 2
NS = 16
NW = NC * NS
BATCH = 128
NB = 80
EP = NW * NB * BATCH
NPAD = 10240
ROWS_PER_TILE = NPAD // NS
NBK = 256
GN = NPAD // NBK



@functools.lru_cache(maxsize=None)
def _make_deg_kernel():
    mesh = plsc.VectorSubcoreMesh(core_axis_name="c", subcore_axis_name="s",
                                  num_cores=NC, num_subcores=NS)

    @functools.partial(
        pl.kernel,
        out_type=jax.ShapeDtypeStruct((NC, NPAD), jnp.float32),
        mesh=mesh,
        scratch_types=[
            pltpu.VMEM((NB, BATCH), jnp.int32),
            pltpu.VMEM((BATCH,), jnp.float32),
            pltpu.VMEM_SHARED((NPAD,), jnp.float32),
        ],
        compiler_params=pltpu.CompilerParams(use_tc_tiling_on_sc=False),
    )
    def deg_kernel(dstb, zeros1, out, dst_v, ones_v, acc):
        c = lax.axis_index("c")
        s = lax.axis_index("s")
        w = c * NS + s
        pltpu.sync_copy(dstb.at[w], dst_v)
        for k in range(BATCH // 16):
            ones_v[pl.ds(k * 16, 16)] = jnp.ones((16,), jnp.float32)
        pltpu.sync_copy(zeros1.at[pl.ds(s * ROWS_PER_TILE, ROWS_PER_TILE)],
                        acc.at[pl.ds(s * ROWS_PER_TILE, ROWS_PER_TILE)])
        plsc.subcore_barrier()

        def body(j, _):
            pltpu.sync_copy(ones_v, acc.at[dst_v.at[j]], add=True)
            return ()

        lax.fori_loop(0, NB, body, ())
        plsc.subcore_barrier()
        pltpu.sync_copy(acc.at[pl.ds(s * ROWS_PER_TILE, ROWS_PER_TILE)],
                        out.at[c, pl.ds(s * ROWS_PER_TILE, ROWS_PER_TILE)])

    return deg_kernel


@functools.lru_cache(maxsize=None)
def _make_prop_kernel(F, nbuf):
    mesh = plsc.VectorSubcoreMesh(core_axis_name="c", subcore_axis_name="s",
                                  num_cores=NC, num_subcores=NS)
    ngrp = NB // nbuf

    @functools.partial(
        pl.kernel,
        out_type=jax.ShapeDtypeStruct((NC, NPAD, F), jnp.float32),
        mesh=mesh,
        scratch_types=(
            [pltpu.VMEM((NB, BATCH), jnp.int32)] * 2
            + [pltpu.VMEM((BATCH, F), jnp.float32)] * nbuf
            + [pltpu.VMEM_SHARED((NPAD, F), jnp.float32)]
            + [pltpu.SemaphoreType.DMA] * (2 * nbuf)
        ),
        compiler_params=pltpu.CompilerParams(use_tc_tiling_on_sc=False),
    )
    def prop_kernel(table, srcb, dstb, zeros, out, src_v, dst_v, *rest):
        rbs = rest[:nbuf]
        acc = rest[nbuf]
        gsem = rest[nbuf + 1:2 * nbuf + 1]
        ssem = rest[2 * nbuf + 1:3 * nbuf + 1]
        c = lax.axis_index("c")
        s = lax.axis_index("s")
        w = c * NS + s
        pltpu.sync_copy(srcb.at[w], src_v)
        pltpu.sync_copy(dstb.at[w], dst_v)
        pltpu.sync_copy(zeros.at[pl.ds(s * ROWS_PER_TILE, ROWS_PER_TILE)],
                        acc.at[pl.ds(s * ROWS_PER_TILE, ROWS_PER_TILE)])
        plsc.subcore_barrier()

        for b in range(nbuf):
            pltpu.async_copy(table.at[src_v.at[b]], rbs[b], gsem[b])

        def body(i, _):
            base = nbuf * i
            for b in range(nbuf):
                j = base + b
                pltpu.make_async_copy(table.at[src_v.at[j]], rbs[b],
                                      gsem[b]).wait()
                pltpu.sync_copy(rbs[b], acc.at[dst_v.at[j]], add=True)

                @pl.when(i + 1 < ngrp)
                def _():
                    jn = nbuf * (i + 1) + b
                    pltpu.async_copy(table.at[src_v.at[jn]], rbs[b], gsem[b])
            return ()

        lax.fori_loop(0, ngrp, body, ())
        plsc.subcore_barrier()
        pltpu.sync_copy(acc.at[pl.ds(s * ROWS_PER_TILE, ROWS_PER_TILE)],
                        out.at[c, pl.ds(s * ROWS_PER_TILE, ROWS_PER_TILE)])

    return prop_kernel



def _tc1_body(x_ref, deg_ref, w1_ref, wc_ref, v_ref, dinv_ref):
    deg = deg_ref[0] + deg_ref[1] + 1.0
    d = jnp.maximum(deg, 1.0)
    dinv = lax.rsqrt(d)
    dinv = dinv * (1.5 - 0.5 * d * dinv * dinv)
    for t in range(T):
        g = jnp.dot(x_ref[t], w1_ref[...], preferred_element_type=jnp.float32,
                    precision=lax.Precision.HIGHEST)
        m = jnp.dot(g, wc_ref[...], preferred_element_type=jnp.float32,
                    precision=lax.Precision.HIGHEST)
        v_ref[:, t * 2 * LAT:(t + 1) * 2 * LAT] = m * dinv
    dinv_ref[...] = dinv


def _tc1(x, degS, W1, Wc):
    return pl.pallas_call(
        _tc1_body,
        grid=(GN,),
        in_specs=[
            pl.BlockSpec((T, NBK, IN_FEAT), lambda nb: (0, nb, 0)),
            pl.BlockSpec((NC, NBK, 1), lambda nb: (0, nb, 0)),
            pl.BlockSpec((IN_FEAT, HID), lambda nb: (0, 0)),
            pl.BlockSpec((HID, 2 * LAT), lambda nb: (0, 0)),
        ],
        out_specs=[
            pl.BlockSpec((NBK, FB), lambda nb: (nb, 0)),
            pl.BlockSpec((NBK, 1), lambda nb: (nb, 0)),
        ],
        out_shape=[
            jax.ShapeDtypeStruct((N, FB), jnp.float32),
            jax.ShapeDtypeStruct((NPAD, 1), jnp.float32),
        ],
    )(x, degS, W1, Wc)


def _tc2_body(s_ref, v_ref, dinv_ref, b1_ref, wc_ref, v2_ref):
    dinv = dinv_ref[...]
    agg = (s_ref[0] + s_ref[1] + v_ref[...]) * dinv
    c = jnp.dot(b1_ref[...], wc_ref[...],
                preferred_element_type=jnp.float32,
                precision=lax.Precision.HIGHEST)
    ct = jnp.concatenate([c] * T, axis=1)
    v2_ref[...] = (agg + ct) * dinv


def _tc2(S, V, dinv, b1, Wc):
    return pl.pallas_call(
        _tc2_body,
        grid=(GN,),
        in_specs=[
            pl.BlockSpec((NC, NBK, FB), lambda nb: (0, nb, 0)),
            pl.BlockSpec((NBK, FB), lambda nb: (nb, 0)),
            pl.BlockSpec((NBK, 1), lambda nb: (nb, 0)),
            pl.BlockSpec((1, HID), lambda nb: (0, 0)),
            pl.BlockSpec((HID, 2 * LAT), lambda nb: (0, 0)),
        ],
        out_specs=pl.BlockSpec((NBK, FB), lambda nb: (nb, 0)),
        out_shape=jax.ShapeDtypeStruct((N, FB), jnp.float32),
    )(S, V, dinv, b1, Wc)


def _tc3a_body(s_ref, mp_ref, dinv_ref, eps_ref, bmu_ref, blv_ref,
               z_ref, mum_ref, lvm_ref):
    p = (s_ref[0] + s_ref[1] + mp_ref[...]) * dinv_ref[...]
    mus = 0.0
    lvs = 0.0
    for t in range(T):
        mu = p[:, t * 2 * LAT:t * 2 * LAT + LAT] + bmu_ref[...]
        lv = p[:, t * 2 * LAT + LAT:(t + 1) * 2 * LAT] + blv_ref[...]
        z_ref[t] = mu + eps_ref[t] * jnp.exp(0.5 * lv)
        mus = mus + mu
        lvs = lvs + lv
    mum_ref[...] = mus * (1.0 / T)
    lvm_ref[...] = lvs * (1.0 / T)


def _tc3a(S, Mp, dinv, eps, bmu, blv):
    return pl.pallas_call(
        _tc3a_body,
        grid=(GN,),
        in_specs=[
            pl.BlockSpec((NC, NBK, FB), lambda nb: (0, nb, 0)),
            pl.BlockSpec((NBK, FB), lambda nb: (nb, 0)),
            pl.BlockSpec((NBK, 1), lambda nb: (nb, 0)),
            pl.BlockSpec((T, NBK, LAT), lambda nb: (0, nb, 0)),
            pl.BlockSpec((1, LAT), lambda nb: (0, 0)),
            pl.BlockSpec((1, LAT), lambda nb: (0, 0)),
        ],
        out_specs=[
            pl.BlockSpec((T, NBK, LAT), lambda nb: (0, nb, 0)),
            pl.BlockSpec((NBK, LAT), lambda nb: (nb, 0)),
            pl.BlockSpec((NBK, LAT), lambda nb: (nb, 0)),
        ],
        out_shape=[
            jax.ShapeDtypeStruct((T, N, LAT), jnp.float32),
            jax.ShapeDtypeStruct((N, LAT), jnp.float32),
            jax.ShapeDtypeStruct((N, LAT), jnp.float32),
        ],
    )(S, Mp, dinv, eps, bmu, blv)


KB = 4000
GK = (T * N * LAT) // KB


def _round_bf16(v):
    u = lax.bitcast_convert_type(v, jnp.uint32)
    r = (u + jnp.uint32(0x7FFF) + ((u >> 16) & jnp.uint32(1))) \
        & jnp.uint32(0xFFFF0000)
    return lax.bitcast_convert_type(r, jnp.float32)


def _tc3b_body(z_ref, w_ref, blr_ref, wlin_ref, blin_ref, out_ref, acc_ref):
    k = pl.program_id(0)
    part = jnp.sum(z_ref[...] * w_ref[...], axis=0, keepdims=True)

    @pl.when(k == 0)
    def _():
        acc_ref[...] = part

    @pl.when(k > 0)
    def _():
        acc_ref[...] += part

    @pl.when(k == GK - 1)
    def _():
        s = jax.nn.sigmoid(acc_ref[...] + blr_ref[...])
        out_ref[...] = (jnp.dot(s, wlin_ref[...],
                                preferred_element_type=jnp.float32)
                        + blin_ref[...])


def _tc3b(z2, W_lr, b_lr, W_lin, b_lin):
    return pl.pallas_call(
        _tc3b_body,
        grid=(GK,),
        in_specs=[
            pl.BlockSpec((KB, 1), lambda k: (k, 0)),
            pl.BlockSpec((KB, OUT_FEAT), lambda k: (k, 0)),
            pl.BlockSpec((1, OUT_FEAT), lambda k: (0, 0)),
            pl.BlockSpec((OUT_FEAT, 1), lambda k: (0, 0)),
            pl.BlockSpec((1, 1), lambda k: (0, 0)),
        ],
        out_specs=pl.BlockSpec((1, 1), lambda k: (0, 0)),
        out_shape=jax.ShapeDtypeStruct((1, 1), jnp.float32),
        scratch_shapes=[pltpu.VMEM((1, OUT_FEAT), jnp.float32)],
    )(z2, W_lr, b_lr, W_lin, b_lin)



def kernel(x, edge_index, W1, b1, Wmu, bmu, Wlv, blv, W_lr, b_lr, W_lin, b_lin):
    src = edge_index[0]
    dst = edge_index[1]
    RPT = E // NW
    PPT = NB * BATCH - RPT
    pad_dst = N + (jnp.arange(PPT, dtype=jnp.int32)[None, :]
                   + 8 * jnp.arange(NW, dtype=jnp.int32)[:, None]) % PPT
    srcb = jnp.concatenate(
        [src.reshape(NW, RPT), jnp.zeros((NW, PPT), jnp.int32)],
        axis=1).reshape(NW, NB, BATCH)
    dstb = jnp.concatenate(
        [dst.reshape(NW, RPT), pad_dst], axis=1).reshape(NW, NB, BATCH)

    zeros1 = jnp.zeros((NPAD,), jnp.float32)
    zerosF = jnp.zeros((NPAD, FB), jnp.float32)

    eps = jnp.stack([
        jax.random.normal(jax.random.fold_in(jax.random.key(42), t),
                          (N, LAT), dtype=jnp.float32)
        for t in range(T)
    ])

    Wc = jnp.concatenate([Wmu, Wlv], axis=1)
    degS = _make_deg_kernel()(dstb, zeros1)
    V, dinv = _tc1(x, degS.reshape(NC, NPAD, 1), W1, Wc)
    SA = _make_prop_kernel(FB, 8)(V, srcb, dstb, zerosF)
    V2 = _tc2(SA, V, dinv, b1.reshape(1, HID), Wc)
    SB = _make_prop_kernel(FB, 8)(V2, srcb, dstb, zerosF)
    z, mu_mean, lv_mean = _tc3a(SB, V2, dinv, eps,
                                bmu.reshape(1, LAT), blv.reshape(1, LAT))
    z2 = z.reshape(T * N * LAT, 1)
    out = _tc3b(z2, W_lr, b_lr.reshape(1, OUT_FEAT), W_lin,
                b_lin.reshape(1, 1))
    return out, mu_mean, lv_mean

# --- scband reference (transcript-rebuilt; emitter-appended) ---
"""Pipeline reference for scband-vae-lr-45397804318996 (READ-ONLY COPY).

The authoritative reference and input builder live on the scoring server;
editing this copy changes nothing except your own understanding.
"""

import jax, jax.numpy as jnp
import numpy as np

N_NODES = 10000
N_EDGES = 320000
PRE_LEN = 5
IN_FEAT = 128
G_HIDDEN = 16
G_LATENT = 4
OUT_FEAT = 64
LR_INFEAT = G_LATENT * N_NODES * PRE_LEN


def gcn_conv(x, W, b, src, dst, n_nodes):
    # GCN layer: D^{-1/2} (A + I) D^{-1/2} X W + b, via gather + segment_sum (scatter-add)
    sl = jnp.arange(n_nodes, dtype=src.dtype)
    s = jnp.concatenate([src, sl])
    d = jnp.concatenate([dst, sl])
    deg = jax.ops.segment_sum(jnp.ones(s.shape[0], dtype=x.dtype), d, num_segments=n_nodes)
    dinv = jax.lax.rsqrt(jnp.maximum(deg, 1.0))
    norm = dinv[s] * dinv[d]
    h = x @ W
    msg = h[s] * norm[:, None]
    out = jax.ops.segment_sum(msg, d, num_segments=n_nodes)
    return out + b


def setup_inputs(seed: int = 0) -> dict:
    key = jax.random.key(seed)
    ks = jax.random.split(key, 12)
    x = jax.random.normal(ks[0], (PRE_LEN, N_NODES, IN_FEAT), dtype=jnp.float32)
    edge_index = jax.random.randint(ks[1], (2, N_EDGES), 0, N_NODES, dtype=jnp.int32)
    W1 = 0.1 * jax.random.normal(ks[2], (IN_FEAT, G_HIDDEN), dtype=jnp.float32)
    b1 = jnp.zeros((G_HIDDEN,), dtype=jnp.float32)
    Wmu = 0.1 * jax.random.normal(ks[3], (G_HIDDEN, G_LATENT), dtype=jnp.float32)
    bmu = jnp.zeros((G_LATENT,), dtype=jnp.float32)
    Wlv = 0.1 * jax.random.normal(ks[4], (G_HIDDEN, G_LATENT), dtype=jnp.float32)
    blv = jnp.zeros((G_LATENT,), dtype=jnp.float32)
    W_lr = 0.01 * jax.random.normal(ks[5], (LR_INFEAT, OUT_FEAT), dtype=jnp.float32)
    b_lr = jnp.zeros((OUT_FEAT,), dtype=jnp.float32)
    W_lin = 0.1 * jax.random.normal(ks[6], (OUT_FEAT, 1), dtype=jnp.float32)
    b_lin = jnp.zeros((1,), dtype=jnp.float32)
    return {"x": x, "edge_index": edge_index, "W1": W1, "b1": b1, "Wmu": Wmu, "bmu": bmu,
            "Wlv": Wlv, "blv": blv, "W_lr": W_lr, "b_lr": b_lr, "W_lin": W_lin, "b_lin": b_lin}


def reference(x, edge_index, W1, b1, Wmu, bmu, Wlv, blv, W_lr, b_lr, W_lin, b_lin):
    src = edge_index[0]
    dst = edge_index[1]
    zs, mus, lvs = [], [], []
    for t in range(PRE_LEN):
        h = gcn_conv(x[t], W1, b1, src, dst, N_NODES)
        mu = gcn_conv(h, Wmu, bmu, src, dst, N_NODES)
        lv = gcn_conv(h, Wlv, blv, src, dst, N_NODES)
        # reparameterization: z = mu + eps * std, eps from fixed key (deterministic)
        eps = jax.random.normal(jax.random.fold_in(jax.random.key(42), t), mu.shape, dtype=mu.dtype)
        z = mu + eps * jnp.exp(0.5 * lv)
        zs.append(z)
        mus.append(mu)
        lvs.append(lv)
    # stack (z, mu, logvar) along channel dim -> [T, N, 3, L]
    G = jnp.stack([jnp.stack([zs[t], mus[t], lvs[t]], axis=1) for t in range(PRE_LEN)], axis=0)
    mu_mean = G[:, :, 1].mean(0)
    lv_mean = G[:, :, 2].mean(0)
    out = G[:, :, 0].reshape(-1, LR_INFEAT)
    out = jax.nn.sigmoid(out @ W_lr + b_lr)  # LR regressor
    out = out @ W_lin + b_lin                # final linear
    return out, mu_mean, lv_mean

if __name__ == "__main__":
    import jax
    _d = setup_inputs()
    print(jax.jit(kernel)(*tuple(_d.values())))

</pallas_src>

<mosaic_0001>
#map = affine_map<(d0, d1) -> (0, 0)>
#map1 = affine_map<(d0, d1) -> (0, 0, 0)>
module attributes {stable_mosaic.version = 14 : i64} {
  func.func @prop_kernel(%arg0: i32, %arg1: i32, %arg2: memref<10000x40xf32, #tpu.memory_space<hbm>>, %arg3: memref<32x80x128xi32, #tpu.memory_space<hbm>>, %arg4: memref<32x80x128xi32, #tpu.memory_space<hbm>>, %arg5: memref<10240x40xf32, #tpu.memory_space<hbm>>, %arg6: memref<2x10240x40xf32, #tpu.memory_space<hbm>>, %arg7: memref<80x128xi32, #tpu.memory_space<vmem>>, %arg8: memref<80x128xi32, #tpu.memory_space<vmem>>, %arg9: memref<128x40xf32, #tpu.memory_space<vmem>>, %arg10: memref<128x40xf32, #tpu.memory_space<vmem>>, %arg11: memref<128x40xf32, #tpu.memory_space<vmem>>, %arg12: memref<128x40xf32, #tpu.memory_space<vmem>>, %arg13: memref<128x40xf32, #tpu.memory_space<vmem>>, %arg14: memref<128x40xf32, #tpu.memory_space<vmem>>, %arg15: memref<128x40xf32, #tpu.memory_space<vmem>>, %arg16: memref<128x40xf32, #tpu.memory_space<vmem>>, %arg17: memref<10240x40xf32, #tpu.memory_space<vmem_shared>>, %arg18: memref<!tpu.dma_semaphore, #tpu.memory_space<semaphore_mem>>, %arg19: memref<!tpu.dma_semaphore, #tpu.memory_space<semaphore_mem>>, %arg20: memref<!tpu.dma_semaphore, #tpu.memory_space<semaphore_mem>>, %arg21: memref<!tpu.dma_semaphore, #tpu.memory_space<semaphore_mem>>, %arg22: memref<!tpu.dma_semaphore, #tpu.memory_space<semaphore_mem>>, %arg23: memref<!tpu.dma_semaphore, #tpu.memory_space<semaphore_mem>>, %arg24: memref<!tpu.dma_semaphore, #tpu.memory_space<semaphore_mem>>, %arg25: memref<!tpu.dma_semaphore, #tpu.memory_space<semaphore_mem>>, %arg26: memref<!tpu.dma_semaphore, #tpu.memory_space<semaphore_mem>>, %arg27: memref<!tpu.dma_semaphore, #tpu.memory_space<semaphore_mem>>, %arg28: memref<!tpu.dma_semaphore, #tpu.memory_space<semaphore_mem>>, %arg29: memref<!tpu.dma_semaphore, #tpu.memory_space<semaphore_mem>>, %arg30: memref<!tpu.dma_semaphore, #tpu.memory_space<semaphore_mem>>, %arg31: memref<!tpu.dma_semaphore, #tpu.memory_space<semaphore_mem>>, %arg32: memref<!tpu.dma_semaphore, #tpu.memory_space<semaphore_mem>>, %arg33: memref<!tpu.dma_semaphore, #tpu.memory_space<semaphore_mem>>) attributes {dimension_semantics = [#tpu.dimension_semantics<core_parallel>, #tpu.dimension_semantics<subcore_parallel>], iteration_bounds = array<i64: 2, 16>, scalar_prefetch = 0 : i64, scratch_operands = 27 : i64, tpu.core_type = #tpu.core_type<sc_vector_subcore>, window_params = [{transform_indices = #map}, {transform_indices = #map1}, {transform_indices = #map1}, {transform_indices = #map}, {transform_indices = #map1}]} {
    %mul3A = arith.constant 16 : i32
    %mul3A_0 = arith.muli %arg0, %mul3A : i32
    %add3A = arith.addi %mul3A_0, %arg1 : i32
    "tpu.region"() ({
      %run_scoped3A = tpu.sem_alloc : memref<!tpu.dma_semaphore, #tpu.memory_space<semaphore_mem>>
      %dma_start3A_69 = arith.constant 0 : i32
      %dma_start3A_70 = arith.constant 0 : i32
      %dma_start3A_71 = tpu.memref_slice %arg3[%add3A, %dma_start3A_69, %dma_start3A_70] : memref<32x80x128xi32, #tpu.memory_space<hbm>> -> memref<1x80x128xi32, #tpu.memory_space<hbm>>
      %dma_start3A_72 = tpu.memref_squeeze %dma_start3A_71 : memref<1x80x128xi32, #tpu.memory_space<hbm>> -> memref<80x128xi32, #tpu.memory_space<hbm>>
      %dma_start3A_73 = arith.constant 0 : i32
      %dma_start3A_74 = arith.constant 0 : i32
      %dma_start3A_75 = tpu.memref_slice %arg3[%add3A, %dma_start3A_73, %dma_start3A_74] : memref<32x80x128xi32, #tpu.memory_space<hbm>> -> memref<1x80x128xi32, #tpu.memory_space<hbm>>
      %dma_start3A_76 = tpu.memref_squeeze %dma_start3A_75 : memref<1x80x128xi32, #tpu.memory_space<hbm>> -> memref<80x128xi32, #tpu.memory_space<hbm>>
      tpu.enqueue_dma source(%dma_start3A_76 : memref<80x128xi32, #tpu.memory_space<hbm>>) target(%arg7 : memref<80x128xi32, #tpu.memory_space<vmem>>) target_semaphore(%run_scoped3A : memref<!tpu.dma_semaphore, #tpu.memory_space<semaphore_mem>>)
      %dma_wait3A = arith.constant 0 : i32
      %dma_wait3A_77 = arith.constant 0 : i32
      %dma_wait3A_78 = tpu.memref_slice %arg3[%add3A, %dma_wait3A, %dma_wait3A_77] : memref<32x80x128xi32, #tpu.memory_space<hbm>> -> memref<1x80x128xi32, #tpu.memory_space<hbm>>
      %dma_wait3A_79 = tpu.memref_squeeze %dma_wait3A_78 : memref<1x80x128xi32, #tpu.memory_space<hbm>> -> memref<80x128xi32, #tpu.memory_space<hbm>>
      %dma_wait3A_80 = arith.constant 0 : i32
      %dma_wait3A_81 = arith.constant 0 : i32
      %dma_wait3A_82 = tpu.memref_slice %arg3[%add3A, %dma_wait3A_80, %dma_wait3A_81] : memref<32x80x128xi32, #tpu.memory_space<hbm>> -> memref<1x80x128xi32, #tpu.memory_space<hbm>>
      %dma_wait3A_83 = tpu.memref_squeeze %dma_wait3A_82 : memref<1x80x128xi32, #tpu.memory_space<hbm>> -> memref<80x128xi32, #tpu.memory_space<hbm>>
      tpu.wait_dma2 semaphore(%run_scoped3A : memref<!tpu.dma_semaphore, #tpu.memory_space<semaphore_mem>>) src(%dma_wait3A_83 : memref<80x128xi32, #tpu.memory_space<hbm>>) dst(%arg7 : memref<80x128xi32, #tpu.memory_space<vmem>>)
      tpu.yield
    }) : () -> ()
    "tpu.region"() ({
      %run_scoped3A = tpu.sem_alloc : memref<!tpu.dma_semaphore, #tpu.memory_space<semaphore_mem>>
      %dma_start3A_69 = arith.constant 0 : i32
      %dma_start3A_70 = arith.constant 0 : i32
      %dma_start3A_71 = tpu.memref_slice %arg4[%add3A, %dma_start3A_69, %dma_start3A_70] : memref<32x80x128xi32, #tpu.memory_space<hbm>> -> memref<1x80x128xi32, #tpu.memory_space<hbm>>
      %dma_start3A_72 = tpu.memref_squeeze %dma_start3A_71 : memref<1x80x128xi32, #tpu.memory_space<hbm>> -> memref<80x128xi32, #tpu.memory_space<hbm>>
      %dma_start3A_73 = arith.constant 0 : i32
      %dma_start3A_74 = arith.constant 0 : i32
      %dma_start3A_75 = tpu.memref_slice %arg4[%add3A, %dma_start3A_73, %dma_start3A_74] : memref<32x80x128xi32, #tpu.memory_space<hbm>> -> memref<1x80x128xi32, #tpu.memory_space<hbm>>
      %dma_start3A_76 = tpu.memref_squeeze %dma_start3A_75 : memref<1x80x128xi32, #tpu.memory_space<hbm>> -> memref<80x128xi32, #tpu.memory_space<hbm>>
      tpu.enqueue_dma source(%dma_start3A_76 : memref<80x128xi32, #tpu.memory_space<hbm>>) target(%arg8 : memref<80x128xi32, #tpu.memory_space<vmem>>) target_semaphore(%run_scoped3A : memref<!tpu.dma_semaphore, #tpu.memory_space<semaphore_mem>>)
      %dma_wait3A = arith.constant 0 : i32
      %dma_wait3A_77 = arith.constant 0 : i32
      %dma_wait3A_78 = tpu.memref_slice %arg4[%add3A, %dma_wait3A, %dma_wait3A_77] : memref<32x80x128xi32, #tpu.memory_space<hbm>> -> memref<1x80x128xi32, #tpu.memory_space<hbm>>
      %dma_wait3A_79 = tpu.memref_squeeze %dma_wait3A_78 : memref<1x80x128xi32, #tpu.memory_space<hbm>> -> memref<80x128xi32, #tpu.memory_space<hbm>>
      %dma_wait3A_80 = arith.constant 0 : i32
      %dma_wait3A_81 = arith.constant 0 : i32
      %dma_wait3A_82 = tpu.memref_slice %arg4[%add3A, %dma_wait3A_80, %dma_wait3A_81] : memref<32x80x128xi32, #tpu.memory_space<hbm>> -> memref<1x80x128xi32, #tpu.memory_space<hbm>>
      %dma_wait3A_83 = tpu.memref_squeeze %dma_wait3A_82 : memref<1x80x128xi32, #tpu.memory_space<hbm>> -> memref<80x128xi32, #tpu.memory_space<hbm>>
      tpu.wait_dma2 semaphore(%run_scoped3A : memref<!tpu.dma_semaphore, #tpu.memory_space<semaphore_mem>>) src(%dma_wait3A_83 : memref<80x128xi32, #tpu.memory_space<hbm>>) dst(%arg8 : memref<80x128xi32, #tpu.memory_space<vmem>>)
      tpu.yield
    }) : () -> ()
    %mul3A_1 = arith.constant 640 : i32
    %mul3A_2 = arith.muli %arg1, %mul3A_1 : i32
    %mul3A_3 = arith.constant 640 : i32
    %mul3A_4 = arith.muli %arg1, %mul3A_3 : i32
    "tpu.region"() ({
      %run_scoped3A = tpu.sem_alloc : memref<!tpu.dma_semaphore, #tpu.memory_space<semaphore_mem>>
      %dma_start3A_69 = arith.constant 0 : i32
      %dma_start3A_70 = tpu.memref_slice %arg17[%mul3A_4, %dma_start3A_69] : memref<10240x40xf32, #tpu.memory_space<vmem_shared>> -> memref<640x40xf32, #tpu.memory_space<vmem_shared>>
      %dma_start3A_71 = arith.constant 0 : i32
      %dma_start3A_72 = tpu.memref_slice %arg5[%mul3A_2, %dma_start3A_71] : memref<10240x40xf32, #tpu.memory_space<hbm>> -> memref<640x40xf32, #tpu.memory_space<hbm>>
      tpu.enqueue_dma source(%dma_start3A_72 : memref<640x40xf32, #tpu.memory_space<hbm>>) target(%dma_start3A_70 : memref<640x40xf32, #tpu.memory_space<vmem_shared>>) target_semaphore(%run_scoped3A : memref<!tpu.dma_semaphore, #tpu.memory_space<semaphore_mem>>)
      %dma_wait3A = arith.constant 0 : i32
      %dma_wait3A_73 = tpu.memref_slice %arg17[%mul3A_4, %dma_wait3A] : memref<10240x40xf32, #tpu.memory_space<vmem_shared>> -> memref<640x40xf32, #tpu.memory_space<vmem_shared>>
      %dma_wait3A_74 = arith.constant 0 : i32
      %dma_wait3A_75 = tpu.memref_slice %arg5[%mul3A_2, %dma_wait3A_74] : memref<10240x40xf32, #tpu.memory_space<hbm>> -> memref<640x40xf32, #tpu.memory_space<hbm>>
      tpu.wait_dma2 semaphore(%run_scoped3A : memref<!tpu.dma_semaphore, #tpu.memory_space<semaphore_mem>>) src(%dma_wait3A_75 : memref<640x40xf32, #tpu.memory_space<hbm>>) dst(%dma_wait3A_73 : memref<640x40xf32, #tpu.memory_space<vmem_shared>>)
      tpu.yield
    }) : () -> ()
    %barrier3A = arith.constant 0 : index
    tpu.barrier barrier_id(%barrier3A)
    %dma_start3A = arith.constant 0 : i32
    %dma_start3A_5 = arith.constant 0 : i32
    %dma_start3A_6 = tpu.memref_slice %arg7[%dma_start3A, %dma_start3A_5] : memref<80x128xi32, #tpu.memory_space<vmem>> -> memref<1x128xi32, #tpu.memory_space<vmem>>
    %dma_start3A_7 = tpu.memref_squeeze %dma_start3A_6 : memref<1x128xi32, #tpu.memory_space<vmem>> -> memref<128xi32, #tpu.memory_space<vmem>>
    %dma_start3A_8 = arith.constant 0 : i32
    %dma_start3A_9 = arith.constant 0 : i32
    %dma_start3A_10 = tpu.memref_slice %arg2[%dma_start3A_8, %dma_start3A_9] : memref<10000x40xf32, #tpu.memory_space<hbm>> -> memref<10000x40xf32, #tpu.memory_space<hbm>>
    tpu.enqueue_indirect_dma source(%dma_start3A_10 : memref<10000x40xf32, #tpu.memory_space<hbm>>) target(%arg9 : memref<128x40xf32, #tpu.memory_space<vmem>>) offsets(%dma_start3A_7 : memref<128xi32, #tpu.memory_space<vmem>>) semaphore(%arg18 : memref<!tpu.dma_semaphore, #tpu.memory_space<semaphore_mem>>)
    %dma_start3A_11 = arith.constant 1 : i32
    %dma_start3A_12 = arith.constant 0 : i32
    %dma_start3A_13 = tpu.memref_slice %arg7[%dma_start3A_11, %dma_start3A_12] : memref<80x128xi32, #tpu.memory_space<vmem>> -> memref<1x128xi32, #tpu.memory_space<vmem>>
    %dma_start3A_14 = tpu.memref_squeeze %dma_start3A_13 : memref<1x128xi32, #tpu.memory_space<vmem>> -> memref<128xi32, #tpu.memory_space<vmem>>
    %dma_start3A_15 = arith.constant 0 : i32
    %dma_start3A_16 = arith.constant 0 : i32
    %dma_start3A_17 = tpu.memref_slice %arg2[%dma_start3A_15, %dma_start3A_16] : memref<10000x40xf32, #tpu.memory_space<hbm>> -> memref<10000x40xf32, #tpu.memory_space<hbm>>
    tpu.enqueue_indirect_dma source(%dma_start3A_17 : memref<10000x40xf32, #tpu.memory_space<hbm>>) target(%arg10 : memref<128x40xf32, #tpu.memory_space<vmem>>) offsets(%dma_start3A_14 : memref<128xi32, #tpu.memory_space<vmem>>) semaphore(%arg19 : memref<!tpu.dma_semaphore, #tpu.memory_space<semaphore_mem>>)
    %dma_start3A_18 = arith.constant 2 : i32
    %dma_start3A_19 = arith.constant 0 : i32
    %dma_start3A_20 = tpu.memref_slice %arg7[%dma_start3A_18, %dma_start3A_19] : memref<80x128xi32, #tpu.memory_space<vmem>> -> memref<1x128xi32, #tpu.memory_space<vmem>>
    %dma_start3A_21 = tpu.memref_squeeze %dma_start3A_20 : memref<1x128xi32, #tpu.memory_space<vmem>> -> memref<128xi32, #tpu.memory_space<vmem>>
    %dma_start3A_22 = arith.constant 0 : i32
    %dma_start3A_23 = arith.constant 0 : i32
    %dma_start3A_24 = tpu.memref_slice %arg2[%dma_start3A_22, %dma_start3A_23] : memref<10000x40xf32, #tpu.memory_space<hbm>> -> memref<10000x40xf32, #tpu.memory_space<hbm>>
    tpu.enqueue_indirect_dma source(%dma_start3A_24 : memref<10000x40xf32, #tpu.memory_space<hbm>>) target(%arg11 : memref<128x40xf32, #tpu.memory_space<vmem>>) offsets(%dma_start3A_21 : memref<128xi32, #tpu.memory_space<vmem>>) semaphore(%arg20 : memref<!tpu.dma_semaphore, #tpu.memory_space<semaphore_mem>>)
    %dma_start3A_25 = arith.constant 3 : i32
    %dma_start3A_26 = arith.constant 0 : i32
    %dma_start3A_27 = tpu.memref_slice %arg7[%dma_start3A_25, %dma_start3A_26] : memref<80x128xi32, #tpu.memory_space<vmem>> -> memref<1x128xi32, #tpu.memory_space<vmem>>
    %dma_start3A_28 = tpu.memref_squeeze %dma_start3A_27 : memref<1x128xi32, #tpu.memory_space<vmem>> -> memref<128xi32, #tpu.memory_space<vmem>>
    %dma_start3A_29 = arith.constant 0 : i32
    %dma_start3A_30 = arith.constant 0 : i32
    %dma_start3A_31 = tpu.memref_slice %arg2[%dma_start3A_29, %dma_start3A_30] : memref<10000x40xf32, #tpu.memory_space<hbm>> -> memref<10000x40xf32, #tpu.memory_space<hbm>>
    tpu.enqueue_indirect_dma source(%dma_start3A_31 : memref<10000x40xf32, #tpu.memory_space<hbm>>) target(%arg12 : memref<128x40xf32, #tpu.memory_space<vmem>>) offsets(%dma_start3A_28 : memref<128xi32, #tpu.memory_space<vmem>>) semaphore(%arg21 : memref<!tpu.dma_semaphore, #tpu.memory_space<semaphore_mem>>)
    %dma_start3A_32 = arith.constant 4 : i32
    %dma_start3A_33 = arith.constant 0 : i32
    %dma_start3A_34 = tpu.memref_slice %arg7[%dma_start3A_32, %dma_start3A_33] : memref<80x128xi32, #tpu.memory_space<vmem>> -> memref<1x128xi32, #tpu.memory_space<vmem>>
    %dma_start3A_35 = tpu.memref_squeeze %dma_start3A_34 : memref<1x128xi32, #tpu.memory_space<vmem>> -> memref<128xi32, #tpu.memory_space<vmem>>
    %dma_start3A_36 = arith.constant 0 : i32
    %dma_start3A_37 = arith.constant 0 : i32
    %dma_start3A_38 = tpu.memref_slice %arg2[%dma_start3A_36, %dma_start3A_37] : memref<10000x40xf32, #tpu.memory_space<hbm>> -> memref<10000x40xf32, #tpu.memory_space<hbm>>
    tpu.enqueue_indirect_dma source(%dma_start3A_38 : memref<10000x40xf32, #tpu.memory_space<hbm>>) target(%arg13 : memref<128x40xf32, #tpu.memory_space<vmem>>) offsets(%dma_start3A_35 : memref<128xi32, #tpu.memory_space<vmem>>) semaphore(%arg22 : memref<!tpu.dma_semaphore, #tpu.memory_space<semaphore_mem>>)
    %dma_start3A_39 = arith.constant 5 : i32
    %dma_start3A_40 = arith.constant 0 : i32
    %dma_start3A_41 = tpu.memref_slice %arg7[%dma_start3A_39, %dma_start3A_40] : memref<80x128xi32, #tpu.memory_space<vmem>> -> memref<1x128xi32, #tpu.memory_space<vmem>>
    %dma_start3A_42 = tpu.memref_squeeze %dma_start3A_41 : memref<1x128xi32, #tpu.memory_space<vmem>> -> memref<128xi32, #tpu.memory_space<vmem>>
    %dma_start3A_43 = arith.constant 0 : i32
    %dma_start3A_44 = arith.constant 0 : i32
    %dma_start3A_45 = tpu.memref_slice %arg2[%dma_start3A_43, %dma_start3A_44] : memref<10000x40xf32, #tpu.memory_space<hbm>> -> memref<10000x40xf32, #tpu.memory_space<hbm>>
    tpu.enqueue_indirect_dma source(%dma_start3A_45 : memref<10000x40xf32, #tpu.memory_space<hbm>>) target(%arg14 : memref<128x40xf32, #tpu.memory_space<vmem>>) offsets(%dma_start3A_42 : memref<128xi32, #tpu.memory_space<vmem>>) semaphore(%arg23 : memref<!tpu.dma_semaphore, #tpu.memory_space<semaphore_mem>>)
    %dma_start3A_46 = arith.constant 6 : i32
    %dma_start3A_47 = arith.constant 0 : i32
    %dma_start3A_48 = tpu.memref_slice %arg7[%dma_start3A_46, %dma_start3A_47] : memref<80x128xi32, #tpu.memory_space<vmem>> -> memref<1x128xi32, #tpu.memory_space<vmem>>
    %dma_start3A_49 = tpu.memref_squeeze %dma_start3A_48 : memref<1x128xi32, #tpu.memory_space<vmem>> -> memref<128xi32, #tpu.memory_space<vmem>>
    %dma_start3A_50 = arith.constant 0 : i32
    %dma_start3A_51 = arith.constant 0 : i32
    %dma_start3A_52 = tpu.memref_slice %arg2[%dma_start3A_50, %dma_start3A_51] : memref<10000x40xf32, #tpu.memory_space<hbm>> -> memref<10000x40xf32, #tpu.memory_space<hbm>>
    tpu.enqueue_indirect_dma source(%dma_start3A_52 : memref<10000x40xf32, #tpu.memory_space<hbm>>) target(%arg15 : memref<128x40xf32, #tpu.memory_space<vmem>>) offsets(%dma_start3A_49 : memref<128xi32, #tpu.memory_space<vmem>>) semaphore(%arg24 : memref<!tpu.dma_semaphore, #tpu.memory_space<semaphore_mem>>)
    %dma_start3A_53 = arith.constant 7 : i32
    %dma_start3A_54 = arith.constant 0 : i32
    %dma_start3A_55 = tpu.memref_slice %arg7[%dma_start3A_53, %dma_start3A_54] : memref<80x128xi32, #tpu.memory_space<vmem>> -> memref<1x128xi32, #tpu.memory_space<vmem>>
    %dma_start3A_56 = tpu.memref_squeeze %dma_start3A_55 : memref<1x128xi32, #tpu.memory_space<vmem>> -> memref<128xi32, #tpu.memory_space<vmem>>
    %dma_start3A_57 = arith.constant 0 : i32
    %dma_start3A_58 = arith.constant 0 : i32
    %dma_start3A_59 = tpu.memref_slice %arg2[%dma_start3A_57, %dma_start3A_58] : memref<10000x40xf32, #tpu.memory_space<hbm>> -> memref<10000x40xf32, #tpu.memory_space<hbm>>
    tpu.enqueue_indirect_dma source(%dma_start3A_59 : memref<10000x40xf32, #tpu.memory_space<hbm>>) target(%arg16 : memref<128x40xf32, #tpu.memory_space<vmem>>) offsets(%dma_start3A_56 : memref<128xi32, #tpu.memory_space<vmem>>) semaphore(%arg25 : memref<!tpu.dma_semaphore, #tpu.memory_space<semaphore_mem>>)
    %scan3A = arith.constant 0 : i32
    %scan3A_60 = arith.constant 10 : i32
    %scan3A_61 = arith.addi %scan3A, %scan3A_60 : i32
    %scan3A_62 = arith.constant 1 : i32
    scf.for %scan3A_69 = %scan3A to %scan3A_61 step %scan3A_62  : i32 {
      %mul3A_70 = arith.constant 8 : i32
      %mul3A_71 = arith.muli %mul3A_70, %scan3A_69 : i32
      %add3A_72 = arith.constant 0 : i32
      %add3A_73 = arith.addi %mul3A_71, %add3A_72 : i32
      %dma_wait3A = arith.constant 0 : i32
      %dma_wait3A_74 = tpu.memref_slice %arg7[%add3A_73, %dma_wait3A] : memref<80x128xi32, #tpu.memory_space<vmem>> -> memref<1x128xi32, #tpu.memory_space<vmem>>
      %dma_wait3A_75 = tpu.memref_squeeze %dma_wait3A_74 : memref<1x128xi32, #tpu.memory_space<vmem>> -> memref<128xi32, #tpu.memory_space<vmem>>
      %dma_wait3A_76 = arith.constant 0 : i32
      %dma_wait3A_77 = arith.constant 0 : i32
      %dma_wait3A_78 = tpu.memref_slice %arg2[%dma_wait3A_76, %dma_wait3A_77] : memref<10000x40xf32, #tpu.memory_space<hbm>> -> memref<10000x40xf32, #tpu.memory_space<hbm>>
      tpu.wait_indirect_dma semaphore(%arg18 : memref<!tpu.dma_semaphore, #tpu.memory_space<semaphore_mem>>) src(%dma_wait3A_78 : memref<10000x40xf32, #tpu.memory_space<hbm>>) dst(%arg9 : memref<128x40xf32, #tpu.memory_space<vmem>>)
      "tpu.region"() ({
        %run_scoped3A = tpu.sem_alloc : memref<!tpu.dma_semaphore, #tpu.memory_space<semaphore_mem>>
        %dma_start3A_188 = arith.constant 0 : i32
        %dma_start3A_189 = tpu.memref_slice %arg8[%add3A_73, %dma_start3A_188] : memref<80x128xi32, #tpu.memory_space<vmem>> -> memref<1x128xi32, #tpu.memory_space<vmem>>
        %dma_start3A_190 = tpu.memref_squeeze %dma_start3A_189 : memref<1x128xi32, #tpu.memory_space<vmem>> -> memref<128xi32, #tpu.memory_space<vmem>>
        %dma_start3A_191 = arith.constant 0 : i32
        %dma_start3A_192 = arith.constant 0 : i32
        %dma_start3A_193 = tpu.memref_slice %arg17[%dma_start3A_191, %dma_start3A_192] : memref<10240x40xf32, #tpu.memory_space<vmem_shared>> -> memref<10240x40xf32, #tpu.memory_space<vmem_shared>>
        tpu.enqueue_indirect_dma source(%arg9 : memref<128x40xf32, #tpu.memory_space<vmem>>) target(%dma_start3A_193 : memref<10240x40xf32, #tpu.memory_space<vmem_shared>>) offsets(%dma_start3A_190 : memref<128xi32, #tpu.memory_space<vmem>>) semaphore(%run_scoped3A : memref<!tpu.dma_semaphore, #tpu.memory_space<semaphore_mem>>) {add = true}
        %dma_wait3A_194 = arith.constant 0 : i32
        %dma_wait3A_195 = tpu.memref_slice %arg8[%add3A_73, %dma_wait3A_194] : memref<80x128xi32, #tpu.memory_space<vmem>> -> memref<1x128xi32, #tpu.memory_space<vmem>>
        %dma_wait3A_196 = tpu.memref_squeeze %dma_wait3A_195 : memref<1x128xi32, #tpu.memory_space<vmem>> -> memref<128xi32, #tpu.memory_space<vmem>>
        %dma_wait3A_197 = arith.constant 0 : i32
        %dma_wait3A_198 = arith.constant 0 : i32
        %dma_wait3A_199 = tpu.memref_slice %arg17[%dma_wait3A_197, %dma_wait3A_198] : memref<10240x40xf32, #tpu.memory_space<vmem_shared>> -> memref<10240x40xf32, #tpu.memory_space<vmem_shared>>
        tpu.wait_indirect_dma semaphore(%run_scoped3A : memref<!tpu.dma_semaphore, #tpu.memory_space<semaphore_mem>>) src(%arg9 : memref<128x40xf32, #tpu.memory_space<vmem>>) dst(%dma_wait3A_199 : memref<10240x40xf32, #tpu.memory_space<vmem_shared>>)
        tpu.yield
      }) : () -> ()
      %add3A_79 = arith.constant 1 : i32
      %add3A_80 = arith.addi %scan3A_69, %add3A_79 : i32
      %lt3A = arith.constant 10 : i32
      %lt3A_81 = arith.cmpi slt, %add3A_80, %lt3A : i32
      %convert_element_type3A = arith.extui %lt3A_81 : i1 to i32
      %cond3A = arith.constant 0 : i32
      %cond3A_82 = arith.cmpi ne, %convert_element_type3A, %cond3A : i32
      scf.if %cond3A_82 {
        %add3A_188 = arith.constant 1 : i32
        %add3A_189 = arith.addi %scan3A_69, %add3A_188 : i32
        %mul3A_190 = arith.constant 8 : i32
        %mul3A_191 = arith.muli %mul3A_190, %add3A_189 : i32
        %add3A_192 = arith.constant 0 : i32
        %add3A_193 = arith.addi %mul3A_191, %add3A_192 : i32
        %dma_start3A_194 = arith.constant 0 : i32
        %dma_start3A_195 = tpu.memref_slice %arg7[%add3A_193, %dma_start3A_194] : memref<80x128xi32, #tpu.memory_space<vmem>> -> memref<1x128xi32, #tpu.memory_space<vmem>>
        %dma_start3A_196 = tpu.memref_squeeze %dma_start3A_195 : memref<1x128xi32, #tpu.memory_space<vmem>> -> memref<128xi32, #tpu.memory_space<vmem>>
        %dma_start3A_197 = arith.constant 0 : i32
        %dma_start3A_198 = arith.constant 0 : i32
        %dma_start3A_199 = tpu.memref_slice %arg2[%dma_start3A_197, %dma_start3A_198] : memref<10000x40xf32, #tpu.memory_space<hbm>> -> memref<10000x40xf32, #tpu.memory_space<hbm>>
        tpu.enqueue_indirect_dma source(%dma_start3A_199 : memref<10000x40xf32, #tpu.memory_space<hbm>>) target(%arg9 : memref<128x40xf32, #tpu.memory_space<vmem>>) offsets(%dma_start3A_196 : memref<128xi32, #tpu.memory_space<vmem>>) semaphore(%arg18 : memref<!tpu.dma_semaphore, #tpu.memory_space<semaphore_mem>>)
      } else {
      }
      %add3A_83 = arith.constant 1 : i32
      %add3A_84 = arith.addi %mul3A_71, %add3A_83 : i32
      %dma_wait3A_85 = arith.constant 0 : i32
      %dma_wait3A_86 = tpu.memref_slice %arg7[%add3A_84, %dma_wait3A_85] : memref<80x128xi32, #tpu.memory_space<vmem>> -> memref<1x128xi32, #tpu.memory_space<vmem>>
      %dma_wait3A_87 = tpu.memref_squeeze %dma_wait3A_86 : memref<1x128xi32, #tpu.memory_space<vmem>> -> memref<128xi32, #tpu.memory_space<vmem>>
      %dma_wait3A_88 = arith.constant 0 : i32
      %dma_wait3A_89 = arith.constant 0 : i32
      %dma_wait3A_90 = tpu.memref_slice %arg2[%dma_wait3A_88, %dma_wait3A_89] : memref<10000x40xf32, #tpu.memory_space<hbm>> -> memref<10000x40xf32, #tpu.memory_space<hbm>>
      tpu.wait_indirect_dma semaphore(%arg19 : memref<!tpu.dma_semaphore, #tpu.memory_space<semaphore_mem>>) src(%dma_wait3A_90 : memref<10000x40xf32, #tpu.memory_space<hbm>>) dst(%arg10 : memref<128x40xf32, #tpu.memory_space<vmem>>)
      "tpu.region"() ({
        %run_scoped3A = tpu.sem_alloc : memref<!tpu.dma_semaphore, #tpu.memory_space<semaphore_mem>>
        %dma_start3A_188 = arith.constant 0 : i32
        %dma_start3A_189 = tpu.memref_slice %arg8[%add3A_84, %dma_start3A_188] : memref<80x128xi32, #tpu.memory_space<vmem>> -> memref<1x128xi32, #tpu.memory_space<vmem>>
        %dma_start3A_190 = tpu.memref_squeeze %dma_start3A_189 : memref<1x128xi32, #tpu.memory_space<vmem>> -> memref<128xi32, #tpu.memory_space<vmem>>
        %dma_start3A_191 = arith.constant 0 : i32
        %dma_start3A_192 = arith.constant 0 : i32
        %dma_start3A_193 = tpu.memref_slice %arg17[%dma_start3A_191, %dma_start3A_192] : memref<10240x40xf32, #tpu.memory_space<vmem_shared>> -> memref<10240x40xf32, #tpu.memory_space<vmem_shared>>
        tpu.enqueue_indirect_dma source(%arg10 : memref<128x40xf32, #tpu.memory_space<vmem>>) target(%dma_start3A_193 : memref<10240x40xf32, #tpu.memory_space<vmem_shared>>) offsets(%dma_start3A_190 : memref<128xi32, #tpu.memory_space<vmem>>) semaphore(%run_scoped3A : memref<!tpu.dma_semaphore, #tpu.memory_space<semaphore_mem>>) {add = true}
        %dma_wait3A_194 = arith.constant 0 : i32
        %dma_wait3A_195 = tpu.memref_slice %arg8[%add3A_84, %dma_wait3A_194] : memref<80x128xi32, #tpu.memory_space<vmem>> -> memref<1x128xi32, #tpu.memory_space<vmem>>
        %dma_wait3A_196 = tpu.memref_squeeze %dma_wait3A_195 : memref<1x128xi32, #tpu.memory_space<vmem>> -> memref<128xi32, #tpu.memory_space<vmem>>
        %dma_wait3A_197 = arith.constant 0 : i32
        %dma_wait3A_198 = arith.constant 0 : i32
        %dma_wait3A_199 = tpu.memref_slice %arg17[%dma_wait3A_197, %dma_wait3A_198] : memref<10240x40xf32, #tpu.memory_space<vmem_shared>> -> memref<10240x40xf32, #tpu.memory_space<vmem_shared>>
        tpu.wait_indirect_dma semaphore(%run_scoped3A : memref<!tpu.dma_semaphore, #tpu.memory_space<semaphore_mem>>) src(%arg10 : memref<128x40xf32, #tpu.memory_space<vmem>>) dst(%dma_wait3A_199 : memref<10240x40xf32, #tpu.memory_space<vmem_shared>>)
        tpu.yield
      }) : () -> ()
      %add3A_91 = arith.constant 1 : i32
      %add3A_92 = arith.addi %scan3A_69, %add3A_91 : i32
      %lt3A_93 = arith.constant 10 : i32
      %lt3A_94 = arith.cmpi slt, %add3A_92, %lt3A_93 : i32
      %convert_element_type3A_95 = arith.extui %lt3A_94 : i1 to i32
      %cond3A_96 = arith.constant 0 : i32
      %cond3A_97 = arith.cmpi ne, %convert_element_type3A_95, %cond3A_96 : i32
      scf.if %cond3A_97 {
        %add3A_188 = arith.constant 1 : i32
        %add3A_189 = arith.addi %scan3A_69, %add3A_188 : i32
        %mul3A_190 = arith.constant 8 : i32
        %mul3A_191 = arith.muli %mul3A_190, %add3A_189 : i32
        %add3A_192 = arith.constant 1 : i32
        %add3A_193 = arith.addi %mul3A_191, %add3A_192 : i32
        %dma_start3A_194 = arith.constant 0 : i32
        %dma_start3A_195 = tpu.memref_slice %arg7[%add3A_193, %dma_start3A_194] : memref<80x128xi32, #tpu.memory_space<vmem>> -> memref<1x128xi32, #tpu.memory_space<vmem>>
        %dma_start3A_196 = tpu.memref_squeeze %dma_start3A_195 : memref<1x128xi32, #tpu.memory_space<vmem>> -> memref<128xi32, #tpu.memory_space<vmem>>
        %dma_start3A_197 = arith.constant 0 : i32
        %dma_start3A_198 = arith.constant 0 : i32
        %dma_start3A_199 = tpu.memref_slice %arg2[%dma_start3A_197, %dma_start3A_198] : memref<10000x40xf32, #tpu.memory_space<hbm>> -> memref<10000x40xf32, #tpu.memory_space<hbm>>
        tpu.enqueue_indirect_dma source(%dma_start3A_199 : memref<10000x40xf32, #tpu.memory_space<hbm>>) target(%arg10 : memref<128x40xf32, #tpu.memory_space<vmem>>) offsets(%dma_start3A_196 : memref<128xi32, #tpu.memory_space<vmem>>) semaphore(%arg19 : memref<!tpu.dma_semaphore, #tpu.memory_space<semaphore_mem>>)
      } else {
      }
      %add3A_98 = arith.constant 2 : i32
      %add3A_99 = arith.addi %mul3A_71, %add3A_98 : i32
      %dma_wait3A_100 = arith.constant 0 : i32
      %dma_wait3A_101 = tpu.memref_slice %arg7[%add3A_99, %dma_wait3A_100] : memref<80x128xi32, #tpu.memory_space<vmem>> -> memref<1x128xi32, #tpu.memory_space<vmem>>
      %dma_wait3A_102 = tpu.memref_squeeze %dma_wait3A_101 : memref<1x128xi32, #tpu.memory_space<vmem>> -> memref<128xi32, #tpu.memory_space<vmem>>
      %dma_wait3A_103 = arith.constant 0 : i32
      %dma_wait3A_104 = arith.constant 0 : i32
      %dma_wait3A_105 = tpu.memref_slice %arg2[%dma_wait3A_103, %dma_wait3A_104] : memref<10000x40xf32, #tpu.memory_space<hbm>> -> memref<10000x40xf32, #tpu.memory_space<hbm>>
      tpu.wait_indirect_dma semaphore(%arg20 : memref<!tpu.dma_semaphore, #tpu.memory_space<semaphore_mem>>) src(%dma_wait3A_105 : memref<10000x40xf32, #tpu.memory_space<hbm>>) dst(%arg11 : memref<128x40xf32, #tpu.memory_space<vmem>>)
      "tpu.region"() ({
        %run_scoped3A = tpu.sem_alloc : memref<!tpu.dma_semaphore, #tpu.memory_space<semaphore_mem>>
        %dma_start3A_188 = arith.constant 0 : i32
        %dma_start3A_189 = tpu.memref_slice %arg8[%add3A_99, %dma_start3A_188] : memref<80x128xi32, #tpu.memory_space<vmem>> -> memref<1x128xi32, #tpu.memory_space<vmem>>
        %dma_start3A_190 = tpu.memref_squeeze %dma_start3A_189 : memref<1x128xi32, #tpu.memory_space<vmem>> -> memref<128xi32, #tpu.memory_space<vmem>>
        %dma_start3A_191 = arith.constant 0 : i32
        %dma_start3A_192 = arith.constant 0 : i32
        %dma_start3A_193 = tpu.memref_slice %arg17[%dma_start3A_191, %dma_start3A_192] : memref<10240x40xf32, #tpu.memory_space<vmem_shared>> -> memref<10240x40xf32, #tpu.memory_space<vmem_shared>>
        tpu.enqueue_indirect_dma source(%arg11 : memref<128x40xf32, #tpu.memory_space<vmem>>) target(%dma_start3A_193 : memref<10240x40xf32, #tpu.memory_space<vmem_shared>>) offsets(%dma_start3A_190 : memref<128xi32, #tpu.memory_space<vmem>>) semaphore(%run_scoped3A : memref<!tpu.dma_semaphore, #tpu.memory_space<semaphore_mem>>) {add = true}
        %dma_wait3A_194 = arith.constant 0 : i32
        %dma_wait3A_195 = tpu.memref_slice %arg8[%add3A_99, %dma_wait3A_194] : memref<80x128xi32, #tpu.memory_space<vmem>> -> memref<1x128xi32, #tpu.memory_space<vmem>>
        %dma_wait3A_196 = tpu.memref_squeeze %dma_wait3A_195 : memref<1x128xi32, #tpu.memory_space<vmem>> -> memref<128xi32, #tpu.memory_space<vmem>>
        %dma_wait3A_197 = arith.constant 0 : i32
        %dma_wait3A_198 = arith.constant 0 : i32
        %dma_wait3A_199 = tpu.memref_slice %arg17[%dma_wait3A_197, %dma_wait3A_198] : memref<10240x40xf32, #tpu.memory_space<vmem_shared>> -> memref<10240x40xf32, #tpu.memory_space<vmem_shared>>
        tpu.wait_indirect_dma semaphore(%run_scoped3A : memref<!tpu.dma_semaphore, #tpu.memory_space<semaphore_mem>>) src(%arg11 : memref<128x40xf32, #tpu.memory_space<vmem>>) dst(%dma_wait3A_199 : memref<10240x40xf32, #tpu.memory_space<vmem_shared>>)
        tpu.yield
      }) : () -> ()
      %add3A_106 = arith.constant 1 : i32
      %add3A_107 = arith.addi %scan3A_69, %add3A_106 : i32
      %lt3A_108 = arith.constant 10 : i32
      %lt3A_109 = arith.cmpi slt, %add3A_107, %lt3A_108 : i32
      %convert_element_type3A_110 = arith.extui %lt3A_109 : i1 to i32
      %cond3A_111 = arith.constant 0 : i32
      %cond3A_112 = arith.cmpi ne, %convert_element_type3A_110, %cond3A_111 : i32
      scf.if %cond3A_112 {
        %add3A_188 = arith.constant 1 : i32
        %add3A_189 = arith.addi %scan3A_69, %add3A_188 : i32
        %mul3A_190 = arith.constant 8 : i32
        %mul3A_191 = arith.muli %mul3A_190, %add3A_189 : i32
        %add3A_192 = arith.constant 2 : i32
        %add3A_193 = arith.addi %mul3A_191, %add3A_192 : i32
        %dma_start3A_194 = arith.constant 0 : i32
        %dma_start3A_195 = tpu.memref_slice %arg7[%add3A_193, %dma_start3A_194] : memref<80x128xi32, #tpu.memory_space<vmem>> -> memref<1x128xi32, #tpu.memory_space<vmem>>
        %dma_start3A_196 = tpu.memref_squeeze %dma_start3A_195 : memref<1x128xi32, #tpu.memory_space<vmem>> -> memref<128xi32, #tpu.memory_space<vmem>>
        %dma_start3A_197 = arith.constant 0 : i32
        %dma_start3A_198 = arith.constant 0 : i32
        %dma_start3A_199 = tpu.memref_slice %arg2[%dma_start3A_197, %dma_start3A_198] : memref<10000x40xf32, #tpu.memory_space<hbm>> -> memref<10000x40xf32, #tpu.memory_space<hbm>>
        tpu.enqueue_indirect_dma source(%dma_start3A_199 : memref<10000x40xf32, #tpu.memory_space<hbm>>) target(%arg11 : memref<128x40xf32, #tpu.memory_space<vmem>>) offsets(%dma_start3A_196 : memref<128xi32, #tpu.memory_space<vmem>>) semaphore(%arg20 : memref<!tpu.dma_semaphore, #tpu.memory_space<semaphore_mem>>)
      } else {
      }
      %add3A_113 = arith.constant 3 : i32
      %add3A_114 = arith.addi %mul3A_71, %add3A_113 : i32
      %dma_wait3A_115 = arith.constant 0 : i32
      %dma_wait3A_116 = tpu.memref_slice %arg7[%add3A_114, %dma_wait3A_115] : memref<80x128xi32, #tpu.memory_space<vmem>> -> memref<1x128xi32, #tpu.memory_space<vmem>>
      %dma_wait3A_117 = tpu.memref_squeeze %dma_wait3A_116 : memref<1x128xi32, #tpu.memory_space<vmem>> -> memref<128xi32, #tpu.memory_space<vmem>>
      %dma_wait3A_118 = arith.constant 0 : i32
      %dma_wait3A_119 = arith.constant 0 : i32
      %dma_wait3A_120 = tpu.memref_slice %arg2[%dma_wait3A_118, %dma_wait3A_119] : memref<10000x40xf32, #tpu.memory_space<hbm>> -> memref<10000x40xf32, #tpu.memory_space<hbm>>
      tpu.wait_indirect_dma semaphore(%arg21 : memref<!tpu.dma_semaphore, #tpu.memory_space<semaphore_mem>>) src(%dma_wait3A_120 : memref<10000x40xf32, #tpu.memory_space<hbm>>) dst(%arg12 : memref<128x40xf32, #tpu.memory_space<vmem>>)
      "tpu.region"() ({
        %run_scoped3A = tpu.sem_alloc : memref<!tpu.dma_semaphore, #tpu.memory_space<semaphore_mem>>
        %dma_start3A_188 = arith.constant 0 : i32
        %dma_start3A_189 = tpu.memref_slice %arg8[%add3A_114, %dma_start3A_188] : memref<80x128xi32, #tpu.memory_space<vmem>> -> memref<1x128xi32, #tpu.memory_space<vmem>>
        %dma_start3A_190 = tpu.memref_squeeze %dma_start3A_189 : memref<1x128xi32, #tpu.memory_space<vmem>> -> memref<128xi32, #tpu.memory_space<vmem>>
        %dma_start3A_191 = arith.constant 0 : i32
        %dma_start3A_192 = arith.constant 0 : i32
        %dma_start3A_193 = tpu.memref_slice %arg17[%dma_start3A_191, %dma_start3A_192] : memref<10240x40xf32, #tpu.memory_space<vmem_shared>> -> memref<10240x40xf32, #tpu.memory_space<vmem_shared>>
        tpu.enqueue_indirect_dma source(%arg12 : memref<128x40xf32, #tpu.memory_space<vmem>>) target(%dma_start3A_193 : memref<10240x40xf32, #tpu.memory_space<vmem_shared>>) offsets(%dma_start3A_190 : memref<128xi32, #tpu.memory_space<vmem>>) semaphore(%run_scoped3A : memref<!tpu.dma_semaphore, #tpu.memory_space<semaphore_mem>>) {add = true}
        %dma_wait3A_194 = arith.constant 0 : i32
        %dma_wait3A_195 = tpu.memref_slice %arg8[%add3A_114, %dma_wait3A_194] : memref<80x128xi32, #tpu.memory_space<vmem>> -> memref<1x128xi32, #tpu.memory_space<vmem>>
        %dma_wait3A_196 = tpu.memref_squeeze %dma_wait3A_195 : memref<1x128xi32, #tpu.memory_space<vmem>> -> memref<128xi32, #tpu.memory_space<vmem>>
        %dma_wait3A_197 = arith.constant 0 : i32
        %dma_wait3A_198 = arith.constant 0 : i32
        %dma_wait3A_199 = tpu.memref_slice %arg17[%dma_wait3A_197, %dma_wait3A_198] : memref<10240x40xf32, #tpu.memory_space<vmem_shared>> -> memref<10240x40xf32, #tpu.memory_space<vmem_shared>>
        tpu.wait_indirect_dma semaphore(%run_scoped3A : memref<!tpu.dma_semaphore, #tpu.memory_space<semaphore_mem>>) src(%arg12 : memref<128x40xf32, #tpu.memory_space<vmem>>) dst(%dma_wait3A_199 : memref<10240x40xf32, #tpu.memory_space<vmem_shared>>)
        tpu.yield
      }) : () -> ()
      %add3A_121 = arith.constant 1 : i32
      %add3A_122 = arith.addi %scan3A_69, %add3A_121 : i32
      %lt3A_123 = arith.constant 10 : i32
      %lt3A_124 = arith.cmpi slt, %add3A_122, %lt3A_123 : i32
      %convert_element_type3A_125 = arith.extui %lt3A_124 : i1 to i32
      %cond3A_126 = arith.constant 0 : i32
      %cond3A_127 = arith.cmpi ne, %convert_element_type3A_125, %cond3A_126 : i32
      scf.if %cond3A_127 {
        %add3A_188 = arith.constant 1 : i32
        %add3A_189 = arith.addi %scan3A_69, %add3A_188 : i32
        %mul3A_190 = arith.constant 8 : i32
        %mul3A_191 = arith.muli %mul3A_190, %add3A_189 : i32
        %add3A_192 = arith.constant 3 : i32
        %add3A_193 = arith.addi %mul3A_191, %add3A_192 : i32
        %dma_start3A_194 = arith.constant 0 : i32
        %dma_start3A_195 = tpu.memref_slice %arg7[%add3A_193, %dma_start3A_194] : memref<80x128xi32, #tpu.memory_space<vmem>> -> memref<1x128xi32, #tpu.memory_space<vmem>>
        %dma_start3A_196 = tpu.memref_squeeze %dma_start3A_195 : memref<1x128xi32, #tpu.memory_space<vmem>> -> memref<128xi32, #tpu.memory_space<vmem>>
        %dma_start3A_197 = arith.constant 0 : i32
        %dma_start3A_198 = arith.constant 0 : i32
        %dma_start3A_199 = tpu.memref_slice %arg2[%dma_start3A_197, %dma_start3A_198] : memref<10000x40xf32, #tpu.memory_space<hbm>> -> memref<10000x40xf32, #tpu.memory_space<hbm>>
        tpu.enqueue_indirect_dma source(%dma_start3A_199 : memref<10000x40xf32, #tpu.memory_space<hbm>>) target(%arg12 : memref<128x40xf32, #tpu.memory_space<vmem>>) offsets(%dma_start3A_196 : memref<128xi32, #tpu.memory_space<vmem>>) semaphore(%arg21 : memref<!tpu.dma_semaphore, #tpu.memory_space<semaphore_mem>>)
      } else {
      }
      %add3A_128 = arith.constant 4 : i32
      %add3A_129 = arith.addi %mul3A_71, %add3A_128 : i32
      %dma_wait3A_130 = arith.constant 0 : i32
      %dma_wait3A_131 = tpu.memref_slice %arg7[%add3A_129, %dma_wait3A_130] : memref<80x128xi32, #tpu.memory_space<vmem>> -> memref<1x128xi32, #tpu.memory_space<vmem>>
      %dma_wait3A_132 = tpu.memref_squeeze %dma_wait3A_131 : memref<1x128xi32, #tpu.memory_space<vmem>> -> memref<128xi32, #tpu.memory_space<vmem>>
      %dma_wait3A_133 = arith.constant 0 : i32
      %dma_wait3A_134 = arith.constant 0 : i32
      %dma_wait3A_135 = tpu.memref_slice %arg2[%dma_wait3A_133, %dma_wait3A_134] : memref<10000x40xf32, #tpu.memory_space<hbm>> -> memref<10000x40xf32, #tpu.memory_space<hbm>>
      tpu.wait_indirect_dma semaphore(%arg22 : memref<!tpu.dma_semaphore, #tpu.memory_space<semaphore_mem>>) src(%dma_wait3A_135 : memref<10000x40xf32, #tpu.memory_space<hbm>>) dst(%arg13 : memref<128x40xf32, #tpu.memory_space<vmem>>)
      "tpu.region"() ({
        %run_scoped3A = tpu.sem_alloc : memref<!tpu.dma_semaphore, #tpu.memory_space<semaphore_mem>>
        %dma_start3A_188 = arith.constant 0 : i32
        %dma_start3A_189 = tpu.memref_slice %arg8[%add3A_129, %dma_start3A_188] : memref<80x128xi32, #tpu.memory_space<vmem>> -> memref<1x128xi32, #tpu.memory_space<vmem>>
        %dma_start3A_190 = tpu.memref_squeeze %dma_start3A_189 : memref<1x128xi32, #tpu.memory_space<vmem>> -> memref<128xi32, #tpu.memory_space<vmem>>
        %dma_start3A_191 = arith.constant 0 : i32
        %dma_start3A_192 = arith.constant 0 : i32
        %dma_start3A_193 = tpu.memref_slice %arg17[%dma_start3A_191, %dma_start3A_192] : memref<10240x40xf32, #tpu.memory_space<vmem_shared>> -> memref<10240x40xf32, #tpu.memory_space<vmem_shared>>
        tpu.enqueue_indirect_dma source(%arg13 : memref<128x40xf32, #tpu.memory_space<vmem>>) target(%dma_start3A_193 : memref<10240x40xf32, #tpu.memory_space<vmem_shared>>) offsets(%dma_start3A_190 : memref<128xi32, #tpu.memory_space<vmem>>) semaphore(%run_scoped3A : memref<!tpu.dma_semaphore, #tpu.memory_space<semaphore_mem>>) {add = true}
        %dma_wait3A_194 = arith.constant 0 : i32
        %dma_wait3A_195 = tpu.memref_slice %arg8[%add3A_129, %dma_wait3A_194] : memref<80x128xi32, #tpu.memory_space<vmem>> -> memref<1x128xi32, #tpu.memory_space<vmem>>
        %dma_wait3A_196 = tpu.memref_squeeze %dma_wait3A_195 : memref<1x128xi32, #tpu.memory_space<vmem>> -> memref<128xi32, #tpu.memory_space<vmem>>
        %dma_wait3A_197 = arith.constant 0 : i32
        %dma_wait3A_198 = arith.constant 0 : i32
        %dma_wait3A_199 = tpu.memref_slice %arg17[%dma_wait3A_197, %dma_wait3A_198] : memref<10240x40xf32, #tpu.memory_space<vmem_shared>> -> memref<10240x40xf32, #tpu.memory_space<vmem_shared>>
        tpu.wait_indirect_dma semaphore(%run_scoped3A : memref<!tpu.dma_semaphore, #tpu.memory_space<semaphore_mem>>) src(%arg13 : memref<128x40xf32, #tpu.memory_space<vmem>>) dst(%dma_wait3A_199 : memref<10240x40xf32, #tpu.memory_space<vmem_shared>>)
        tpu.yield
      }) : () -> ()
      %add3A_136 = arith.constant 1 : i32
      %add3A_137 = arith.addi %scan3A_69, %add3A_136 : i32
      %lt3A_138 = arith.constant 10 : i32
      %lt3A_139 = arith.cmpi slt, %add3A_137, %lt3A_138 : i32
      %convert_element_type3A_140 = arith.extui %lt3A_139 : i1 to i32
      %cond3A_141 = arith.constant 0 : i32
      %cond3A_142 = arith.cmpi ne, %convert_element_type3A_140, %cond3A_141 : i32
      scf.if %cond3A_142 {
        %add3A_188 = arith.constant 1 : i32
        %add3A_189 = arith.addi %scan3A_69, %add3A_188 : i32
        %mul3A_190 = arith.constant 8 : i32
        %mul3A_191 = arith.muli %mul3A_190, %add3A_189 : i32
        %add3A_192 = arith.constant 4 : i32
        %add3A_193 = arith.addi %mul3A_191, %add3A_192 : i32
        %dma_start3A_194 = arith.constant 0 : i32
        %dma_start3A_195 = tpu.memref_slice %arg7[%add3A_193, %dma_start3A_194] : memref<80x128xi32, #tpu.memory_space<vmem>> -> memref<1x128xi32, #tpu.memory_space<vmem>>
        %dma_start3A_196 = tpu.memref_squeeze %dma_start3A_195 : memref<1x128xi32, #tpu.memory_space<vmem>> -> memref<128xi32, #tpu.memory_space<vmem>>
        %dma_start3A_197 = arith.constant 0 : i32
        %dma_start3A_198 = arith.constant 0 : i32
        %dma_start3A_199 = tpu.memref_slice %arg2[%dma_start3A_197, %dma_start3A_198] : memref<10000x40xf32, #tpu.memory_space<hbm>> -> memref<10000x40xf32, #tpu.memory_space<hbm>>
        tpu.enqueue_indirect_dma source(%dma_start3A_199 : memref<10000x40xf32, #tpu.memory_space<hbm>>) target(%arg13 : memref<128x40xf32, #tpu.memory_space<vmem>>) offsets(%dma_start3A_196 : memref<128xi32, #tpu.memory_space<vmem>>) semaphore(%arg22 : memref<!tpu.dma_semaphore, #tpu.memory_space<semaphore_mem>>)
      } else {
      }
      %add3A_143 = arith.constant 5 : i32
      %add3A_144 = arith.addi %mul3A_71, %add3A_143 : i32
      %dma_wait3A_145 = arith.constant 0 : i32
      %dma_wait3A_146 = tpu.memref_slice %arg7[%add3A_144, %dma_wait3A_145] : memref<80x128xi32, #tpu.memory_space<vmem>> -> memref<1x128xi32, #tpu.memory_space<vmem>>
      %dma_wait3A_147 = tpu.memref_squeeze %dma_wait3A_146 : memref<1x128xi32, #tpu.memory_space<vmem>> -> memref<128xi32, #tpu.memory_space<vmem>>
      %dma_wait3A_148 = arith.constant 0 : i32
      %dma_wait3A_149 = arith.constant 0 : i32
      %dma_wait3A_150 = tpu.memref_slice %arg2[%dma_wait3A_148, %dma_wait3A_149] : memref<10000x40xf32, #tpu.memory_space<hbm>> -> memref<10000x40xf32, #tpu.memory_space<hbm>>
      tpu.wait_indirect_dma semaphore(%arg23 : memref<!tpu.dma_semaphore, #tpu.memory_space<semaphore_mem>>) src(%dma_wait3A_150 : memref<10000x40xf32, #tpu.memory_space<hbm>>) dst(%arg14 : memref<128x40xf32, #tpu.memory_space<vmem>>)
      "tpu.region"() ({
        %run_scoped3A = tpu.sem_alloc : memref<!tpu.dma_semaphore, #tpu.memory_space<semaphore_mem>>
        %dma_start3A_188 = arith.constant 0 : i32
        %dma_start3A_189 = tpu.memref_slice %arg8[%add3A_144, %dma_start3A_188] : memref<80x128xi32, #tpu.memory_space<vmem>> -> memref<1x128xi32, #tpu.memory_space<vmem>>
        %dma_start3A_190 = tpu.memref_squeeze %dma_start3A_189 : memref<1x128xi32, #tpu.memory_space<vmem>> -> memref<128xi32, #tpu.memory_space<vmem>>
        %dma_start3A_191 = arith.constant 0 : i32
        %dma_start3A_192 = arith.constant 0 : i32
        %dma_start3A_193 = tpu.memref_slice %arg17[%dma_start3A_191, %dma_start3A_192] : memref<10240x40xf32, #tpu.memory_space<vmem_shared>> -> memref<10240x40xf32, #tpu.memory_space<vmem_shared>>
        tpu.enqueue_indirect_dma source(%arg14 : memref<128x40xf32, #tpu.memory_space<vmem>>) target(%dma_start3A_193 : memref<10240x40xf32, #tpu.memory_space<vmem_shared>>) offsets(%dma_start3A_190 : memref<128xi32, #tpu.memory_space<vmem>>) semaphore(%run_scoped3A : memref<!tpu.dma_semaphore, #tpu.memory_space<semaphore_mem>>) {add = true}
        %dma_wait3A_194 = arith.constant 0 : i32
        %dma_wait3A_195 = tpu.memref_slice %arg8[%add3A_144, %dma_wait3A_194] : memref<80x128xi32, #tpu.memory_space<vmem>> -> memref<1x128xi32, #tpu.memory_space<vmem>>
        %dma_wait3A_196 = tpu.memref_squeeze %dma_wait3A_195 : memref<1x128xi32, #tpu.memory_space<vmem>> -> memref<128xi32, #tpu.memory_space<vmem>>
        %dma_wait3A_197 = arith.constant 0 : i32
        %dma_wait3A_198 = arith.constant 0 : i32
        %dma_wait3A_199 = tpu.memref_slice %arg17[%dma_wait3A_197, %dma_wait3A_198] : memref<10240x40xf32, #tpu.memory_space<vmem_shared>> -> memref<10240x40xf32, #tpu.memory_space<vmem_shared>>
        tpu.wait_indirect_dma semaphore(%run_scoped3A : memref<!tpu.dma_semaphore, #tpu.memory_space<semaphore_mem>>) src(%arg14 : memref<128x40xf32, #tpu.memory_space<vmem>>) dst(%dma_wait3A_199 : memref<10240x40xf32, #tpu.memory_space<vmem_shared>>)
        tpu.yield
      }) : () -> ()
      %add3A_151 = arith.constant 1 : i32
      %add3A_152 = arith.addi %scan3A_69, %add3A_151 : i32
      %lt3A_153 = arith.constant 10 : i32
      %lt3A_154 = arith.cmpi slt, %add3A_152, %lt3A_153 : i32
      %convert_element_type3A_155 = arith.extui %lt3A_154 : i1 to i32
      %cond3A_156 = arith.constant 0 : i32
      %cond3A_157 = arith.cmpi ne, %convert_element_type3A_155, %cond3A_156 : i32
      scf.if %cond3A_157 {
        %add3A_188 = arith.constant 1 : i32
        %add3A_189 = arith.addi %scan3A_69, %add3A_188 : i32
        %mul3A_190 = arith.constant 8 : i32
        %mul3A_191 = arith.muli %mul3A_190, %add3A_189 : i32
        %add3A_192 = arith.constant 5 : i32
        %add3A_193 = arith.addi %mul3A_191, %add3A_192 : i32
        %dma_start3A_194 = arith.constant 0 : i32
        %dma_start3A_195 = tpu.memref_slice %arg7[%add3A_193, %dma_start3A_194] : memref<80x128xi32, #tpu.memory_space<vmem>> -> memref<1x128xi32, #tpu.memory_space<vmem>>
        %dma_start3A_196 = tpu.memref_squeeze %dma_start3A_195 : memref<1x128xi32, #tpu.memory_space<vmem>> -> memref<128xi32, #tpu.memory_space<vmem>>
        %dma_start3A_197 = arith.constant 0 : i32
        %dma_start3A_198 = arith.constant 0 : i32
        %dma_start3A_199 = tpu.memref_slice %arg2[%dma_start3A_197, %dma_start3A_198] : memref<10000x40xf32, #tpu.memory_space<hbm>> -> memref<10000x40xf32, #tpu.memory_space<hbm>>
        tpu.enqueue_indirect_dma source(%dma_start3A_199 : memref<10000x40xf32, #tpu.memory_space<hbm>>) target(%arg14 : memref<128x40xf32, #tpu.memory_space<vmem>>) offsets(%dma_start3A_196 : memref<128xi32, #tpu.memory_space<vmem>>) semaphore(%arg23 : memref<!tpu.dma_semaphore, #tpu.memory_space<semaphore_mem>>)
      } else {
      }
      %add3A_158 = arith.constant 6 : i32
      %add3A_159 = arith.addi %mul3A_71, %add3A_158 : i32
      %dma_wait3A_160 = arith.constant 0 : i32
      %dma_wait3A_161 = tpu.memref_slice %arg7[%add3A_159, %dma_wait3A_160] : memref<80x128xi32, #tpu.memory_space<vmem>> -> memref<1x128xi32, #tpu.memory_space<vmem>>
      %dma_wait3A_162 = tpu.memref_squeeze %dma_wait3A_161 : memref<1x128xi32, #tpu.memory_space<vmem>> -> memref<128xi32, #tpu.memory_space<vmem>>
      %dma_wait3A_163 = arith.constant 0 : i32
      %dma_wait3A_164 = arith.constant 0 : i32
      %dma_wait3A_165 = tpu.memref_slice %arg2[%dma_wait3A_163, %dma_wait3A_164] : memref<10000x40xf32, #tpu.memory_space<hbm>> -> memref<10000x40xf32, #tpu.memory_space<hbm>>
      tpu.wait_indirect_dma semaphore(%arg24 : memref<!tpu.dma_semaphore, #tpu.memory_space<semaphore_mem>>) src(%dma_wait3A_165 : memref<10000x40xf32, #tpu.memory_space<hbm>>) dst(%arg15 : memref<128x40xf32, #tpu.memory_space<vmem>>)
      "tpu.region"() ({
        %run_scoped3A = tpu.sem_alloc : memref<!tpu.dma_semaphore, #tpu.memory_space<semaphore_mem>>
        %dma_start3A_188 = arith.constant 0 : i32
        %dma_start3A_189 = tpu.memref_slice %arg8[%add3A_159, %dma_start3A_188] : memref<80x128xi32, #tpu.memory_space<vmem>> -> memref<1x128xi32, #tpu.memory_space<vmem>>
        %dma_start3A_190 = tpu.memref_squeeze %dma_start3A_189 : memref<1x128xi32, #tpu.memory_space<vmem>> -> memref<128xi32, #tpu.memory_space<vmem>>
        %dma_start3A_191 = arith.constant 0 : i32
        %dma_start3A_192 = arith.constant 0 : i32
        %dma_start3A_193 = tpu.memref_slice %arg17[%dma_start3A_191, %dma_start3A_192] : memref<10240x40xf32, #tpu.memory_space<vmem_shared>> -> memref<10240x40xf32, #tpu.memory_space<vmem_shared>>
        tpu.enqueue_indirect_dma source(%arg15 : memref<128x40xf32, #tpu.memory_space<vmem>>) target(%dma_start3A_193 : memref<10240x40xf32, #tpu.memory_space<vmem_shared>>) offsets(%dma_start3A_190 : memref<128xi32, #tpu.memory_space<vmem>>) semaphore(%run_scoped3A : memref<!tpu.dma_semaphore, #tpu.memory_space<semaphore_mem>>) {add = true}
        %dma_wait3A_194 = arith.constant 0 : i32
        %dma_wait3A_195 = tpu.memref_slice %arg8[%add3A_159, %dma_wait3A_194] : memref<80x128xi32, #tpu.memory_space<vmem>> -> memref<1x128xi32, #tpu.memory_space<vmem>>
        %dma_wait3A_196 = tpu.memref_squeeze %dma_wait3A_195 : memref<1x128xi32, #tpu.memory_space<vmem>> -> memref<128xi32, #tpu.memory_space<vmem>>
        %dma_wait3A_197 = arith.constant 0 : i32
        %dma_wait3A_198 = arith.constant 0 : i32
        %dma_wait3A_199 = tpu.memref_slice %arg17[%dma_wait3A_197, %dma_wait3A_198] : memref<10240x40xf32, #tpu.memory_space<vmem_shared>> -> memref<10240x40xf32, #tpu.memory_space<vmem_shared>>
        tpu.wait_indirect_dma semaphore(%run_scoped3A : memref<!tpu.dma_semaphore, #tpu.memory_space<semaphore_mem>>) src(%arg15 : memref<128x40xf32, #tpu.memory_space<vmem>>) dst(%dma_wait3A_199 : memref<10240x40xf32, #tpu.memory_space<vmem_shared>>)
        tpu.yield
      }) : () -> ()
      %add3A_166 = arith.constant 1 : i32
      %add3A_167 = arith.addi %scan3A_69, %add3A_166 : i32
      %lt3A_168 = arith.constant 10 : i32
      %lt3A_169 = arith.cmpi slt, %add3A_167, %lt3A_168 : i32
      %convert_element_type3A_170 = arith.extui %lt3A_169 : i1 to i32
      %cond3A_171 = arith.constant 0 : i32
      %cond3A_172 = arith.cmpi ne, %convert_element_type3A_170, %cond3A_171 : i32
      scf.if %cond3A_172 {
        %add3A_188 = arith.constant 1 : i32
        %add3A_189 = arith.addi %scan3A_69, %add3A_188 : i32
        %mul3A_190 = arith.constant 8 : i32
        %mul3A_191 = arith.muli %mul3A_190, %add3A_189 : i32
        %add3A_192 = arith.constant 6 : i32
        %add3A_193 = arith.addi %mul3A_191, %add3A_192 : i32
        %dma_start3A_194 = arith.constant 0 : i32
        %dma_start3A_195 = tpu.memref_slice %arg7[%add3A_193, %dma_start3A_194] : memref<80x128xi32, #tpu.memory_space<vmem>> -> memref<1x128xi32, #tpu.memory_space<vmem>>
        %dma_start3A_196 = tpu.memref_squeeze %dma_start3A_195 : memref<1x128xi32, #tpu.memory_space<vmem>> -> memref<128xi32, #tpu.memory_space<vmem>>
        %dma_start3A_197 = arith.constant 0 : i32
        %dma_start3A_198 = arith.constant 0 : i32
        %dma_start3A_199 = tpu.memref_slice %arg2[%dma_start3A_197, %dma_start3A_198] : memref<10000x40xf32, #tpu.memory_space<hbm>> -> memref<10000x40xf32, #tpu.memory_space<hbm>>
        tpu.enqueue_indirect_dma source(%dma_start3A_199 : memref<10000x40xf32, #tpu.memory_space<hbm>>) target(%arg15 : memref<128x40xf32, #tpu.memory_space<vmem>>) offsets(%dma_start3A_196 : memref<128xi32, #tpu.memory_space<vmem>>) semaphore(%arg24 : memref<!tpu.dma_semaphore, #tpu.memory_space<semaphore_mem>>)
      } else {
      }
      %add3A_173 = arith.constant 7 : i32
      %add3A_174 = arith.addi %mul3A_71, %add3A_173 : i32
      %dma_wait3A_175 = arith.constant 0 : i32
      %dma_wait3A_176 = tpu.memref_slice %arg7[%add3A_174, %dma_wait3A_175] : memref<80x128xi32, #tpu.memory_space<vmem>> -> memref<1x128xi32, #tpu.memory_space<vmem>>
      %dma_wait3A_177 = tpu.memref_squeeze %dma_wait3A_176 : memref<1x128xi32, #tpu.memory_space<vmem>> -> memref<128xi32, #tpu.memory_space<vmem>>
      %dma_wait3A_178 = arith.constant 0 : i32
      %dma_wait3A_179 = arith.constant 0 : i32
      %dma_wait3A_180 = tpu.memref_slice %arg2[%dma_wait3A_178, %dma_wait3A_179] : memref<10000x40xf32, #tpu.memory_space<hbm>> -> memref<10000x40xf32, #tpu.memory_space<hbm>>
      tpu.wait_indirect_dma semaphore(%arg25 : memref<!tpu.dma_semaphore, #tpu.memory_space<semaphore_mem>>) src(%dma_wait3A_180 : memref<10000x40xf32, #tpu.memory_space<hbm>>) dst(%arg16 : memref<128x40xf32, #tpu.memory_space<vmem>>)
      "tpu.region"() ({
        %run_scoped3A = tpu.sem_alloc : memref<!tpu.dma_semaphore, #tpu.memory_space<semaphore_mem>>
        %dma_start3A_188 = arith.constant 0 : i32
        %dma_start3A_189 = tpu.memref_slice %arg8[%add3A_174, %dma_start3A_188] : memref<80x128xi32, #tpu.memory_space<vmem>> -> memref<1x128xi32, #tpu.memory_space<vmem>>
        %dma_start3A_190 = tpu.memref_squeeze %dma_start3A_189 : memref<1x128xi32, #tpu.memory_space<vmem>> -> memref<128xi32, #tpu.memory_space<vmem>>
        %dma_start3A_191 = arith.constant 0 : i32
        %dma_start3A_192 = arith.constant 0 : i32
        %dma_start3A_193 = tpu.memref_slice %arg17[%dma_start3A_191, %dma_start3A_192] : memref<10240x40xf32, #tpu.memory_space<vmem_shared>> -> memref<10240x40xf32, #tpu.memory_space<vmem_shared>>
        tpu.enqueue_indirect_dma source(%arg16 : memref<128x40xf32, #tpu.memory_space<vmem>>) target(%dma_start3A_193 : memref<10240x40xf32, #tpu.memory_space<vmem_shared>>) offsets(%dma_start3A_190 : memref<128xi32, #tpu.memory_space<vmem>>) semaphore(%run_scoped3A : memref<!tpu.dma_semaphore, #tpu.memory_space<semaphore_mem>>) {add = true}
        %dma_wait3A_194 = arith.constant 0 : i32
        %dma_wait3A_195 = tpu.memref_slice %arg8[%add3A_174, %dma_wait3A_194] : memref<80x128xi32, #tpu.memory_space<vmem>> -> memref<1x128xi32, #tpu.memory_space<vmem>>
        %dma_wait3A_196 = tpu.memref_squeeze %dma_wait3A_195 : memref<1x128xi32, #tpu.memory_space<vmem>> -> memref<128xi32, #tpu.memory_space<vmem>>
        %dma_wait3A_197 = arith.constant 0 : i32
        %dma_wait3A_198 = arith.constant 0 : i32
        %dma_wait3A_199 = tpu.memref_slice %arg17[%dma_wait3A_197, %dma_wait3A_198] : memref<10240x40xf32, #tpu.memory_space<vmem_shared>> -> memref<10240x40xf32, #tpu.memory_space<vmem_shared>>
        tpu.wait_indirect_dma semaphore(%run_scoped3A : memref<!tpu.dma_semaphore, #tpu.memory_space<semaphore_mem>>) src(%arg16 : memref<128x40xf32, #tpu.memory_space<vmem>>) dst(%dma_wait3A_199 : memref<10240x40xf32, #tpu.memory_space<vmem_shared>>)
        tpu.yield
      }) : () -> ()
      %add3A_181 = arith.constant 1 : i32
      %add3A_182 = arith.addi %scan3A_69, %add3A_181 : i32
      %lt3A_183 = arith.constant 10 : i32
      %lt3A_184 = arith.cmpi slt, %add3A_182, %lt3A_183 : i32
      %convert_element_type3A_185 = arith.extui %lt3A_184 : i1 to i32
      %cond3A_186 = arith.constant 0 : i32
      %cond3A_187 = arith.cmpi ne, %convert_element_type3A_185, %cond3A_186 : i32
      scf.if %cond3A_187 {
        %add3A_188 = arith.constant 1 : i32
        %add3A_189 = arith.addi %scan3A_69, %add3A_188 : i32
        %mul3A_190 = arith.constant 8 : i32
        %mul3A_191 = arith.muli %mul3A_190, %add3A_189 : i32
        %add3A_192 = arith.constant 7 : i32
        %add3A_193 = arith.addi %mul3A_191, %add3A_192 : i32
        %dma_start3A_194 = arith.constant 0 : i32
        %dma_start3A_195 = tpu.memref_slice %arg7[%add3A_193, %dma_start3A_194] : memref<80x128xi32, #tpu.memory_space<vmem>> -> memref<1x128xi32, #tpu.memory_space<vmem>>
        %dma_start3A_196 = tpu.memref_squeeze %dma_start3A_195 : memref<1x128xi32, #tpu.memory_space<vmem>> -> memref<128xi32, #tpu.memory_space<vmem>>
        %dma_start3A_197 = arith.constant 0 : i32
        %dma_start3A_198 = arith.constant 0 : i32
        %dma_start3A_199 = tpu.memref_slice %arg2[%dma_start3A_197, %dma_start3A_198] : memref<10000x40xf32, #tpu.memory_space<hbm>> -> memref<10000x40xf32, #tpu.memory_space<hbm>>
        tpu.enqueue_indirect_dma source(%dma_start3A_199 : memref<10000x40xf32, #tpu.memory_space<hbm>>) target(%arg16 : memref<128x40xf32, #tpu.memory_space<vmem>>) offsets(%dma_start3A_196 : memref<128xi32, #tpu.memory_space<vmem>>) semaphore(%arg25 : memref<!tpu.dma_semaphore, #tpu.memory_space<semaphore_mem>>)
      } else {
      }
    }
    %scan3A_63 = arith.constant 10 : i32
    %barrier3A_64 = arith.constant 0 : index
    tpu.barrier barrier_id(%barrier3A_64)
    %mul3A_65 = arith.constant 640 : i32
    %mul3A_66 = arith.muli %arg1, %mul3A_65 : i32
    %mul3A_67 = arith.constant 640 : i32
    %mul3A_68 = arith.muli %arg1, %mul3A_67 : i32
    "tpu.region"() ({
      %run_scoped3A = tpu.sem_alloc : memref<!tpu.dma_semaphore, #tpu.memory_space<semaphore_mem>>
      %dma_start3A_69 = arith.constant 0 : i32
      %dma_start3A_70 = tpu.memref_slice %arg6[%arg0, %mul3A_68, %dma_start3A_69] : memref<2x10240x40xf32, #tpu.memory_space<hbm>> -> memref<1x640x40xf32, #tpu.memory_space<hbm>>
      %dma_start3A_71 = tpu.memref_squeeze %dma_start3A_70 : memref<1x640x40xf32, #tpu.memory_space<hbm>> -> memref<640x40xf32, #tpu.memory_space<hbm>>
      %dma_start3A_72 = arith.constant 0 : i32
      %dma_start3A_73 = tpu.memref_slice %arg17[%mul3A_66, %dma_start3A_72] : memref<10240x40xf32, #tpu.memory_space<vmem_shared>> -> memref<640x40xf32, #tpu.memory_space<vmem_shared>>
      tpu.enqueue_dma source(%dma_start3A_73 : memref<640x40xf32, #tpu.memory_space<vmem_shared>>) target(%dma_start3A_71 : memref<640x40xf32, #tpu.memory_space<hbm>>) target_semaphore(%run_scoped3A : memref<!tpu.dma_semaphore, #tpu.memory_space<semaphore_mem>>)
      %dma_wait3A = arith.constant 0 : i32
      %dma_wait3A_74 = tpu.memref_slice %arg6[%arg0, %mul3A_68, %dma_wait3A] : memref<2x10240x40xf32, #tpu.memory_space<hbm>> -> memref<1x640x40xf32, #tpu.memory_space<hbm>>
      %dma_wait3A_75 = tpu.memref_squeeze %dma_wait3A_74 : memref<1x640x40xf32, #tpu.memory_space<hbm>> -> memref<640x40xf32, #tpu.memory_space<hbm>>
      %dma_wait3A_76 = arith.constant 0 : i32
      %dma_wait3A_77 = tpu.memref_slice %arg17[%mul3A_66, %dma_wait3A_76] : memref<10240x40xf32, #tpu.memory_space<vmem_shared>> -> memref<640x40xf32, #tpu.memory_space<vmem_shared>>
      tpu.wait_dma2 semaphore(%run_scoped3A : memref<!tpu.dma_semaphore, #tpu.memory_space<semaphore_mem>>) src(%dma_wait3A_77 : memref<640x40xf32, #tpu.memory_space<vmem_shared>>) dst(%dma_wait3A_75 : memref<640x40xf32, #tpu.memory_space<hbm>>)
      tpu.yield
    }) : () -> ()
    return
  }
}

#map = affine_map<(d0, d1) -> (0, 0)>
#map1 = affine_map<(d0, d1) -> (0, 0, 0)>
module attributes {stable_mosaic.version = 14 : i64} {
  func.func @prop_kernel(%arg0: i32, %arg1: i32, %arg2: memref<10000x40xf32, #tpu.memory_space<hbm>>, %arg3: memref<32x80x128xi32, #tpu.memory_space<hbm>>, %arg4: memref<32x80x128xi32, #tpu.memory_space<hbm>>, %arg5: memref<10240x40xf32, #tpu.memory_space<hbm>>, %arg6: memref<2x10240x40xf32, #tpu.memory_space<hbm>>, %arg7: memref<80x128xi32, #tpu.memory_space<vmem>>, %arg8: memref<80x128xi32, #tpu.memory_space<vmem>>, %arg9: memref<128x40xf32, #tpu.memory_space<vmem>>, %arg10: memref<128x40xf32, #tpu.memory_space<vmem>>, %arg11: memref<128x40xf32, #tpu.memory_space<vmem>>, %arg12: memref<128x40xf32, #tpu.memory_space<vmem>>, %arg13: memref<128x40xf32, #tpu.memory_space<vmem>>, %arg14: memref<128x40xf32, #tpu.memory_space<vmem>>, %arg15: memref<128x40xf32, #tpu.memory_space<vmem>>, %arg16: memref<128x40xf32, #tpu.memory_space<vmem>>, %arg17: memref<10240x40xf32, #tpu.memory_space<vmem_shared>>, %arg18: memref<!tpu.dma_semaphore, #tpu.memory_space<semaphore_mem>>, %arg19: memref<!tpu.dma_semaphore, #tpu.memory_space<semaphore_mem>>, %arg20: memref<!tpu.dma_semaphore, #tpu.memory_space<semaphore_mem>>, %arg21: memref<!tpu.dma_semaphore, #tpu.memory_space<semaphore_mem>>, %arg22: memref<!tpu.dma_semaphore, #tpu.memory_space<semaphore_mem>>, %arg23: memref<!tpu.dma_semaphore, #tpu.memory_space<semaphore_mem>>, %arg24: memref<!tpu.dma_semaphore, #tpu.memory_space<semaphore_mem>>, %arg25: memref<!tpu.dma_semaphore, #tpu.memory_space<semaphore_mem>>, %arg26: memref<!tpu.dma_semaphore, #tpu.memory_space<semaphore_mem>>, %arg27: memref<!tpu.dma_semaphore, #tpu.memory_space<semaphore_mem>>, %arg28: memref<!tpu.dma_semaphore, #tpu.memory_space<semaphore_mem>>, %arg29: memref<!tpu.dma_semaphore, #tpu.memory_space<semaphore_mem>>, %arg30: memref<!tpu.dma_semaphore, #tpu.memory_space<semaphore_mem>>, %arg31: memref<!tpu.dma_semaphore, #tpu.memory_space<semaphore_mem>>, %arg32: memref<!tpu.dma_semaphore, #tpu.memory_space<semaphore_mem>>, %arg33: memref<!tpu.dma_semaphore, #tpu.memory_space<semaphore_mem>>) attributes {dimension_semantics = [#tpu.dimension_semantics<core_parallel>, #tpu.dimension_semantics<subcore_parallel>], iteration_bounds = array<i64: 2, 16>, scalar_prefetch = 0 : i64, scratch_operands = 27 : i64, tpu.core_type = #tpu.core_type<sc_vector_subcore>, window_params = [{transform_indices = #map}, {transform_indices = #map1}, {transform_indices = #map1}, {transform_indices = #map}, {transform_indices = #map1}]} {
    %mul3A = arith.constant 16 : i32
    %mul3A_0 = arith.muli %arg0, %mul3A : i32
    %add3A = arith.addi %mul3A_0, %arg1 : i32
    "tpu.region"() ({
      %run_scoped3A = tpu.sem_alloc : memref<!tpu.dma_semaphore, #tpu.memory_space<semaphore_mem>>
      %dma_start3A_69 = arith.constant 0 : i32
      %dma_start3A_70 = arith.constant 0 : i32
      %dma_start3A_71 = tpu.memref_slice %arg3[%add3A, %dma_start3A_69, %dma_start3A_70] : memref<32x80x128xi32, #tpu.memory_space<hbm>> -> memref<1x80x128xi32, #tpu.memory_space<hbm>>
      %dma_start3A_72 = tpu.memref_squeeze %dma_start3A_71 : memref<1x80x128xi32, #tpu.memory_space<hbm>> -> memref<80x128xi32, #tpu.memory_space<hbm>>
      %dma_start3A_73 = arith.constant 0 : i32
      %dma_start3A_74 = arith.constant 0 : i32
      %dma_start3A_75 = tpu.memref_slice %arg3[%add3A, %dma_start3A_73, %dma_start3A_74] : memref<32x80x128xi32, #tpu.memory_space<hbm>> -> memref<1x80x128xi32, #tpu.memory_space<hbm>>
      %dma_start3A_76 = tpu.memref_squeeze %dma_start3A_75 : memref<1x80x128xi32, #tpu.memory_space<hbm>> -> memref<80x128xi32, #tpu.memory_space<hbm>>
      tpu.enqueue_dma source(%dma_start3A_76 : memref<80x128xi32, #tpu.memory_space<hbm>>) target(%arg7 : memref<80x128xi32, #tpu.memory_space<vmem>>) target_semaphore(%run_scoped3A : memref<!tpu.dma_semaphore, #tpu.memory_space<semaphore_mem>>)
      %dma_wait3A = arith.constant 0 : i32
      %dma_wait3A_77 = arith.constant 0 : i32
      %dma_wait3A_78 = tpu.memref_slice %arg3[%add3A, %dma_wait3A, %dma_wait3A_77] : memref<32x80x128xi32, #tpu.memory_space<hbm>> -> memref<1x80x128xi32, #tpu.memory_space<hbm>>
      %dma_wait3A_79 = tpu.memref_squeeze %dma_wait3A_78 : memref<1x80x128xi32, #tpu.memory_space<hbm>> -> memref<80x128xi32, #tpu.memory_space<hbm>>
      %dma_wait3A_80 = arith.constant 0 : i32
      %dma_wait3A_81 = arith.constant 0 : i32
      %dma_wait3A_82 = tpu.memref_slice %arg3[%add3A, %dma_wait3A_80, %dma_wait3A_81] : memref<32x80x128xi32, #tpu.memory_space<hbm>> -> memref<1x80x128xi32, #tpu.memory_space<hbm>>
      %dma_wait3A_83 = tpu.memref_squeeze %dma_wait3A_82 : memref<1x80x128xi32, #tpu.memory_space<hbm>> -> memref<80x128xi32, #tpu.memory_space<hbm>>
      tpu.wait_dma2 semaphore(%run_scoped3A : memref<!tpu.dma_semaphore, #tpu.memory_space<semaphore_mem>>) src(%dma_wait3A_83 : memref<80x128xi32, #tpu.memory_space<hbm>>) dst(%arg7 : memref<80x128xi32, #tpu.memory_space<vmem>>)
      tpu.yield
    }) : () -> ()
    "tpu.region"() ({
      %run_scoped3A = tpu.sem_alloc : memref<!tpu.dma_semaphore, #tpu.memory_space<semaphore_mem>>
      %dma_start3A_69 = arith.constant 0 : i32
      %dma_start3A_70 = arith.constant 0 : i32
      %dma_start3A_71 = tpu.memref_slice %arg4[%add3A, %dma_start3A_69, %dma_start3A_70] : memref<32x80x128xi32, #tpu.memory_space<hbm>> -> memref<1x80x128xi32, #tpu.memory_space<hbm>>
      %dma_start3A_72 = tpu.memref_squeeze %dma_start3A_71 : memref<1x80x128xi32, #tpu.memory_space<hbm>> -> memref<80x128xi32, #tpu.memory_space<hbm>>
      %dma_start3A_73 = arith.constant 0 : i32
      %dma_start3A_74 = arith.constant 0 : i32
      %dma_start3A_75 = tpu.memref_slice %arg4[%add3A, %dma_start3A_73, %dma_start3A_74] : memref<32x80x128xi32, #tpu.memory_space<hbm>> -> memref<1x80x128xi32, #tpu.memory_space<hbm>>
      %dma_start3A_76 = tpu.memref_squeeze %dma_start3A_75 : memref<1x80x128xi32, #tpu.memory_space<hbm>> -> memref<80x128xi32, #tpu.memory_space<hbm>>
      tpu.enqueue_dma source(%dma_start3A_76 : memref<80x128xi32, #tpu.memory_space<hbm>>) target(%arg8 : memref<80x128xi32, #tpu.memory_space<vmem>>) target_semaphore(%run_scoped3A : memref<!tpu.dma_semaphore, #tpu.memory_space<semaphore_mem>>)
      %dma_wait3A = arith.constant 0 : i32
      %dma_wait3A_77 = arith.constant 0 : i32
      %dma_wait3A_78 = tpu.memref_slice %arg4[%add3A, %dma_wait3A, %dma_wait3A_77] : memref<32x80x128xi32, #tpu.memory_space<hbm>> -> memref<1x80x128xi32, #tpu.memory_space<hbm>>
      %dma_wait3A_79 = tpu.memref_squeeze %dma_wait3A_78 : memref<1x80x128xi32, #tpu.memory_space<hbm>> -> memref<80x128xi32, #tpu.memory_space<hbm>>
      %dma_wait3A_80 = arith.constant 0 : i32
      %dma_wait3A_81 = arith.constant 0 : i32
      %dma_wait3A_82 = tpu.memref_slice %arg4[%add3A, %dma_wait3A_80, %dma_wait3A_81] : memref<32x80x128xi32, #tpu.memory_space<hbm>> -> memref<1x80x128xi32, #tpu.memory_space<hbm>>
      %dma_wait3A_83 = tpu.memref_squeeze %dma_wait3A_82 : memref<1x80x128xi32, #tpu.memory_space<hbm>> -> memref<80x128xi32, #tpu.memory_space<hbm>>
      tpu.wait_dma2 semaphore(%run_scoped3A : memref<!tpu.dma_semaphore, #tpu.memory_space<semaphore_mem>>) src(%dma_wait3A_83 : memref<80x128xi32, #tpu.memory_space<hbm>>) dst(%arg8 : memref<80x128xi32, #tpu.memory_space<vmem>>)
      tpu.yield
    }) : () -> ()
    %mul3A_1 = arith.constant 640 : i32
    %mul3A_2 = arith.muli %arg1, %mul3A_1 : i32
    %mul3A_3 = arith.constant 640 : i32
    %mul3A_4 = arith.muli %arg1, %mul3A_3 : i32
    "tpu.region"() ({
      %run_scoped3A = tpu.sem_alloc : memref<!tpu.dma_semaphore, #tpu.memory_space<semaphore_mem>>
      %dma_start3A_69 = arith.constant 0 : i32
      %dma_start3A_70 = tpu.memref_slice %arg17[%mul3A_4, %dma_start3A_69] : memref<10240x40xf32, #tpu.memory_space<vmem_shared>> -> memref<640x40xf32, #tpu.memory_space<vmem_shared>>
      %dma_start3A_71 = arith.constant 0 : i32
      %dma_start3A_72 = tpu.memref_slice %arg5[%mul3A_2, %dma_start3A_71] : memref<10240x40xf32, #tpu.memory_space<hbm>> -> memref<640x40xf32, #tpu.memory_space<hbm>>
      tpu.enqueue_dma source(%dma_start3A_72 : memref<640x40xf32, #tpu.memory_space<hbm>>) target(%dma_start3A_70 : memref<640x40xf32, #tpu.memory_space<vmem_shared>>) target_semaphore(%run_scoped3A : memref<!tpu.dma_semaphore, #tpu.memory_space<semaphore_mem>>)
      %dma_wait3A = arith.constant 0 : i32
      %dma_wait3A_73 = tpu.memref_slice %arg17[%mul3A_4, %dma_wait3A] : memref<10240x40xf32, #tpu.memory_space<vmem_shared>> -> memref<640x40xf32, #tpu.memory_space<vmem_shared>>
      %dma_wait3A_74 = arith.constant 0 : i32
      %dma_wait3A_75 = tpu.memref_slice %arg5[%mul3A_2, %dma_wait3A_74] : memref<10240x40xf32, #tpu.memory_space<hbm>> -> memref<640x40xf32, #tpu.memory_space<hbm>>
      tpu.wait_dma2 semaphore(%run_scoped3A : memref<!tpu.dma_semaphore, #tpu.memory_space<semaphore_mem>>) src(%dma_wait3A_75 : memref<640x40xf32, #tpu.memory_space<hbm>>) dst(%dma_wait3A_73 : memref<640x40xf32, #tpu.memory_space<vmem_shared>>)
      tpu.yield
    }) : () -> ()
    %barrier3A = arith.constant 0 : index
    tpu.barrier barrier_id(%barrier3A)
    %dma_start3A = arith.constant 0 : i32
    %dma_start3A_5 = arith.constant 0 : i32
    %dma_start3A_6 = tpu.memref_slice %arg7[%dma_start3A, %dma_start3A_5] : memref<80x128xi32, #tpu.memory_space<vmem>> -> memref<1x128xi32, #tpu.memory_space<vmem>>
    %dma_start3A_7 = tpu.memref_squeeze %dma_start3A_6 : memref<1x128xi32, #tpu.memory_space<vmem>> -> memref<128xi32, #tpu.memory_space<vmem>>
    %dma_start3A_8 = arith.constant 0 : i32
    %dma_start3A_9 = arith.constant 0 : i32
    %dma_start3A_10 = tpu.memref_slice %arg2[%dma_start3A_8, %dma_start3A_9] : memref<10000x40xf32, #tpu.memory_space<hbm>> -> memref<10000x40xf32, #tpu.memory_space<hbm>>
    tpu.enqueue_indirect_dma source(%dma_start3A_10 : memref<10000x40xf32, #tpu.memory_space<hbm>>) target(%arg9 : memref<128x40xf32, #tpu.memory_space<vmem>>) offsets(%dma_start3A_7 : memref<128xi32, #tpu.memory_space<vmem>>) semaphore(%arg18 : memref<!tpu.dma_semaphore, #tpu.memory_space<semaphore_mem>>)
    %dma_start3A_11 = arith.constant 1 : i32
    %dma_start3A_12 = arith.constant 0 : i32
    %dma_start3A_13 = tpu.memref_slice %arg7[%dma_start3A_11, %dma_start3A_12] : memref<80x128xi32, #tpu.memory_space<vmem>> -> memref<1x128xi32, #tpu.memory_space<vmem>>
    %dma_start3A_14 = tpu.memref_squeeze %dma_start3A_13 : memref<1x128xi32, #tpu.memory_space<vmem>> -> memref<128xi32, #tpu.memory_space<vmem>>
    %dma_start3A_15 = arith.constant 0 : i32
    %dma_start3A_16 = arith.constant 0 : i32
    %dma_start3A_17 = tpu.memref_slice %arg2[%dma_start3A_15, %dma_start3A_16] : memref<10000x40xf32, #tpu.memory_space<hbm>> -> memref<10000x40xf32, #tpu.memory_space<hbm>>
    tpu.enqueue_indirect_dma source(%dma_start3A_17 : memref<10000x40xf32, #tpu.memory_space<hbm>>) target(%arg10 : memref<128x40xf32, #tpu.memory_space<vmem>>) offsets(%dma_start3A_14 : memref<128xi32, #tpu.memory_space<vmem>>) semaphore(%arg19 : memref<!tpu.dma_semaphore, #tpu.memory_space<semaphore_mem>>)
    %dma_start3A_18 = arith.constant 2 : i32
    %dma_start3A_19 = arith.constant 0 : i32
    %dma_start3A_20 = tpu.memref_slice %arg7[%dma_start3A_18, %dma_start3A_19] : memref<80x128xi32, #tpu.memory_space<vmem>> -> memref<1x128xi32, #tpu.memory_space<vmem>>
    %dma_start3A_21 = tpu.memref_squeeze %dma_start3A_20 : memref<1x128xi32, #tpu.memory_space<vmem>> -> memref<128xi32, #tpu.memory_space<vmem>>
    %dma_start3A_22 = arith.constant 0 : i32
    %dma_start3A_23 = arith.constant 0 : i32
    %dma_start3A_24 = tpu.memref_slice %arg2[%dma_start3A_22, %dma_start3A_23] : memref<10000x40xf32, #tpu.memory_space<hbm>> -> memref<10000x40xf32, #tpu.memory_space<hbm>>
    tpu.enqueue_indirect_dma source(%dma_start3A_24 : memref<10000x40xf32, #tpu.memory_space<hbm>>) target(%arg11 : memref<128x40xf32, #tpu.memory_space<vmem>>) offsets(%dma_start3A_21 : memref<128xi32, #tpu.memory_space<vmem>>) semaphore(%arg20 : memref<!tpu.dma_semaphore, #tpu.memory_space<semaphore_mem>>)
    %dma_start3A_25 = arith.constant 3 : i32
    %dma_start3A_26 = arith.constant 0 : i32
    %dma_start3A_27 = tpu.memref_slice %arg7[%dma_start3A_25, %dma_start3A_26] : memref<80x128xi32, #tpu.memory_space<vmem>> -> memref<1x128xi32, #tpu.memory_space<vmem>>
    %dma_start3A_28 = tpu.memref_squeeze %dma_start3A_27 : memref<1x128xi32, #tpu.memory_space<vmem>> -> memref<128xi32, #tpu.memory_space<vmem>>
    %dma_start3A_29 = arith.constant 0 : i32
    %dma_start3A_30 = arith.constant 0 : i32
    %dma_start3A_31 = tpu.memref_slice %arg2[%dma_start3A_29, %dma_start3A_30] : memref<10000x40xf32, #tpu.memory_space<hbm>> -> memref<10000x40xf32, #tpu.memory_space<hbm>>
    tpu.enqueue_indirect_dma source(%dma_start3A_31 : memref<10000x40xf32, #tpu.memory_space<hbm>>) target(%arg12 : memref<128x40xf32, #tpu.memory_space<vmem>>) offsets(%dma_start3A_28 : memref<128xi32, #tpu.memory_space<vmem>>) semaphore(%arg21 : memref<!tpu.dma_semaphore, #tpu.memory_space<semaphore_mem>>)
    %dma_start3A_32 = arith.constant 4 : i32
    %dma_start3A_33 = arith.constant 0 : i32
    %dma_start3A_34 = tpu.memref_slice %arg7[%dma_start3A_32, %dma_start3A_33] : memref<80x128xi32, #tpu.memory_space<vmem>> -> memref<1x128xi32, #tpu.memory_space<vmem>>
    %dma_start3A_35 = tpu.memref_squeeze %dma_start3A_34 : memref<1x128xi32, #tpu.memory_space<vmem>> -> memref<128xi32, #tpu.memory_space<vmem>>
    %dma_start3A_36 = arith.constant 0 : i32
    %dma_start3A_37 = arith.constant 0 : i32
    %dma_start3A_38 = tpu.memref_slice %arg2[%dma_start3A_36, %dma_start3A_37] : memref<10000x40xf32, #tpu.memory_space<hbm>> -> memref<10000x40xf32, #tpu.memory_space<hbm>>
    tpu.enqueue_indirect_dma source(%dma_start3A_38 : memref<10000x40xf32, #tpu.memory_space<hbm>>) target(%arg13 : memref<128x40xf32, #tpu.memory_space<vmem>>) offsets(%dma_start3A_35 : memref<128xi32, #tpu.memory_space<vmem>>) semaphore(%arg22 : memref<!tpu.dma_semaphore, #tpu.memory_space<semaphore_mem>>)
    %dma_start3A_39 = arith.constant 5 : i32
    %dma_start3A_40 = arith.constant 0 : i32
    %dma_start3A_41 = tpu.memref_slice %arg7[%dma_start3A_39, %dma_start3A_40] : memref<80x128xi32, #tpu.memory_space<vmem>> -> memref<1x128xi32, #tpu.memory_space<vmem>>
    %dma_start3A_42 = tpu.memref_squeeze %dma_start3A_41 : memref<1x128xi32, #tpu.memory_space<vmem>> -> memref<128xi32, #tpu.memory_space<vmem>>
    %dma_start3A_43 = arith.constant 0 : i32
    %dma_start3A_44 = arith.constant 0 : i32
    %dma_start3A_45 = tpu.memref_slice %arg2[%dma_start3A_43, %dma_start3A_44] : memref<10000x40xf32, #tpu.memory_space<hbm>> -> memref<10000x40xf32, #tpu.memory_space<hbm>>
    tpu.enqueue_indirect_dma source(%dma_start3A_45 : memref<10000x40xf32, #tpu.memory_space<hbm>>) target(%arg14 : memref<128x40xf32, #tpu.memory_space<vmem>>) offsets(%dma_start3A_42 : memref<128xi32, #tpu.memory_space<vmem>>) semaphore(%arg23 : memref<!tpu.dma_semaphore, #tpu.memory_space<semaphore_mem>>)
    %dma_start3A_46 = arith.constant 6 : i32
    %dma_start3A_47 = arith.constant 0 : i32
    %dma_start3A_48 = tpu.memref_slice %arg7[%dma_start3A_46, %dma_start3A_47] : memref<80x128xi32, #tpu.memory_space<vmem>> -> memref<1x128xi32, #tpu.memory_space<vmem>>
    %dma_start3A_49 = tpu.memref_squeeze %dma_start3A_48 : memref<1x128xi32, #tpu.memory_space<vmem>> -> memref<128xi32, #tpu.memory_space<vmem>>
    %dma_start3A_50 = arith.constant 0 : i32
    %dma_start3A_51 = arith.constant 0 : i32
    %dma_start3A_52 = tpu.memref_slice %arg2[%dma_start3A_50, %dma_start3A_51] : memref<10000x40xf32, #tpu.memory_space<hbm>> -> memref<10000x40xf32, #tpu.memory_space<hbm>>
    tpu.enqueue_indirect_dma source(%dma_start3A_52 : memref<10000x40xf32, #tpu.memory_space<hbm>>) target(%arg15 : memref<128x40xf32, #tpu.memory_space<vmem>>) offsets(%dma_start3A_49 : memref<128xi32, #tpu.memory_space<vmem>>) semaphore(%arg24 : memref<!tpu.dma_semaphore, #tpu.memory_space<semaphore_mem>>)
    %dma_start3A_53 = arith.constant 7 : i32
    %dma_start3A_54 = arith.constant 0 : i32
    %dma_start3A_55 = tpu.memref_slice %arg7[%dma_start3A_53, %dma_start3A_54] : memref<80x128xi32, #tpu.memory_space<vmem>> -> memref<1x128xi32, #tpu.memory_space<vmem>>
    %dma_start3A_56 = tpu.memref_squeeze %dma_start3A_55 : memref<1x128xi32, #tpu.memory_space<vmem>> -> memref<128xi32, #tpu.memory_space<vmem>>
    %dma_start3A_57 = arith.constant 0 : i32
    %dma_start3A_58 = arith.constant 0 : i32
    %dma_start3A_59 = tpu.memref_slice %arg2[%dma_start3A_57, %dma_start3A_58] : memref<10000x40xf32, #tpu.memory_space<hbm>> -> memref<10000x40xf32, #tpu.memory_space<hbm>>
    tpu.enqueue_indirect_dma source(%dma_start3A_59 : memref<10000x40xf32, #tpu.memory_space<hbm>>) target(%arg16 : memref<128x40xf32, #tpu.memory_space<vmem>>) offsets(%dma_start3A_56 : memref<128xi32, #tpu.memory_space<vmem>>) semaphore(%arg25 : memref<!tpu.dma_semaphore, #tpu.memory_space<semaphore_mem>>)
    %scan3A = arith.constant 0 : i32
    %scan3A_60 = arith.constant 10 : i32
    %scan3A_61 = arith.addi %scan3A, %scan3A_60 : i32
    %scan3A_62 = arith.constant 1 : i32
    scf.for %scan3A_69 = %scan3A to %scan3A_61 step %scan3A_62  : i32 {
      %mul3A_70 = arith.constant 8 : i32
      %mul3A_71 = arith.muli %mul3A_70, %scan3A_69 : i32
      %add3A_72 = arith.constant 0 : i32
      %add3A_73 = arith.addi %mul3A_71, %add3A_72 : i32
      %dma_wait3A = arith.constant 0 : i32
      %dma_wait3A_74 = tpu.memref_slice %arg7[%add3A_73, %dma_wait3A] : memref<80x128xi32, #tpu.memory_space<vmem>> -> memref<1x128xi32, #tpu.memory_space<vmem>>
      %dma_wait3A_75 = tpu.memref_squeeze %dma_wait3A_74 : memref<1x128xi32, #tpu.memory_space<vmem>> -> memref<128xi32, #tpu.memory_space<vmem>>
      %dma_wait3A_76 = arith.constant 0 : i32
      %dma_wait3A_77 = arith.constant 0 : i32
      %dma_wait3A_78 = tpu.memref_slice %arg2[%dma_wait3A_76, %dma_wait3A_77] : memref<10000x40xf32, #tpu.memory_space<hbm>> -> memref<10000x40xf32, #tpu.memory_space<hbm>>
      tpu.wait_indirect_dma semaphore(%arg18 : memref<!tpu.dma_semaphore, #tpu.memory_space<semaphore_mem>>) src(%dma_wait3A_78 : memref<10000x40xf32, #tpu.memory_space<hbm>>) dst(%arg9 : memref<128x40xf32, #tpu.memory_space<vmem>>)
      "tpu.region"() ({
        %run_scoped3A = tpu.sem_alloc : memref<!tpu.dma_semaphore, #tpu.memory_space<semaphore_mem>>
        %dma_start3A_188 = arith.constant 0 : i32
        %dma_start3A_189 = tpu.memref_slice %arg8[%add3A_73, %dma_start3A_188] : memref<80x128xi32, #tpu.memory_space<vmem>> -> memref<1x128xi32, #tpu.memory_space<vmem>>
        %dma_start3A_190 = tpu.memref_squeeze %dma_start3A_189 : memref<1x128xi32, #tpu.memory_space<vmem>> -> memref<128xi32, #tpu.memory_space<vmem>>
        %dma_start3A_191 = arith.constant 0 : i32
        %dma_start3A_192 = arith.constant 0 : i32
        %dma_start3A_193 = tpu.memref_slice %arg17[%dma_start3A_191, %dma_start3A_192] : memref<10240x40xf32, #tpu.memory_space<vmem_shared>> -> memref<10240x40xf32, #tpu.memory_space<vmem_shared>>
        tpu.enqueue_indirect_dma source(%arg9 : memref<128x40xf32, #tpu.memory_space<vmem>>) target(%dma_start3A_193 : memref<10240x40xf32, #tpu.memory_space<vmem_shared>>) offsets(%dma_start3A_190 : memref<128xi32, #tpu.memory_space<vmem>>) semaphore(%run_scoped3A : memref<!tpu.dma_semaphore, #tpu.memory_space<semaphore_mem>>) {add = true}
        %dma_wait3A_194 = arith.constant 0 : i32
        %dma_wait3A_195 = tpu.memref_slice %arg8[%add3A_73, %dma_wait3A_194] : memref<80x128xi32, #tpu.memory_space<vmem>> -> memref<1x128xi32, #tpu.memory_space<vmem>>
        %dma_wait3A_196 = tpu.memref_squeeze %dma_wait3A_195 : memref<1x128xi32, #tpu.memory_space<vmem>> -> memref<128xi32, #tpu.memory_space<vmem>>
        %dma_wait3A_197 = arith.constant 0 : i32
        %dma_wait3A_198 = arith.constant 0 : i32
        %dma_wait3A_199 = tpu.memref_slice %arg17[%dma_wait3A_197, %dma_wait3A_198] : memref<10240x40xf32, #tpu.memory_space<vmem_shared>> -> memref<10240x40xf32, #tpu.memory_space<vmem_shared>>
        tpu.wait_indirect_dma semaphore(%run_scoped3A : memref<!tpu.dma_semaphore, #tpu.memory_space<semaphore_mem>>) src(%arg9 : memref<128x40xf32, #tpu.memory_space<vmem>>) dst(%dma_wait3A_199 : memref<10240x40xf32, #tpu.memory_space<vmem_shared>>)
        tpu.yield
      }) : () -> ()
      %add3A_79 = arith.constant 1 : i32
      %add3A_80 = arith.addi %scan3A_69, %add3A_79 : i32
      %lt3A = arith.constant 10 : i32
      %lt3A_81 = arith.cmpi slt, %add3A_80, %lt3A : i32
      %convert_element_type3A = arith.extui %lt3A_81 : i1 to i32
      %cond3A = arith.constant 0 : i32
      %cond3A_82 = arith.cmpi ne, %convert_element_type3A, %cond3A : i32
      scf.if %cond3A_82 {
        %add3A_188 = arith.constant 1 : i32
        %add3A_189 = arith.addi %scan3A_69, %add3A_188 : i32
        %mul3A_190 = arith.constant 8 : i32
        %mul3A_191 = arith.muli %mul3A_190, %add3A_189 : i32
        %add3A_192 = arith.constant 0 : i32
        %add3A_193 = arith.addi %mul3A_191, %add3A_192 : i32
        %dma_start3A_194 = arith.constant 0 : i32
        %dma_start3A_195 = tpu.memref_slice %arg7[%add3A_193, %dma_start3A_194] : memref<80x128xi32, #tpu.memory_space<vmem>> -> memref<1x128xi32, #tpu.memory_space<vmem>>
        %dma_start3A_196 = tpu.memref_squeeze %dma_start3A_195 : memref<1x128xi32, #tpu.memory_space<vmem>> -> memref<128xi32, #tpu.memory_space<vmem>>
        %dma_start3A_197 = arith.constant 0 : i32
        %dma_start3A_198 = arith.constant 0 : i32
        %dma_start3A_199 = tpu.memref_slice %arg2[%dma_start3A_197, %dma_start3A_198] : memref<10000x40xf32, #tpu.memory_space<hbm>> -> memref<10000x40xf32, #tpu.memory_space<hbm>>
        tpu.enqueue_indirect_dma source(%dma_start3A_199 : memref<10000x40xf32, #tpu.memory_space<hbm>>) target(%arg9 : memref<128x40xf32, #tpu.memory_space<vmem>>) offsets(%dma_start3A_196 : memref<128xi32, #tpu.memory_space<vmem>>) semaphore(%arg18 : memref<!tpu.dma_semaphore, #tpu.memory_space<semaphore_mem>>)
      } else {
      }
      %add3A_83 = arith.constant 1 : i32
      %add3A_84 = arith.addi %mul3A_71, %add3A_83 : i32
      %dma_wait3A_85 = arith.constant 0 : i32
      %dma_wait3A_86 = tpu.memref_slice %arg7[%add3A_84, %dma_wait3A_85] : memref<80x128xi32, #tpu.memory_space<vmem>> -> memref<1x128xi32, #tpu.memory_space<vmem>>
      %dma_wait3A_87 = tpu.memref_squeeze %dma_wait3A_86 : memref<1x128xi32, #tpu.memory_space<vmem>> -> memref<128xi32, #tpu.memory_space<vmem>>
      %dma_wait3A_88 = arith.constant 0 : i32
      %dma_wait3A_89 = arith.constant 0 : i32
      %dma_wait3A_90 = tpu.memref_slice %arg2[%dma_wait3A_88, %dma_wait3A_89] : memref<10000x40xf32, #tpu.memory_space<hbm>> -> memref<10000x40xf32, #tpu.memory_space<hbm>>
      tpu.wait_indirect_dma semaphore(%arg19 : memref<!tpu.dma_semaphore, #tpu.memory_space<semaphore_mem>>) src(%dma_wait3A_90 : memref<10000x40xf32, #tpu.memory_space<hbm>>) dst(%arg10 : memref<128x40xf32, #tpu.memory_space<vmem>>)
      "tpu.region"() ({
        %run_scoped3A = tpu.sem_alloc : memref<!tpu.dma_semaphore, #tpu.memory_space<semaphore_mem>>
        %dma_start3A_188 = arith.constant 0 : i32
        %dma_start3A_189 = tpu.memref_slice %arg8[%add3A_84, %dma_start3A_188] : memref<80x128xi32, #tpu.memory_space<vmem>> -> memref<1x128xi32, #tpu.memory_space<vmem>>
        %dma_start3A_190 = tpu.memref_squeeze %dma_start3A_189 : memref<1x128xi32, #tpu.memory_space<vmem>> -> memref<128xi32, #tpu.memory_space<vmem>>
        %dma_start3A_191 = arith.constant 0 : i32
        %dma_start3A_192 = arith.constant 0 : i32
        %dma_start3A_193 = tpu.memref_slice %arg17[%dma_start3A_191, %dma_start3A_192] : memref<10240x40xf32, #tpu.memory_space<vmem_shared>> -> memref<10240x40xf32, #tpu.memory_space<vmem_shared>>
        tpu.enqueue_indirect_dma source(%arg10 : memref<128x40xf32, #tpu.memory_space<vmem>>) target(%dma_start3A_193 : memref<10240x40xf32, #tpu.memory_space<vmem_shared>>) offsets(%dma_start3A_190 : memref<128xi32, #tpu.memory_space<vmem>>) semaphore(%run_scoped3A : memref<!tpu.dma_semaphore, #tpu.memory_space<semaphore_mem>>) {add = true}
        %dma_wait3A_194 = arith.constant 0 : i32
        %dma_wait3A_195 = tpu.memref_slice %arg8[%add3A_84, %dma_wait3A_194] : memref<80x128xi32, #tpu.memory_space<vmem>> -> memref<1x128xi32, #tpu.memory_space<vmem>>
        %dma_wait3A_196 = tpu.memref_squeeze %dma_wait3A_195 : memref<1x128xi32, #tpu.memory_space<vmem>> -> memref<128xi32, #tpu.memory_space<vmem>>
        %dma_wait3A_197 = arith.constant 0 : i32
        %dma_wait3A_198 = arith.constant 0 : i32
        %dma_wait3A_199 = tpu.memref_slice %arg17[%dma_wait3A_197, %dma_wait3A_198] : memref<10240x40xf32, #tpu.memory_space<vmem_shared>> -> memref<10240x40xf32, #tpu.memory_space<vmem_shared>>
        tpu.wait_indirect_dma semaphore(%run_scoped3A : memref<!tpu.dma_semaphore, #tpu.memory_space<semaphore_mem>>) src(%arg10 : memref<128x40xf32, #tpu.memory_space<vmem>>) dst(%dma_wait3A_199 : memref<10240x40xf32, #tpu.memory_space<vmem_shared>>)
        tpu.yield
      }) : () -> ()
      %add3A_91 = arith.constant 1 : i32
      %add3A_92 = arith.addi %scan3A_69, %add3A_91 : i32
      %lt3A_93 = arith.constant 10 : i32
      %lt3A_94 = arith.cmpi slt, %add3A_92, %lt3A_93 : i32
      %convert_element_type3A_95 = arith.extui %lt3A_94 : i1 to i32
      %cond3A_96 = arith.constant 0 : i32
      %cond3A_97 = arith.cmpi ne, %convert_element_type3A_95, %cond3A_96 : i32
      scf.if %cond3A_97 {
        %add3A_188 = arith.constant 1 : i32
        %add3A_189 = arith.addi %scan3A_69, %add3A_188 : i32
        %mul3A_190 = arith.constant 8 : i32
        %mul3A_191 = arith.muli %mul3A_190, %add3A_189 : i32
        %add3A_192 = arith.constant 1 : i32
        %add3A_193 = arith.addi %mul3A_191, %add3A_192 : i32
        %dma_start3A_194 = arith.constant 0 : i32
        %dma_start3A_195 = tpu.memref_slice %arg7[%add3A_193, %dma_start3A_194] : memref<80x128xi32, #tpu.memory_space<vmem>> -> memref<1x128xi32, #tpu.memory_space<vmem>>
        %dma_start3A_196 = tpu.memref_squeeze %dma_start3A_195 : memref<1x128xi32, #tpu.memory_space<vmem>> -> memref<128xi32, #tpu.memory_space<vmem>>
        %dma_start3A_197 = arith.constant 0 : i32
        %dma_start3A_198 = arith.constant 0 : i32
        %dma_start3A_199 = tpu.memref_slice %arg2[%dma_start3A_197, %dma_start3A_198] : memref<10000x40xf32, #tpu.memory_space<hbm>> -> memref<10000x40xf32, #tpu.memory_space<hbm>>
        tpu.enqueue_indirect_dma source(%dma_start3A_199 : memref<10000x40xf32, #tpu.memory_space<hbm>>) target(%arg10 : memref<128x40xf32, #tpu.memory_space<vmem>>) offsets(%dma_start3A_196 : memref<128xi32, #tpu.memory_space<vmem>>) semaphore(%arg19 : memref<!tpu.dma_semaphore, #tpu.memory_space<semaphore_mem>>)
      } else {
      }
      %add3A_98 = arith.constant 2 : i32
      %add3A_99 = arith.addi %mul3A_71, %add3A_98 : i32
      %dma_wait3A_100 = arith.constant 0 : i32
      %dma_wait3A_101 = tpu.memref_slice %arg7[%add3A_99, %dma_wait3A_100] : memref<80x128xi32, #tpu.memory_space<vmem>> -> memref<1x128xi32, #tpu.memory_space<vmem>>
      %dma_wait3A_102 = tpu.memref_squeeze %dma_wait3A_101 : memref<1x128xi32, #tpu.memory_space<vmem>> -> memref<128xi32, #tpu.memory_space<vmem>>
      %dma_wait3A_103 = arith.constant 0 : i32
      %dma_wait3A_104 = arith.constant 0 : i32
      %dma_wait3A_105 = tpu.memref_slice %arg2[%dma_wait3A_103, %dma_wait3A_104] : memref<10000x40xf32, #tpu.memory_space<hbm>> -> memref<10000x40xf32, #tpu.memory_space<hbm>>
      tpu.wait_indirect_dma semaphore(%arg20 : memref<!tpu.dma_semaphore, #tpu.memory_space<semaphore_mem>>) src(%dma_wait3A_105 : memref<10000x40xf32, #tpu.memory_space<hbm>>) dst(%arg11 : memref<128x40xf32, #tpu.memory_space<vmem>>)
      "tpu.region"() ({
        %run_scoped3A = tpu.sem_alloc : memref<!tpu.dma_semaphore, #tpu.memory_space<semaphore_mem>>
        %dma_start3A_188 = arith.constant 0 : i32
        %dma_start3A_189 = tpu.memref_slice %arg8[%add3A_99, %dma_start3A_188] : memref<80x128xi32, #tpu.memory_space<vmem>> -> memref<1x128xi32, #tpu.memory_space<vmem>>
        %dma_start3A_190 = tpu.memref_squeeze %dma_start3A_189 : memref<1x128xi32, #tpu.memory_space<vmem>> -> memref<128xi32, #tpu.memory_space<vmem>>
        %dma_start3A_191 = arith.constant 0 : i32
        %dma_start3A_192 = arith.constant 0 : i32
        %dma_start3A_193 = tpu.memref_slice %arg17[%dma_start3A_191, %dma_start3A_192] : memref<10240x40xf32, #tpu.memory_space<vmem_shared>> -> memref<10240x40xf32, #tpu.memory_space<vmem_shared>>
        tpu.enqueue_indirect_dma source(%arg11 : memref<128x40xf32, #tpu.memory_space<vmem>>) target(%dma_start3A_193 : memref<10240x40xf32, #tpu.memory_space<vmem_shared>>) offsets(%dma_start3A_190 : memref<128xi32, #tpu.memory_space<vmem>>) semaphore(%run_scoped3A : memref<!tpu.dma_semaphore, #tpu.memory_space<semaphore_mem>>) {add = true}
        %dma_wait3A_194 = arith.constant 0 : i32
        %dma_wait3A_195 = tpu.memref_slice %arg8[%add3A_99, %dma_wait3A_194] : memref<80x128xi32, #tpu.memory_space<vmem>> -> memref<1x128xi32, #tpu.memory_space<vmem>>
        %dma_wait3A_196 = tpu.memref_squeeze %dma_wait3A_195 : memref<1x128xi32, #tpu.memory_space<vmem>> -> memref<128xi32, #tpu.memory_space<vmem>>
        %dma_wait3A_197 = arith.constant 0 : i32
        %dma_wait3A_198 = arith.constant 0 : i32
        %dma_wait3A_199 = tpu.memref_slice %arg17[%dma_wait3A_197, %dma_wait3A_198] : memref<10240x40xf32, #tpu.memory_space<vmem_shared>> -> memref<10240x40xf32, #tpu.memory_space<vmem_shared>>
        tpu.wait_indirect_dma semaphore(%run_scoped3A : memref<!tpu.dma_semaphore, #tpu.memory_space<semaphore_mem>>) src(%arg11 : memref<128x40xf32, #tpu.memory_space<vmem>>) dst(%dma_wait3A_199 : memref<10240x40xf32, #tpu.memory_space<vmem_shared>>)
        tpu.yield
      }) : () -> ()
      %add3A_106 = arith.constant 1 : i32
      %add3A_107 = arith.addi %scan3A_69, %add3A_106 : i32
      %lt3A_108 = arith.constant 10 : i32
      %lt3A_109 = arith.cmpi slt, %add3A_107, %lt3A_108 : i32
      %convert_element_type3A_110 = arith.extui %lt3A_109 : i1 to i32
      %cond3A_111 = arith.constant 0 : i32
      %cond3A_112 = arith.cmpi ne, %convert_element_type3A_110, %cond3A_111 : i32
      scf.if %cond3A_112 {
        %add3A_188 = arith.constant 1 : i32
        %add3A_189 = arith.addi %scan3A_69, %add3A_188 : i32
        %mul3A_190 = arith.constant 8 : i32
        %mul3A_191 = arith.muli %mul3A_190, %add3A_189 : i32
        %add3A_192 = arith.constant 2 : i32
        %add3A_193 = arith.addi %mul3A_191, %add3A_192 : i32
        %dma_start3A_194 = arith.constant 0 : i32
        %dma_start3A_195 = tpu.memref_slice %arg7[%add3A_193, %dma_start3A_194] : memref<80x128xi32, #tpu.memory_space<vmem>> -> memref<1x128xi32, #tpu.memory_space<vmem>>
        %dma_start3A_196 = tpu.memref_squeeze %dma_start3A_195 : memref<1x128xi32, #tpu.memory_space<vmem>> -> memref<128xi32, #tpu.memory_space<vmem>>
        %dma_start3A_197 = arith.constant 0 : i32
        %dma_start3A_198 = arith.constant 0 : i32
        %dma_start3A_199 = tpu.memref_slice %arg2[%dma_start3A_197, %dma_start3A_198] : memref<10000x40xf32, #tpu.memory_space<hbm>> -> memref<10000x40xf32, #tpu.memory_space<hbm>>
        tpu.enqueue_indirect_dma source(%dma_start3A_199 : memref<10000x40xf32, #tpu.memory_space<hbm>>) target(%arg11 : memref<128x40xf32, #tpu.memory_space<vmem>>) offsets(%dma_start3A_196 : memref<128xi32, #tpu.memory_space<vmem>>) semaphore(%arg20 : memref<!tpu.dma_semaphore, #tpu.memory_space<semaphore_mem>>)
      } else {
      }
      %add3A_113 = arith.constant 3 : i32
      %add3A_114 = arith.addi %mul3A_71, %add3A_113 : i32
      %dma_wait3A_115 = arith.constant 0 : i32
      %dma_wait3A_116 = tpu.memref_slice %arg7[%add3A_114, %dma_wait3A_115] : memref<80x128xi32, #tpu.memory_space<vmem>> -> memref<1x128xi32, #tpu.memory_space<vmem>>
      %dma_wait3A_117 = tpu.memref_squeeze %dma_wait3A_116 : memref<1x128xi32, #tpu.memory_space<vmem>> -> memref<128xi32, #tpu.memory_space<vmem>>
      %dma_wait3A_118 = arith.constant 0 : i32
      %dma_wait3A_119 = arith.constant 0 : i32
      %dma_wait3A_120 = tpu.memref_slice %arg2[%dma_wait3A_118, %dma_wait3A_119] : memref<10000x40xf32, #tpu.memory_space<hbm>> -> memref<10000x40xf32, #tpu.memory_space<hbm>>
      tpu.wait_indirect_dma semaphore(%arg21 : memref<!tpu.dma_semaphore, #tpu.memory_space<semaphore_mem>>) src(%dma_wait3A_120 : memref<10000x40xf32, #tpu.memory_space<hbm>>) dst(%arg12 : memref<128x40xf32, #tpu.memory_space<vmem>>)
      "tpu.region"() ({
        %run_scoped3A = tpu.sem_alloc : memref<!tpu.dma_semaphore, #tpu.memory_space<semaphore_mem>>
        %dma_start3A_188 = arith.constant 0 : i32
        %dma_start3A_189 = tpu.memref_slice %arg8[%add3A_114, %dma_start3A_188] : memref<80x128xi32, #tpu.memory_space<vmem>> -> memref<1x128xi32, #tpu.memory_space<vmem>>
        %dma_start3A_190 = tpu.memref_squeeze %dma_start3A_189 : memref<1x128xi32, #tpu.memory_space<vmem>> -> memref<128xi32, #tpu.memory_space<vmem>>
        %dma_start3A_191 = arith.constant 0 : i32
        %dma_start3A_192 = arith.constant 0 : i32
        %dma_start3A_193 = tpu.memref_slice %arg17[%dma_start3A_191, %dma_start3A_192] : memref<10240x40xf32, #tpu.memory_space<vmem_shared>> -> memref<10240x40xf32, #tpu.memory_space<vmem_shared>>
        tpu.enqueue_indirect_dma source(%arg12 : memref<128x40xf32, #tpu.memory_space<vmem>>) target(%dma_start3A_193 : memref<10240x40xf32, #tpu.memory_space<vmem_shared>>) offsets(%dma_start3A_190 : memref<128xi32, #tpu.memory_space<vmem>>) semaphore(%run_scoped3A : memref<!tpu.dma_semaphore, #tpu.memory_space<semaphore_mem>>) {add = true}
        %dma_wait3A_194 = arith.constant 0 : i32
        %dma_wait3A_195 = tpu.memref_slice %arg8[%add3A_114, %dma_wait3A_194] : memref<80x128xi32, #tpu.memory_space<vmem>> -> memref<1x128xi32, #tpu.memory_space<vmem>>
        %dma_wait3A_196 = tpu.memref_squeeze %dma_wait3A_195 : memref<1x128xi32, #tpu.memory_space<vmem>> -> memref<128xi32, #tpu.memory_space<vmem>>
        %dma_wait3A_197 = arith.constant 0 : i32
        %dma_wait3A_198 = arith.constant 0 : i32
        %dma_wait3A_199 = tpu.memref_slice %arg17[%dma_wait3A_197, %dma_wait3A_198] : memref<10240x40xf32, #tpu.memory_space<vmem_shared>> -> memref<10240x40xf32, #tpu.memory_space<vmem_shared>>
        tpu.wait_indirect_dma semaphore(%run_scoped3A : memref<!tpu.dma_semaphore, #tpu.memory_space<semaphore_mem>>) src(%arg12 : memref<128x40xf32, #tpu.memory_space<vmem>>) dst(%dma_wait3A_199 : memref<10240x40xf32, #tpu.memory_space<vmem_shared>>)
        tpu.yield
      }) : () -> ()
      %add3A_121 = arith.constant 1 : i32
      %add3A_122 = arith.addi %scan3A_69, %add3A_121 : i32
      %lt3A_123 = arith.constant 10 : i32
      %lt3A_124 = arith.cmpi slt, %add3A_122, %lt3A_123 : i32
      %convert_element_type3A_125 = arith.extui %lt3A_124 : i1 to i32
      %cond3A_126 = arith.constant 0 : i32
      %cond3A_127 = arith.cmpi ne, %convert_element_type3A_125, %cond3A_126 : i32
      scf.if %cond3A_127 {
        %add3A_188 = arith.constant 1 : i32
        %add3A_189 = arith.addi %scan3A_69, %add3A_188 : i32
        %mul3A_190 = arith.constant 8 : i32
        %mul3A_191 = arith.muli %mul3A_190, %add3A_189 : i32
        %add3A_192 = arith.constant 3 : i32
        %add3A_193 = arith.addi %mul3A_191, %add3A_192 : i32
        %dma_start3A_194 = arith.constant 0 : i32
        %dma_start3A_195 = tpu.memref_slice %arg7[%add3A_193, %dma_start3A_194] : memref<80x128xi32, #tpu.memory_space<vmem>> -> memref<1x128xi32, #tpu.memory_space<vmem>>
        %dma_start3A_196 = tpu.memref_squeeze %dma_start3A_195 : memref<1x128xi32, #tpu.memory_space<vmem>> -> memref<128xi32, #tpu.memory_space<vmem>>
        %dma_start3A_197 = arith.constant 0 : i32
        %dma_start3A_198 = arith.constant 0 : i32
        %dma_start3A_199 = tpu.memref_slice %arg2[%dma_start3A_197, %dma_start3A_198] : memref<10000x40xf32, #tpu.memory_space<hbm>> -> memref<10000x40xf32, #tpu.memory_space<hbm>>
        tpu.enqueue_indirect_dma source(%dma_start3A_199 : memref<10000x40xf32, #tpu.memory_space<hbm>>) target(%arg12 : memref<128x40xf32, #tpu.memory_space<vmem>>) offsets(%dma_start3A_196 : memref<128xi32, #tpu.memory_space<vmem>>) semaphore(%arg21 : memref<!tpu.dma_semaphore, #tpu.memory_space<semaphore_mem>>)
      } else {
      }
      %add3A_128 = arith.constant 4 : i32
      %add3A_129 = arith.addi %mul3A_71, %add3A_128 : i32
      %dma_wait3A_130 = arith.constant 0 : i32
      %dma_wait3A_131 = tpu.memref_slice %arg7[%add3A_129, %dma_wait3A_130] : memref<80x128xi32, #tpu.memory_space<vmem>> -> memref<1x128xi32, #tpu.memory_space<vmem>>
      %dma_wait3A_132 = tpu.memref_squeeze %dma_wait3A_131 : memref<1x128xi32, #tpu.memory_space<vmem>> -> memref<128xi32, #tpu.memory_space<vmem>>
      %dma_wait3A_133 = arith.constant 0 : i32
      %dma_wait3A_134 = arith.constant 0 : i32
      %dma_wait3A_135 = tpu.memref_slice %arg2[%dma_wait3A_133, %dma_wait3A_134] : memref<10000x40xf32, #tpu.memory_space<hbm>> -> memref<10000x40xf32, #tpu.memory_space<hbm>>
      tpu.wait_indirect_dma semaphore(%arg22 : memref<!tpu.dma_semaphore, #tpu.memory_space<semaphore_mem>>) src(%dma_wait3A_135 : memref<10000x40xf32, #tpu.memory_space<hbm>>) dst(%arg13 : memref<128x40xf32, #tpu.memory_space<vmem>>)
      "tpu.region"() ({
        %run_scoped3A = tpu.sem_alloc : memref<!tpu.dma_semaphore, #tpu.memory_space<semaphore_mem>>
        %dma_start3A_188 = arith.constant 0 : i32
        %dma_start3A_189 = tpu.memref_slice %arg8[%add3A_129, %dma_start3A_188] : memref<80x128xi32, #tpu.memory_space<vmem>> -> memref<1x128xi32, #tpu.memory_space<vmem>>
        %dma_start3A_190 = tpu.memref_squeeze %dma_start3A_189 : memref<1x128xi32, #tpu.memory_space<vmem>> -> memref<128xi32, #tpu.memory_space<vmem>>
        %dma_start3A_191 = arith.constant 0 : i32
        %dma_start3A_192 = arith.constant 0 : i32
        %dma_start3A_193 = tpu.memref_slice %arg17[%dma_start3A_191, %dma_start3A_192] : memref<10240x40xf32, #tpu.memory_space<vmem_shared>> -> memref<10240x40xf32, #tpu.memory_space<vmem_shared>>
        tpu.enqueue_indirect_dma source(%arg13 : memref<128x40xf32, #tpu.memory_space<vmem>>) target(%dma_start3A_193 : memref<10240x40xf32, #tpu.memory_space<vmem_shared>>) offsets(%dma_start3A_190 : memref<128xi32, #tpu.memory_space<vmem>>) semaphore(%run_scoped3A : memref<!tpu.dma_semaphore, #tpu.memory_space<semaphore_mem>>) {add = true}
        %dma_wait3A_194 = arith.constant 0 : i32
        %dma_wait3A_195 = tpu.memref_slice %arg8[%add3A_129, %dma_wait3A_194] : memref<80x128xi32, #tpu.memory_space<vmem>> -> memref<1x128xi32, #tpu.memory_space<vmem>>
        %dma_wait3A_196 = tpu.memref_squeeze %dma_wait3A_195 : memref<1x128xi32, #tpu.memory_space<vmem>> -> memref<128xi32, #tpu.memory_space<vmem>>
        %dma_wait3A_197 = arith.constant 0 : i32
        %dma_wait3A_198 = arith.constant 0 : i32
        %dma_wait3A_199 = tpu.memref_slice %arg17[%dma_wait3A_197, %dma_wait3A_198] : memref<10240x40xf32, #tpu.memory_space<vmem_shared>> -> memref<10240x40xf32, #tpu.memory_space<vmem_shared>>
        tpu.wait_indirect_dma semaphore(%run_scoped3A : memref<!tpu.dma_semaphore, #tpu.memory_space<semaphore_mem>>) src(%arg13 : memref<128x40xf32, #tpu.memory_space<vmem>>) dst(%dma_wait3A_199 : memref<10240x40xf32, #tpu.memory_space<vmem_shared>>)
        tpu.yield
      }) : () -> ()
      %add3A_136 = arith.constant 1 : i32
      %add3A_137 = arith.addi %scan3A_69, %add3A_136 : i32
      %lt3A_138 = arith.constant 10 : i32
      %lt3A_139 = arith.cmpi slt, %add3A_137, %lt3A_138 : i32
      %convert_element_type3A_140 = arith.extui %lt3A_139 : i1 to i32
      %cond3A_141 = arith.constant 0 : i32
      %cond3A_142 = arith.cmpi ne, %convert_element_type3A_140, %cond3A_141 : i32
      scf.if %cond3A_142 {
        %add3A_188 = arith.constant 1 : i32
        %add3A_189 = arith.addi %scan3A_69, %add3A_188 : i32
        %mul3A_190 = arith.constant 8 : i32
        %mul3A_191 = arith.muli %mul3A_190, %add3A_189 : i32
        %add3A_192 = arith.constant 4 : i32
        %add3A_193 = arith.addi %mul3A_191, %add3A_192 : i32
        %dma_start3A_194 = arith.constant 0 : i32
        %dma_start3A_195 = tpu.memref_slice %arg7[%add3A_193, %dma_start3A_194] : memref<80x128xi32, #tpu.memory_space<vmem>> -> memref<1x128xi32, #tpu.memory_space<vmem>>
        %dma_start3A_196 = tpu.memref_squeeze %dma_start3A_195 : memref<1x128xi32, #tpu.memory_space<vmem>> -> memref<128xi32, #tpu.memory_space<vmem>>
        %dma_start3A_197 = arith.constant 0 : i32
        %dma_start3A_198 = arith.constant 0 : i32
        %dma_start3A_199 = tpu.memref_slice %arg2[%dma_start3A_197, %dma_start3A_198] : memref<10000x40xf32, #tpu.memory_space<hbm>> -> memref<10000x40xf32, #tpu.memory_space<hbm>>
        tpu.enqueue_indirect_dma source(%dma_start3A_199 : memref<10000x40xf32, #tpu.memory_space<hbm>>) target(%arg13 : memref<128x40xf32, #tpu.memory_space<vmem>>) offsets(%dma_start3A_196 : memref<128xi32, #tpu.memory_space<vmem>>) semaphore(%arg22 : memref<!tpu.dma_semaphore, #tpu.memory_space<semaphore_mem>>)
      } else {
      }
      %add3A_143 = arith.constant 5 : i32
      %add3A_144 = arith.addi %mul3A_71, %add3A_143 : i32
      %dma_wait3A_145 = arith.constant 0 : i32
      %dma_wait3A_146 = tpu.memref_slice %arg7[%add3A_144, %dma_wait3A_145] : memref<80x128xi32, #tpu.memory_space<vmem>> -> memref<1x128xi32, #tpu.memory_space<vmem>>
      %dma_wait3A_147 = tpu.memref_squeeze %dma_wait3A_146 : memref<1x128xi32, #tpu.memory_space<vmem>> -> memref<128xi32, #tpu.memory_space<vmem>>
      %dma_wait3A_148 = arith.constant 0 : i32
      %dma_wait3A_149 = arith.constant 0 : i32
      %dma_wait3A_150 = tpu.memref_slice %arg2[%dma_wait3A_148, %dma_wait3A_149] : memref<10000x40xf32, #tpu.memory_space<hbm>> -> memref<10000x40xf32, #tpu.memory_space<hbm>>
      tpu.wait_indirect_dma semaphore(%arg23 : memref<!tpu.dma_semaphore, #tpu.memory_space<semaphore_mem>>) src(%dma_wait3A_150 : memref<10000x40xf32, #tpu.memory_space<hbm>>) dst(%arg14 : memref<128x40xf32, #tpu.memory_space<vmem>>)
      "tpu.region"() ({
        %run_scoped3A = tpu.sem_alloc : memref<!tpu.dma_semaphore, #tpu.memory_space<semaphore_mem>>
        %dma_start3A_188 = arith.constant 0 : i32
        %dma_start3A_189 = tpu.memref_slice %arg8[%add3A_144, %dma_start3A_188] : memref<80x128xi32, #tpu.memory_space<vmem>> -> memref<1x128xi32, #tpu.memory_space<vmem>>
        %dma_start3A_190 = tpu.memref_squeeze %dma_start3A_189 : memref<1x128xi32, #tpu.memory_space<vmem>> -> memref<128xi32, #tpu.memory_space<vmem>>
        %dma_start3A_191 = arith.constant 0 : i32
        %dma_start3A_192 = arith.constant 0 : i32
        %dma_start3A_193 = tpu.memref_slice %arg17[%dma_start3A_191, %dma_start3A_192] : memref<10240x40xf32, #tpu.memory_space<vmem_shared>> -> memref<10240x40xf32, #tpu.memory_space<vmem_shared>>
        tpu.enqueue_indirect_dma source(%arg14 : memref<128x40xf32, #tpu.memory_space<vmem>>) target(%dma_start3A_193 : memref<10240x40xf32, #tpu.memory_space<vmem_shared>>) offsets(%dma_start3A_190 : memref<128xi32, #tpu.memory_space<vmem>>) semaphore(%run_scoped3A : memref<!tpu.dma_semaphore, #tpu.memory_space<semaphore_mem>>) {add = true}
        %dma_wait3A_194 = arith.constant 0 : i32
        %dma_wait3A_195 = tpu.memref_slice %arg8[%add3A_144, %dma_wait3A_194] : memref<80x128xi32, #tpu.memory_space<vmem>> -> memref<1x128xi32, #tpu.memory_space<vmem>>
        %dma_wait3A_196 = tpu.memref_squeeze %dma_wait3A_195 : memref<1x128xi32, #tpu.memory_space<vmem>> -> memref<128xi32, #tpu.memory_space<vmem>>
        %dma_wait3A_197 = arith.constant 0 : i32
        %dma_wait3A_198 = arith.constant 0 : i32
        %dma_wait3A_199 = tpu.memref_slice %arg17[%dma_wait3A_197, %dma_wait3A_198] : memref<10240x40xf32, #tpu.memory_space<vmem_shared>> -> memref<10240x40xf32, #tpu.memory_space<vmem_shared>>
        tpu.wait_indirect_dma semaphore(%run_scoped3A : memref<!tpu.dma_semaphore, #tpu.memory_space<semaphore_mem>>) src(%arg14 : memref<128x40xf32, #tpu.memory_space<vmem>>) dst(%dma_wait3A_199 : memref<10240x40xf32, #tpu.memory_space<vmem_shared>>)
        tpu.yield
      }) : () -> ()
      %add3A_151 = arith.constant 1 : i32
      %add3A_152 = arith.addi %scan3A_69, %add3A_151 : i32
      %lt3A_153 = arith.constant 10 : i32
      %lt3A_154 = arith.cmpi slt, %add3A_152, %lt3A_153 : i32
      %convert_element_type3A_155 = arith.extui %lt3A_154 : i1 to i32
      %cond3A_156 = arith.constant 0 : i32
      %cond3A_157 = arith.cmpi ne, %convert_element_type3A_155, %cond3A_156 : i32
      scf.if %cond3A_157 {
        %add3A_188 = arith.constant 1 : i32
        %add3A_189 = arith.addi %scan3A_69, %add3A_188 : i32
        %mul3A_190 = arith.constant 8 : i32
        %mul3A_191 = arith.muli %mul3A_190, %add3A_189 : i32
        %add3A_192 = arith.constant 5 : i32
        %add3A_193 = arith.addi %mul3A_191, %add3A_192 : i32
        %dma_start3A_194 = arith.constant 0 : i32
        %dma_start3A_195 = tpu.memref_slice %arg7[%add3A_193, %dma_start3A_194] : memref<80x128xi32, #tpu.memory_space<vmem>> -> memref<1x128xi32, #tpu.memory_space<vmem>>
        %dma_start3A_196 = tpu.memref_squeeze %dma_start3A_195 : memref<1x128xi32, #tpu.memory_space<vmem>> -> memref<128xi32, #tpu.memory_space<vmem>>
        %dma_start3A_197 = arith.constant 0 : i32
        %dma_start3A_198 = arith.constant 0 : i32
        %dma_start3A_199 = tpu.memref_slice %arg2[%dma_start3A_197, %dma_start3A_198] : memref<10000x40xf32, #tpu.memory_space<hbm>> -> memref<10000x40xf32, #tpu.memory_space<hbm>>
        tpu.enqueue_indirect_dma source(%dma_start3A_199 : memref<10000x40xf32, #tpu.memory_space<hbm>>) target(%arg14 : memref<128x40xf32, #tpu.memory_space<vmem>>) offsets(%dma_start3A_196 : memref<128xi32, #tpu.memory_space<vmem>>) semaphore(%arg23 : memref<!tpu.dma_semaphore, #tpu.memory_space<semaphore_mem>>)
      } else {
      }
      %add3A_158 = arith.constant 6 : i32
      %add3A_159 = arith.addi %mul3A_71, %add3A_158 : i32
      %dma_wait3A_160 = arith.constant 0 : i32
      %dma_wait3A_161 = tpu.memref_slice %arg7[%add3A_159, %dma_wait3A_160] : memref<80x128xi32, #tpu.memory_space<vmem>> -> memref<1x128xi32, #tpu.memory_space<vmem>>
      %dma_wait3A_162 = tpu.memref_squeeze %dma_wait3A_161 : memref<1x128xi32, #tpu.memory_space<vmem>> -> memref<128xi32, #tpu.memory_space<vmem>>
      %dma_wait3A_163 = arith.constant 0 : i32
      %dma_wait3A_164 = arith.constant 0 : i32
      %dma_wait3A_165 = tpu.memref_slice %arg2[%dma_wait3A_163, %dma_wait3A_164] : memref<10000x40xf32, #tpu.memory_space<hbm>> -> memref<10000x40xf32, #tpu.memory_space<hbm>>
      tpu.wait_indirect_dma semaphore(%arg24 : memref<!tpu.dma_semaphore, #tpu.memory_space<semaphore_mem>>) src(%dma_wait3A_165 : memref<10000x40xf32, #tpu.memory_space<hbm>>) dst(%arg15 : memref<128x40xf32, #tpu.memory_space<vmem>>)
      "tpu.region"() ({
        %run_scoped3A = tpu.sem_alloc : memref<!tpu.dma_semaphore, #tpu.memory_space<semaphore_mem>>
        %dma_start3A_188 = arith.constant 0 : i32
        %dma_start3A_189 = tpu.memref_slice %arg8[%add3A_159, %dma_start3A_188] : memref<80x128xi32, #tpu.memory_space<vmem>> -> memref<1x128xi32, #tpu.memory_space<vmem>>
        %dma_start3A_190 = tpu.memref_squeeze %dma_start3A_189 : memref<1x128xi32, #tpu.memory_space<vmem>> -> memref<128xi32, #tpu.memory_space<vmem>>
        %dma_start3A_191 = arith.constant 0 : i32
        %dma_start3A_192 = arith.constant 0 : i32
        %dma_start3A_193 = tpu.memref_slice %arg17[%dma_start3A_191, %dma_start3A_192] : memref<10240x40xf32, #tpu.memory_space<vmem_shared>> -> memref<10240x40xf32, #tpu.memory_space<vmem_shared>>
        tpu.enqueue_indirect_dma source(%arg15 : memref<128x40xf32, #tpu.memory_space<vmem>>) target(%dma_start3A_193 : memref<10240x40xf32, #tpu.memory_space<vmem_shared>>) offsets(%dma_start3A_190 : memref<128xi32, #tpu.memory_space<vmem>>) semaphore(%run_scoped3A : memref<!tpu.dma_semaphore, #tpu.memory_space<semaphore_mem>>) {add = true}
        %dma_wait3A_194 = arith.constant 0 : i32
        %dma_wait3A_195 = tpu.memref_slice %arg8[%add3A_159, %dma_wait3A_194] : memref<80x128xi32, #tpu.memory_space<vmem>> -> memref<1x128xi32, #tpu.memory_space<vmem>>
        %dma_wait3A_196 = tpu.memref_squeeze %dma_wait3A_195 : memref<1x128xi32, #tpu.memory_space<vmem>> -> memref<128xi32, #tpu.memory_space<vmem>>
        %dma_wait3A_197 = arith.constant 0 : i32
        %dma_wait3A_198 = arith.constant 0 : i32
        %dma_wait3A_199 = tpu.memref_slice %arg17[%dma_wait3A_197, %dma_wait3A_198] : memref<10240x40xf32, #tpu.memory_space<vmem_shared>> -> memref<10240x40xf32, #tpu.memory_space<vmem_shared>>
        tpu.wait_indirect_dma semaphore(%run_scoped3A : memref<!tpu.dma_semaphore, #tpu.memory_space<semaphore_mem>>) src(%arg15 : memref<128x40xf32, #tpu.memory_space<vmem>>) dst(%dma_wait3A_199 : memref<10240x40xf32, #tpu.memory_space<vmem_shared>>)
        tpu.yield
      }) : () -> ()
      %add3A_166 = arith.constant 1 : i32
      %add3A_167 = arith.addi %scan3A_69, %add3A_166 : i32
      %lt3A_168 = arith.constant 10 : i32
      %lt3A_169 = arith.cmpi slt, %add3A_167, %lt3A_168 : i32
      %convert_element_type3A_170 = arith.extui %lt3A_169 : i1 to i32
      %cond3A_171 = arith.constant 0 : i32
      %cond3A_172 = arith.cmpi ne, %convert_element_type3A_170, %cond3A_171 : i32
      scf.if %cond3A_172 {
        %add3A_188 = arith.constant 1 : i32
        %add3A_189 = arith.addi %scan3A_69, %add3A_188 : i32
        %mul3A_190 = arith.constant 8 : i32
        %mul3A_191 = arith.muli %mul3A_190, %add3A_189 : i32
        %add3A_192 = arith.constant 6 : i32
        %add3A_193 = arith.addi %mul3A_191, %add3A_192 : i32
        %dma_start3A_194 = arith.constant 0 : i32
        %dma_start3A_195 = tpu.memref_slice %arg7[%add3A_193, %dma_start3A_194] : memref<80x128xi32, #tpu.memory_space<vmem>> -> memref<1x128xi32, #tpu.memory_space<vmem>>
        %dma_start3A_196 = tpu.memref_squeeze %dma_start3A_195 : memref<1x128xi32, #tpu.memory_space<vmem>> -> memref<128xi32, #tpu.memory_space<vmem>>
        %dma_start3A_197 = arith.constant 0 : i32
        %dma_start3A_198 = arith.constant 0 : i32
        %dma_start3A_199 = tpu.memref_slice %arg2[%dma_start3A_197, %dma_start3A_198] : memref<10000x40xf32, #tpu.memory_space<hbm>> -> memref<10000x40xf32, #tpu.memory_space<hbm>>
        tpu.enqueue_indirect_dma source(%dma_start3A_199 : memref<10000x40xf32, #tpu.memory_space<hbm>>) target(%arg15 : memref<128x40xf32, #tpu.memory_space<vmem>>) offsets(%dma_start3A_196 : memref<128xi32, #tpu.memory_space<vmem>>) semaphore(%arg24 : memref<!tpu.dma_semaphore, #tpu.memory_space<semaphore_mem>>)
      } else {
      }
      %add3A_173 = arith.constant 7 : i32
      %add3A_174 = arith.addi %mul3A_71, %add3A_173 : i32
      %dma_wait3A_175 = arith.constant 0 : i32
      %dma_wait3A_176 = tpu.memref_slice %arg7[%add3A_174, %dma_wait3A_175] : memref<80x128xi32, #tpu.memory_space<vmem>> -> memref<1x128xi32, #tpu.memory_space<vmem>>
      %dma_wait3A_177 = tpu.memref_squeeze %dma_wait3A_176 : memref<1x128xi32, #tpu.memory_space<vmem>> -> memref<128xi32, #tpu.memory_space<vmem>>
      %dma_wait3A_178 = arith.constant 0 : i32
      %dma_wait3A_179 = arith.constant 0 : i32
      %dma_wait3A_180 = tpu.memref_slice %arg2[%dma_wait3A_178, %dma_wait3A_179] : memref<10000x40xf32, #tpu.memory_space<hbm>> -> memref<10000x40xf32, #tpu.memory_space<hbm>>
      tpu.wait_indirect_dma semaphore(%arg25 : memref<!tpu.dma_semaphore, #tpu.memory_space<semaphore_mem>>) src(%dma_wait3A_180 : memref<10000x40xf32, #tpu.memory_space<hbm>>) dst(%arg16 : memref<128x40xf32, #tpu.memory_space<vmem>>)
      "tpu.region"() ({
        %run_scoped3A = tpu.sem_alloc : memref<!tpu.dma_semaphore, #tpu.memory_space<semaphore_mem>>
        %dma_start3A_188 = arith.constant 0 : i32
        %dma_start3A_189 = tpu.memref_slice %arg8[%add3A_174, %dma_start3A_188] : memref<80x128xi32, #tpu.memory_space<vmem>> -> memref<1x128xi32, #tpu.memory_space<vmem>>
        %dma_start3A_190 = tpu.memref_squeeze %dma_start3A_189 : memref<1x128xi32, #tpu.memory_space<vmem>> -> memref<128xi32, #tpu.memory_space<vmem>>
        %dma_start3A_191 = arith.constant 0 : i32
        %dma_start3A_192 = arith.constant 0 : i32
        %dma_start3A_193 = tpu.memref_slice %arg17[%dma_start3A_191, %dma_start3A_192] : memref<10240x40xf32, #tpu.memory_space<vmem_shared>> -> memref<10240x40xf32, #tpu.memory_space<vmem_shared>>
        tpu.enqueue_indirect_dma source(%arg16 : memref<128x40xf32, #tpu.memory_space<vmem>>) target(%dma_start3A_193 : memref<10240x40xf32, #tpu.memory_space<vmem_shared>>) offsets(%dma_start3A_190 : memref<128xi32, #tpu.memory_space<vmem>>) semaphore(%run_scoped3A : memref<!tpu.dma_semaphore, #tpu.memory_space<semaphore_mem>>) {add = true}
        %dma_wait3A_194 = arith.constant 0 : i32
        %dma_wait3A_195 = tpu.memref_slice %arg8[%add3A_174, %dma_wait3A_194] : memref<80x128xi32, #tpu.memory_space<vmem>> -> memref<1x128xi32, #tpu.memory_space<vmem>>
        %dma_wait3A_196 = tpu.memref_squeeze %dma_wait3A_195 : memref<1x128xi32, #tpu.memory_space<vmem>> -> memref<128xi32, #tpu.memory_space<vmem>>
        %dma_wait3A_197 = arith.constant 0 : i32
        %dma_wait3A_198 = arith.constant 0 : i32
        %dma_wait3A_199 = tpu.memref_slice %arg17[%dma_wait3A_197, %dma_wait3A_198] : memref<10240x40xf32, #tpu.memory_space<vmem_shared>> -> memref<10240x40xf32, #tpu.memory_space<vmem_shared>>
        tpu.wait_indirect_dma semaphore(%run_scoped3A : memref<!tpu.dma_semaphore, #tpu.memory_space<semaphore_mem>>) src(%arg16 : memref<128x40xf32, #tpu.memory_space<vmem>>) dst(%dma_wait3A_199 : memref<10240x40xf32, #tpu.memory_space<vmem_shared>>)
        tpu.yield
      }) : () -> ()
      %add3A_181 = arith.constant 1 : i32
      %add3A_182 = arith.addi %scan3A_69, %add3A_181 : i32
      %lt3A_183 = arith.constant 10 : i32
      %lt3A_184 = arith.cmpi slt, %add3A_182, %lt3A_183 : i32
      %convert_element_type3A_185 = arith.extui %lt3A_184 : i1 to i32
      %cond3A_186 = arith.constant 0 : i32
      %cond3A_187 = arith.cmpi ne, %convert_element_type3A_185, %cond3A_186 : i32
      scf.if %cond3A_187 {
        %add3A_188 = arith.constant 1 : i32
        %add3A_189 = arith.addi %scan3A_69, %add3A_188 : i32
        %mul3A_190 = arith.constant 8 : i32
        %mul3A_191 = arith.muli %mul3A_190, %add3A_189 : i32
        %add3A_192 = arith.constant 7 : i32
        %add3A_193 = arith.addi %mul3A_191, %add3A_192 : i32
        %dma_start3A_194 = arith.constant 0 : i32
        %dma_start3A_195 = tpu.memref_slice %arg7[%add3A_193, %dma_start3A_194] : memref<80x128xi32, #tpu.memory_space<vmem>> -> memref<1x128xi32, #tpu.memory_space<vmem>>
        %dma_start3A_196 = tpu.memref_squeeze %dma_start3A_195 : memref<1x128xi32, #tpu.memory_space<vmem>> -> memref<128xi32, #tpu.memory_space<vmem>>
        %dma_start3A_197 = arith.constant 0 : i32
        %dma_start3A_198 = arith.constant 0 : i32
        %dma_start3A_199 = tpu.memref_slice %arg2[%dma_start3A_197, %dma_start3A_198] : memref<10000x40xf32, #tpu.memory_space<hbm>> -> memref<10000x40xf32, #tpu.memory_space<hbm>>
        tpu.enqueue_indirect_dma source(%dma_start3A_199 : memref<10000x40xf32, #tpu.memory_space<hbm>>) target(%arg16 : memref<128x40xf32, #tpu.memory_space<vmem>>) offsets(%dma_start3A_196 : memref<128xi32, #tpu.memory_space<vmem>>) semaphore(%arg25 : memref<!tpu.dma_semaphore, #tpu.memory_space<semaphore_mem>>)
      } else {
      }
    }
    %scan3A_63 = arith.constant 10 : i32
    %barrier3A_64 = arith.constant 0 : index
    tpu.barrier barrier_id(%barrier3A_64)
    %mul3A_65 = arith.constant 640 : i32
    %mul3A_66 = arith.muli %arg1, %mul3A_65 : i32
    %mul3A_67 = arith.constant 640 : i32
    %mul3A_68 = arith.muli %arg1, %mul3A_67 : i32
    "tpu.region"() ({
      %run_scoped3A = tpu.sem_alloc : memref<!tpu.dma_semaphore, #tpu.memory_space<semaphore_mem>>
      %dma_start3A_69 = arith.constant 0 : i32
      %dma_start3A_70 = tpu.memref_slice %arg6[%arg0, %mul3A_68, %dma_start3A_69] : memref<2x10240x40xf32, #tpu.memory_space<hbm>> -> memref<1x640x40xf32, #tpu.memory_space<hbm>>
      %dma_start3A_71 = tpu.memref_squeeze %dma_start3A_70 : memref<1x640x40xf32, #tpu.memory_space<hbm>> -> memref<640x40xf32, #tpu.memory_space<hbm>>
      %dma_start3A_72 = arith.constant 0 : i32
      %dma_start3A_73 = tpu.memref_slice %arg17[%mul3A_66, %dma_start3A_72] : memref<10240x40xf32, #tpu.memory_space<vmem_shared>> -> memref<640x40xf32, #tpu.memory_space<vmem_shared>>
      tpu.enqueue_dma source(%dma_start3A_73 : memref<640x40xf32, #tpu.memory_space<vmem_shared>>) target(%dma_start3A_71 : memref<640x40xf32, #tpu.memory_space<hbm>>) target_semaphore(%run_scoped3A : memref<!tpu.dma_semaphore, #tpu.memory_space<semaphore_mem>>)
      %dma_wait3A = arith.constant 0 : i32
      %dma_wait3A_74 = tpu.memref_slice %arg6[%arg0, %mul3A_68, %dma_wait3A] : memref<2x10240x40xf32, #tpu.memory_space<hbm>> -> memref<1x640x40xf32, #tpu.memory_space<hbm>>
      %dma_wait3A_75 = tpu.memref_squeeze %dma_wait3A_74 : memref<1x640x40xf32, #tpu.memory_space<hbm>> -> memref<640x40xf32, #tpu.memory_space<hbm>>
      %dma_wait3A_76 = arith.constant 0 : i32
      %dma_wait3A_77 = tpu.memref_slice %arg17[%mul3A_66, %dma_wait3A_76] : memref<10240x40xf32, #tpu.memory_space<vmem_shared>> -> memref<640x40xf32, #tpu.memory_space<vmem_shared>>
      tpu.wait_dma2 semaphore(%run_scoped3A : memref<!tpu.dma_semaphore, #tpu.memory_space<semaphore_mem>>) src(%dma_wait3A_77 : memref<640x40xf32, #tpu.memory_space<vmem_shared>>) dst(%dma_wait3A_75 : memref<640x40xf32, #tpu.memory_space<hbm>>)
      tpu.yield
    }) : () -> ()
    return
  }
}

#map = affine_map<(d0, d1) -> (0, 0, 0)>
#map1 = affine_map<(d0, d1) -> (0)>
#map2 = affine_map<(d0, d1) -> (0, 0)>
module attributes {stable_mosaic.version = 14 : i64} {
  func.func @deg_kernel(%arg0: i32, %arg1: i32, %arg2: memref<32x80x128xi32, #tpu.memory_space<hbm>>, %arg3: memref<10240xf32, #tpu.memory_space<hbm>>, %arg4: memref<2x10240xf32, #tpu.memory_space<hbm>>, %arg5: memref<80x128xi32, #tpu.memory_space<vmem>>, %arg6: memref<128xf32, #tpu.memory_space<vmem>>, %arg7: memref<10240xf32, #tpu.memory_space<vmem_shared>>) attributes {dimension_semantics = [#tpu.dimension_semantics<core_parallel>, #tpu.dimension_semantics<subcore_parallel>], iteration_bounds = array<i64: 2, 16>, scalar_prefetch = 0 : i64, scratch_operands = 3 : i64, tpu.core_type = #tpu.core_type<sc_vector_subcore>, window_params = [{transform_indices = #map}, {transform_indices = #map1}, {transform_indices = #map2}]} {
    %mul3A = arith.constant 16 : i32
    %mul3A_0 = arith.muli %arg0, %mul3A : i32
    %add3A = arith.addi %mul3A_0, %arg1 : i32
    "tpu.region"() ({
      %run_scoped3A = tpu.sem_alloc : memref<!tpu.dma_semaphore, #tpu.memory_space<semaphore_mem>>
      %dma_start3A = arith.constant 0 : i32
      %dma_start3A_60 = arith.constant 0 : i32
      %dma_start3A_61 = tpu.memref_slice %arg2[%add3A, %dma_start3A, %dma_start3A_60] : memref<32x80x128xi32, #tpu.memory_space<hbm>> -> memref<1x80x128xi32, #tpu.memory_space<hbm>>
      %dma_start3A_62 = tpu.memref_squeeze %dma_start3A_61 : memref<1x80x128xi32, #tpu.memory_space<hbm>> -> memref<80x128xi32, #tpu.memory_space<hbm>>
      %dma_start3A_63 = arith.constant 0 : i32
      %dma_start3A_64 = arith.constant 0 : i32
      %dma_start3A_65 = tpu.memref_slice %arg2[%add3A, %dma_start3A_63, %dma_start3A_64] : memref<32x80x128xi32, #tpu.memory_space<hbm>> -> memref<1x80x128xi32, #tpu.memory_space<hbm>>
      %dma_start3A_66 = tpu.memref_squeeze %dma_start3A_65 : memref<1x80x128xi32, #tpu.memory_space<hbm>> -> memref<80x128xi32, #tpu.memory_space<hbm>>
      tpu.enqueue_dma source(%dma_start3A_66 : memref<80x128xi32, #tpu.memory_space<hbm>>) target(%arg5 : memref<80x128xi32, #tpu.memory_space<vmem>>) target_semaphore(%run_scoped3A : memref<!tpu.dma_semaphore, #tpu.memory_space<semaphore_mem>>)
      %dma_wait3A = arith.constant 0 : i32
      %dma_wait3A_67 = arith.constant 0 : i32
      %dma_wait3A_68 = tpu.memref_slice %arg2[%add3A, %dma_wait3A, %dma_wait3A_67] : memref<32x80x128xi32, #tpu.memory_space<hbm>> -> memref<1x80x128xi32, #tpu.memory_space<hbm>>
      %dma_wait3A_69 = tpu.memref_squeeze %dma_wait3A_68 : memref<1x80x128xi32, #tpu.memory_space<hbm>> -> memref<80x128xi32, #tpu.memory_space<hbm>>
      %dma_wait3A_70 = arith.constant 0 : i32
      %dma_wait3A_71 = arith.constant 0 : i32
      %dma_wait3A_72 = tpu.memref_slice %arg2[%add3A, %dma_wait3A_70, %dma_wait3A_71] : memref<32x80x128xi32, #tpu.memory_space<hbm>> -> memref<1x80x128xi32, #tpu.memory_space<hbm>>
      %dma_wait3A_73 = tpu.memref_squeeze %dma_wait3A_72 : memref<1x80x128xi32, #tpu.memory_space<hbm>> -> memref<80x128xi32, #tpu.memory_space<hbm>>
      tpu.wait_dma2 semaphore(%run_scoped3A : memref<!tpu.dma_semaphore, #tpu.memory_space<semaphore_mem>>) src(%dma_wait3A_73 : memref<80x128xi32, #tpu.memory_space<hbm>>) dst(%arg5 : memref<80x128xi32, #tpu.memory_space<vmem>>)
      tpu.yield
    }) : () -> ()
    %broadcast_in_dim3A = arith.constant 1.000000e+00 : f32
    %broadcast_in_dim3A_1 = vector.broadcast %broadcast_in_dim3A : f32 to vector<16xf32>
    %swap3A = arith.constant 0 : index
    %swap3A_2 = tpu.vector_load %arg6[%swap3A] {strides = array<i32>} : memref<128xf32, #tpu.memory_space<vmem>>, vector<16xf32>,
    %swap3A_3 = vector.shape_cast %swap3A_2 : vector<16xf32> to vector<16xf32>
    %swap3A_4 = vector.shape_cast %broadcast_in_dim3A_1 : vector<16xf32> to vector<16xf32>
    tpu.vector_store %arg6[%swap3A], %swap3A_4 {strides = array<i32>} : memref<128xf32, #tpu.memory_space<vmem>>, vector<16xf32>,
    %broadcast_in_dim3A_5 = arith.constant 1.000000e+00 : f32
    %broadcast_in_dim3A_6 = vector.broadcast %broadcast_in_dim3A_5 : f32 to vector<16xf32>
    %swap3A_7 = arith.constant 16 : index
    %swap3A_8 = tpu.vector_load %arg6[%swap3A_7] {strides = array<i32>} : memref<128xf32, #tpu.memory_space<vmem>>, vector<16xf32>,
    %swap3A_9 = vector.shape_cast %swap3A_8 : vector<16xf32> to vector<16xf32>
    %swap3A_10 = vector.shape_cast %broadcast_in_dim3A_6 : vector<16xf32> to vector<16xf32>
    tpu.vector_store %arg6[%swap3A_7], %swap3A_10 {strides = array<i32>} : memref<128xf32, #tpu.memory_space<vmem>>, vector<16xf32>,
    %broadcast_in_dim3A_11 = arith.constant 1.000000e+00 : f32
    %broadcast_in_dim3A_12 = vector.broadcast %broadcast_in_dim3A_11 : f32 to vector<16xf32>
    %swap3A_13 = arith.constant 32 : index
    %swap3A_14 = tpu.vector_load %arg6[%swap3A_13] {strides = array<i32>} : memref<128xf32, #tpu.memory_space<vmem>>, vector<16xf32>,
    %swap3A_15 = vector.shape_cast %swap3A_14 : vector<16xf32> to vector<16xf32>
    %swap3A_16 = vector.shape_cast %broadcast_in_dim3A_12 : vector<16xf32> to vector<16xf32>
    tpu.vector_store %arg6[%swap3A_13], %swap3A_16 {strides = array<i32>} : memref<128xf32, #tpu.memory_space<vmem>>, vector<16xf32>,
    %broadcast_in_dim3A_17 = arith.constant 1.000000e+00 : f32
    %broadcast_in_dim3A_18 = vector.broadcast %broadcast_in_dim3A_17 : f32 to vector<16xf32>
    %swap3A_19 = arith.constant 48 : index
    %swap3A_20 = tpu.vector_load %arg6[%swap3A_19] {strides = array<i32>} : memref<128xf32, #tpu.memory_space<vmem>>, vector<16xf32>,
    %swap3A_21 = vector.shape_cast %swap3A_20 : vector<16xf32> to vector<16xf32>
    %swap3A_22 = vector.shape_cast %broadcast_in_dim3A_18 : vector<16xf32> to vector<16xf32>
    tpu.vector_store %arg6[%swap3A_19], %swap3A_22 {strides = array<i32>} : memref<128xf32, #tpu.memory_space<vmem>>, vector<16xf32>,
    %broadcast_in_dim3A_23 = arith.constant 1.000000e+00 : f32
    %broadcast_in_dim3A_24 = vector.broadcast %broadcast_in_dim3A_23 : f32 to vector<16xf32>
    %swap3A_25 = arith.constant 64 : index
    %swap3A_26 = tpu.vector_load %arg6[%swap3A_25] {strides = array<i32>} : memref<128xf32, #tpu.memory_space<vmem>>, vector<16xf32>,
    %swap3A_27 = vector.shape_cast %swap3A_26 : vector<16xf32> to vector<16xf32>
    %swap3A_28 = vector.shape_cast %broadcast_in_dim3A_24 : vector<16xf32> to vector<16xf32>
    tpu.vector_store %arg6[%swap3A_25], %swap3A_28 {strides = array<i32>} : memref<128xf32, #tpu.memory_space<vmem>>, vector<16xf32>,
    %broadcast_in_dim3A_29 = arith.constant 1.000000e+00 : f32
    %broadcast_in_dim3A_30 = vector.broadcast %broadcast_in_dim3A_29 : f32 to vector<16xf32>
    %swap3A_31 = arith.constant 80 : index
    %swap3A_32 = tpu.vector_load %arg6[%swap3A_31] {strides = array<i32>} : memref<128xf32, #tpu.memory_space<vmem>>, vector<16xf32>,
    %swap3A_33 = vector.shape_cast %swap3A_32 : vector<16xf32> to vector<16xf32>
    %swap3A_34 = vector.shape_cast %broadcast_in_dim3A_30 : vector<16xf32> to vector<16xf32>
    tpu.vector_store %arg6[%swap3A_31], %swap3A_34 {strides = array<i32>} : memref<128xf32, #tpu.memory_space<vmem>>, vector<16xf32>,
    %broadcast_in_dim3A_35 = arith.constant 1.000000e+00 : f32
    %broadcast_in_dim3A_36 = vector.broadcast %broadcast_in_dim3A_35 : f32 to vector<16xf32>
    %swap3A_37 = arith.constant 96 : index
    %swap3A_38 = tpu.vector_load %arg6[%swap3A_37] {strides = array<i32>} : memref<128xf32, #tpu.memory_space<vmem>>, vector<16xf32>,
    %swap3A_39 = vector.shape_cast %swap3A_38 : vector<16xf32> to vector<16xf32>
    %swap3A_40 = vector.shape_cast %broadcast_in_dim3A_36 : vector<16xf32> to vector<16xf32>
    tpu.vector_store %arg6[%swap3A_37], %swap3A_40 {strides = array<i32>} : memref<128xf32, #tpu.memory_space<vmem>>, vector<16xf32>,
    %broadcast_in_dim3A_41 = arith.constant 1.000000e+00 : f32
    %broadcast_in_dim3A_42 = vector.broadcast %broadcast_in_dim3A_41 : f32 to vector<16xf32>
    %swap3A_43 = arith.constant 112 : index
    %swap3A_44 = tpu.vector_load %arg6[%swap3A_43] {strides = array<i32>} : memref<128xf32, #tpu.memory_space<vmem>>, vector<16xf32>,
    %swap3A_45 = vector.shape_cast %swap3A_44 : vector<16xf32> to vector<16xf32>
    %swap3A_46 = vector.shape_cast %broadcast_in_dim3A_42 : vector<16xf32> to vector<16xf32>
    tpu.vector_store %arg6[%swap3A_43], %swap3A_46 {strides = array<i32>} : memref<128xf32, #tpu.memory_space<vmem>>, vector<16xf32>,
    %mul3A_47 = arith.constant 640 : i32
    %mul3A_48 = arith.muli %arg1, %mul3A_47 : i32
    %mul3A_49 = arith.constant 640 : i32
    %mul3A_50 = arith.muli %arg1, %mul3A_49 : i32
    "tpu.region"() ({
      %run_scoped3A = tpu.sem_alloc : memref<!tpu.dma_semaphore, #tpu.memory_space<semaphore_mem>>
      %dma_start3A = tpu.memref_slice %arg7[%mul3A_50] : memref<10240xf32, #tpu.memory_space<vmem_shared>> -> memref<640xf32, #tpu.memory_space<vmem_shared>>
      %dma_start3A_60 = tpu.memref_slice %arg3[%mul3A_48] : memref<10240xf32, #tpu.memory_space<hbm>> -> memref<640xf32, #tpu.memory_space<hbm>>
      tpu.enqueue_dma source(%dma_start3A_60 : memref<640xf32, #tpu.memory_space<hbm>>) target(%dma_start3A : memref<640xf32, #tpu.memory_space<vmem_shared>>) target_semaphore(%run_scoped3A : memref<!tpu.dma_semaphore, #tpu.memory_space<semaphore_mem>>)
      %dma_wait3A = tpu.memref_slice %arg7[%mul3A_50] : memref<10240xf32, #tpu.memory_space<vmem_shared>> -> memref<640xf32, #tpu.memory_space<vmem_shared>>
      %dma_wait3A_61 = tpu.memref_slice %arg3[%mul3A_48] : memref<10240xf32, #tpu.memory_space<hbm>> -> memref<640xf32, #tpu.memory_space<hbm>>
      tpu.wait_dma2 semaphore(%run_scoped3A : memref<!tpu.dma_semaphore, #tpu.memory_space<semaphore_mem>>) src(%dma_wait3A_61 : memref<640xf32, #tpu.memory_space<hbm>>) dst(%dma_wait3A : memref<640xf32, #tpu.memory_space<vmem_shared>>)
      tpu.yield
    }) : () -> ()
    %barrier3A = arith.constant 0 : index
    tpu.barrier barrier_id(%barrier3A)
    %scan3A = arith.constant 0 : i32
    %scan3A_51 = arith.constant 80 : i32
    %scan3A_52 = arith.addi %scan3A, %scan3A_51 : i32
    %scan3A_53 = arith.constant 1 : i32
    scf.for %scan3A_60 = %scan3A to %scan3A_52 step %scan3A_53  : i32 {
      "tpu.region"() ({
        %run_scoped3A = tpu.sem_alloc : memref<!tpu.dma_semaphore, #tpu.memory_space<semaphore_mem>>
        %dma_start3A = arith.constant 0 : i32
        %dma_start3A_61 = tpu.memref_slice %arg5[%scan3A_60, %dma_start3A] : memref<80x128xi32, #tpu.memory_space<vmem>> -> memref<1x128xi32, #tpu.memory_space<vmem>>
        %dma_start3A_62 = tpu.memref_squeeze %dma_start3A_61 : memref<1x128xi32, #tpu.memory_space<vmem>> -> memref<128xi32, #tpu.memory_space<vmem>>
        %dma_start3A_63 = arith.constant 0 : i32
        %dma_start3A_64 = tpu.memref_slice %arg7[%dma_start3A_63] : memref<10240xf32, #tpu.memory_space<vmem_shared>> -> memref<10240xf32, #tpu.memory_space<vmem_shared>>
        tpu.enqueue_indirect_dma source(%arg6 : memref<128xf32, #tpu.memory_space<vmem>>) target(%dma_start3A_64 : memref<10240xf32, #tpu.memory_space<vmem_shared>>) offsets(%dma_start3A_62 : memref<128xi32, #tpu.memory_space<vmem>>) semaphore(%run_scoped3A : memref<!tpu.dma_semaphore, #tpu.memory_space<semaphore_mem>>) {add = true}
        %dma_wait3A = arith.constant 0 : i32
        %dma_wait3A_65 = tpu.memref_slice %arg5[%scan3A_60, %dma_wait3A] : memref<80x128xi32, #tpu.memory_space<vmem>> -> memref<1x128xi32, #tpu.memory_space<vmem>>
        %dma_wait3A_66 = tpu.memref_squeeze %dma_wait3A_65 : memref<1x128xi32, #tpu.memory_space<vmem>> -> memref<128xi32, #tpu.memory_space<vmem>>
        %dma_wait3A_67 = arith.constant 0 : i32
        %dma_wait3A_68 = tpu.memref_slice %arg7[%dma_wait3A_67] : memref<10240xf32, #tpu.memory_space<vmem_shared>> -> memref<10240xf32, #tpu.memory_space<vmem_shared>>
        tpu.wait_indirect_dma semaphore(%run_scoped3A : memref<!tpu.dma_semaphore, #tpu.memory_space<semaphore_mem>>) src(%arg6 : memref<128xf32, #tpu.memory_space<vmem>>) dst(%dma_wait3A_68 : memref<10240xf32, #tpu.memory_space<vmem_shared>>)
        tpu.yield
      }) : () -> ()
    }
    %scan3A_54 = arith.constant 80 : i32
    %barrier3A_55 = arith.constant 0 : index
    tpu.barrier barrier_id(%barrier3A_55)
    %mul3A_56 = arith.constant 640 : i32
    %mul3A_57 = arith.muli %arg1, %mul3A_56 : i32
    %mul3A_58 = arith.constant 640 : i32
    %mul3A_59 = arith.muli %arg1, %mul3A_58 : i32
    "tpu.region"() ({
      %run_scoped3A = tpu.sem_alloc : memref<!tpu.dma_semaphore, #tpu.memory_space<semaphore_mem>>
      %dma_start3A = tpu.memref_slice %arg4[%arg0, %mul3A_59] : memref<2x10240xf32, #tpu.memory_space<hbm>> -> memref<1x640xf32, #tpu.memory_space<hbm>>
      %dma_start3A_60 = tpu.memref_squeeze %dma_start3A : memref<1x640xf32, #tpu.memory_space<hbm>> -> memref<640xf32, #tpu.memory_space<hbm>>
      %dma_start3A_61 = tpu.memref_slice %arg7[%mul3A_57] : memref<10240xf32, #tpu.memory_space<vmem_shared>> -> memref<640xf32, #tpu.memory_space<vmem_shared>>
      tpu.enqueue_dma source(%dma_start3A_61 : memref<640xf32, #tpu.memory_space<vmem_shared>>) target(%dma_start3A_60 : memref<640xf32, #tpu.memory_space<hbm>>) target_semaphore(%run_scoped3A : memref<!tpu.dma_semaphore, #tpu.memory_space<semaphore_mem>>)
      %dma_wait3A = tpu.memref_slice %arg4[%arg0, %mul3A_59] : memref<2x10240xf32, #tpu.memory_space<hbm>> -> memref<1x640xf32, #tpu.memory_space<hbm>>
      %dma_wait3A_62 = tpu.memref_squeeze %dma_wait3A : memref<1x640xf32, #tpu.memory_space<hbm>> -> memref<640xf32, #tpu.memory_space<hbm>>
      %dma_wait3A_63 = tpu.memref_slice %arg7[%mul3A_57] : memref<10240xf32, #tpu.memory_space<vmem_shared>> -> memref<640xf32, #tpu.memory_space<vmem_shared>>
      tpu.wait_dma2 semaphore(%run_scoped3A : memref<!tpu.dma_semaphore, #tpu.memory_space<semaphore_mem>>) src(%dma_wait3A_63 : memref<640xf32, #tpu.memory_space<vmem_shared>>) dst(%dma_wait3A_62 : memref<640xf32, #tpu.memory_space<hbm>>)
      tpu.yield
    }) : () -> ()
    return
  }
}

module attributes {stable_mosaic.version = 14 : i64} {
  func.func @_tc1_body(%arg0: i32, %arg1: memref<5x256x128xf32, #tpu.memory_space<vmem>>, %arg2: memref<2x256x1xf32, #tpu.memory_space<vmem>>, %arg3: memref<128x16xf32, #tpu.memory_space<vmem>>, %arg4: memref<16x8xf32, #tpu.memory_space<vmem>>, %arg5: memref<256x40xf32, #tpu.memory_space<vmem>>, %arg6: memref<256x1xf32, #tpu.memory_space<vmem>>) attributes {dimension_semantics = [#tpu.dimension_semantics<arbitrary>], iteration_bounds = array<i64: 40>, scalar_prefetch = 0 : i64, scratch_operands = 0 : i64, tpu.core_type = #tpu.core_type<tc>, window_params = [{transform_indices = @transform_0, window_bounds = array<i64: 5, 256, 128>}, {transform_indices = @transform_1, window_bounds = array<i64: 2, 256, 1>}, {pipeline_mode = #tpu.pipeline_mode<synchronous>, transform_indices = @transform_2, window_bounds = array<i64: 128, 16>}, {pipeline_mode = #tpu.pipeline_mode<synchronous>, transform_indices = @transform_3, window_bounds = array<i64: 16, 8>}, {transform_indices = @transform_4, window_bounds = array<i64: 256, 40>}, {transform_indices = @transform_5, window_bounds = array<i64: 256, 1>}]} {
    %get3A = arith.constant 0 : index
    %get3A_0 = arith.constant 0 : index
    %get3A_1 = arith.constant 0 : index
    %get3A_2 = vector.load %arg2[%get3A, %get3A_0, %get3A_1] : memref<2x256x1xf32, #tpu.memory_space<vmem>>, vector<1x256x1xf32>
    %get3A_3 = vector.shape_cast %get3A_2 : vector<1x256x1xf32> to vector<256x1xf32>
    %get3A_4 = arith.constant 1 : index
    %get3A_5 = arith.constant 0 : index
    %get3A_6 = arith.constant 0 : index
    %get3A_7 = vector.load %arg2[%get3A_4, %get3A_5, %get3A_6] : memref<2x256x1xf32, #tpu.memory_space<vmem>>, vector<1x256x1xf32>
    %get3A_8 = vector.shape_cast %get3A_7 : vector<1x256x1xf32> to vector<256x1xf32>
    %add3A = arith.addf %get3A_3, %get3A_8 : vector<256x1xf32>
    %add3A_9 = arith.constant 1.000000e+00 : f32
    %add3A_10 = vector.broadcast %add3A_9 : f32 to vector<256x1xf32>
    %add3A_11 = arith.addf %add3A, %add3A_10 : vector<256x1xf32>
    %max3A = arith.constant 1.000000e+00 : f32
    %max3A_12 = vector.broadcast %max3A : f32 to vector<256x1xf32>
    %max3A_13 = arith.maximumf %add3A_11, %max3A_12 : vector<256x1xf32>
    %rsqrt3A = math.rsqrt %max3A_13 : vector<256x1xf32>
    %mul3A = arith.constant 5.000000e-01 : f32
    %mul3A_14 = vector.broadcast %mul3A : f32 to vector<256x1xf32>
    %mul3A_15 = arith.mulf %mul3A_14, %max3A_13 : vector<256x1xf32>
    %mul3A_16 = arith.mulf %mul3A_15, %rsqrt3A : vector<256x1xf32>
    %mul3A_17 = arith.mulf %mul3A_16, %rsqrt3A : vector<256x1xf32>
    %sub3A = arith.constant 1.500000e+00 : f32
    %sub3A_18 = vector.broadcast %sub3A : f32 to vector<256x1xf32>
    %sub3A_19 = arith.subf %sub3A_18, %mul3A_17 : vector<256x1xf32>
    %mul3A_20 = arith.mulf %rsqrt3A, %sub3A_19 : vector<256x1xf32>
    %get3A_21 = arith.constant 0 : index
    %get3A_22 = arith.constant 0 : index
    %get3A_23 = arith.constant 0 : index
    %get3A_24 = vector.load %arg1[%get3A_21, %get3A_22, %get3A_23] : memref<5x256x128xf32, #tpu.memory_space<vmem>>, vector<1x256x128xf32>
    %get3A_25 = vector.shape_cast %get3A_24 : vector<1x256x128xf32> to vector<256x128xf32>
    %get3A_26 = arith.constant 0 : index
    %get3A_27 = arith.constant 0 : index
    %get3A_28 = vector.load %arg3[%get3A_26, %get3A_27] : memref<128x16xf32, #tpu.memory_space<vmem>>, vector<128x16xf32>
    %dot_general3A = arith.constant dense<0.000000e+00> : vector<256x16xf32>
    %dot_general3A_29 = tpu.matmul %get3A_25, %get3A_28, %dot_general3A {dimension_numbers = #tpu.dot_dimension_numbers<[1], [0], [0], [1], [0, 0, 1, 1], [], []>, precision = #tpu.contract_precision<fp32>, transpose_lhs_hint = false} : vector<256x128xf32>, vector<128x16xf32>, vector<256x16xf32> -> vector<256x16xf32>
    %get3A_30 = arith.constant 0 : index
    %get3A_31 = arith.constant 0 : index
    %get3A_32 = vector.load %arg4[%get3A_30, %get3A_31] : memref<16x8xf32, #tpu.memory_space<vmem>>, vector<16x8xf32>
    %dot_general3A_33 = arith.constant dense<0.000000e+00> : vector<256x8xf32>
    %dot_general3A_34 = tpu.matmul %dot_general3A_29, %get3A_32, %dot_general3A_33 {dimension_numbers = #tpu.dot_dimension_numbers<[1], [0], [0], [1], [0, 0, 1, 1], [], []>, precision = #tpu.contract_precision<fp32>, transpose_lhs_hint = false} : vector<256x16xf32>, vector<16x8xf32>, vector<256x8xf32> -> vector<256x8xf32>
    %mul3A_35 = vector.broadcast %mul3A_20 : vector<256x1xf32> to vector<256x8xf32>
    %mul3A_36 = arith.mulf %dot_general3A_34, %mul3A_35 : vector<256x8xf32>
    %swap3A = arith.constant 0 : index
    %swap3A_37 = arith.constant 0 : index
    %swap3A_38 = vector.load %arg5[%swap3A, %swap3A_37] : memref<256x40xf32, #tpu.memory_space<vmem>>, vector<256x8xf32>
    tpu.vector_store %arg5[%swap3A, %swap3A_37], %mul3A_36 {strides = array<i32>} : memref<256x40xf32, #tpu.memory_space<vmem>>, vector<256x8xf32>,
    %get3A_39 = arith.constant 1 : index
    %get3A_40 = arith.constant 0 : index
    %get3A_41 = arith.constant 0 : index
    %get3A_42 = vector.load %arg1[%get3A_39, %get3A_40, %get3A_41] : memref<5x256x128xf32, #tpu.memory_space<vmem>>, vector<1x256x128xf32>
    %get3A_43 = vector.shape_cast %get3A_42 : vector<1x256x128xf32> to vector<256x128xf32>
    %get3A_44 = arith.constant 0 : index
    %get3A_45 = arith.constant 0 : index
    %get3A_46 = vector.load %arg3[%get3A_44, %get3A_45] : memref<128x16xf32, #tpu.memory_space<vmem>>, vector<128x16xf32>
    %dot_general3A_47 = arith.constant dense<0.000000e+00> : vector<256x16xf32>
    %dot_general3A_48 = tpu.matmul %get3A_43, %get3A_46, %dot_general3A_47 {dimension_numbers = #tpu.dot_dimension_numbers<[1], [0], [0], [1], [0, 0, 1, 1], [], []>, precision = #tpu.contract_precision<fp32>, transpose_lhs_hint = false} : vector<256x128xf32>, vector<128x16xf32>, vector<256x16xf32> -> vector<256x16xf32>
    %get3A_49 = arith.constant 0 : index
    %get3A_50 = arith.constant 0 : index
    %get3A_51 = vector.load %arg4[%get3A_49, %get3A_50] : memref<16x8xf32, #tpu.memory_space<vmem>>, vector<16x8xf32>
    %dot_general3A_52 = arith.constant dense<0.000000e+00> : vector<256x8xf32>
    %dot_general3A_53 = tpu.matmul %dot_general3A_48, %get3A_51, %dot_general3A_52 {dimension_numbers = #tpu.dot_dimension_numbers<[1], [0], [0], [1], [0, 0, 1, 1], [], []>, precision = #tpu.contract_precision<fp32>, transpose_lhs_hint = false} : vector<256x16xf32>, vector<16x8xf32>, vector<256x8xf32> -> vector<256x8xf32>
    %mul3A_54 = vector.broadcast %mul3A_20 : vector<256x1xf32> to vector<256x8xf32>
    %mul3A_55 = arith.mulf %dot_general3A_53, %mul3A_54 : vector<256x8xf32>
    %swap3A_56 = arith.constant 0 : index
    %swap3A_57 = arith.constant 8 : index
    %swap3A_58 = vector.load %arg5[%swap3A_56, %swap3A_57] : memref<256x40xf32, #tpu.memory_space<vmem>>, vector<256x8xf32>
    tpu.vector_store %arg5[%swap3A_56, %swap3A_57], %mul3A_55 {strides = array<i32>} : memref<256x40xf32, #tpu.memory_space<vmem>>, vector<256x8xf32>,
    %get3A_59 = arith.constant 2 : index
    %get3A_60 = arith.constant 0 : index
    %get3A_61 = arith.constant 0 : index
    %get3A_62 = vector.load %arg1[%get3A_59, %get3A_60, %get3A_61] : memref<5x256x128xf32, #tpu.memory_space<vmem>>, vector<1x256x128xf32>
    %get3A_63 = vector.shape_cast %get3A_62 : vector<1x256x128xf32> to vector<256x128xf32>
    %get3A_64 = arith.constant 0 : index
    %get3A_65 = arith.constant 0 : index
    %get3A_66 = vector.load %arg3[%get3A_64, %get3A_65] : memref<128x16xf32, #tpu.memory_space<vmem>>, vector<128x16xf32>
    %dot_general3A_67 = arith.constant dense<0.000000e+00> : vector<256x16xf32>
    %dot_general3A_68 = tpu.matmul %get3A_63, %get3A_66, %dot_general3A_67 {dimension_numbers = #tpu.dot_dimension_numbers<[1], [0], [0], [1], [0, 0, 1, 1], [], []>, precision = #tpu.contract_precision<fp32>, transpose_lhs_hint = false} : vector<256x128xf32>, vector<128x16xf32>, vector<256x16xf32> -> vector<256x16xf32>
    %get3A_69 = arith.constant 0 : index
    %get3A_70 = arith.constant 0 : index
    %get3A_71 = vector.load %arg4[%get3A_69, %get3A_70] : memref<16x8xf32, #tpu.memory_space<vmem>>, vector<16x8xf32>
    %dot_general3A_72 = arith.constant dense<0.000000e+00> : vector<256x8xf32>
    %dot_general3A_73 = tpu.matmul %dot_general3A_68, %get3A_71, %dot_general3A_72 {dimension_numbers = #tpu.dot_dimension_numbers<[1], [0], [0], [1], [0, 0, 1, 1], [], []>, precision = #tpu.contract_precision<fp32>, transpose_lhs_hint = false} : vector<256x16xf32>, vector<16x8xf32>, vector<256x8xf32> -> vector<256x8xf32>
    %mul3A_74 = vector.broadcast %mul3A_20 : vector<256x1xf32> to vector<256x8xf32>
    %mul3A_75 = arith.mulf %dot_general3A_73, %mul3A_74 : vector<256x8xf32>
    %swap3A_76 = arith.constant 0 : index
    %swap3A_77 = arith.constant 16 : index
    %swap3A_78 = vector.load %arg5[%swap3A_76, %swap3A_77] : memref<256x40xf32, #tpu.memory_space<vmem>>, vector<256x8xf32>
    tpu.vector_store %arg5[%swap3A_76, %swap3A_77], %mul3A_75 {strides = array<i32>} : memref<256x40xf32, #tpu.memory_space<vmem>>, vector<256x8xf32>,
    %get3A_79 = arith.constant 3 : index
    %get3A_80 = arith.constant 0 : index
    %get3A_81 = arith.constant 0 : index
    %get3A_82 = vector.load %arg1[%get3A_79, %get3A_80, %get3A_81] : memref<5x256x128xf32, #tpu.memory_space<vmem>>, vector<1x256x128xf32>
    %get3A_83 = vector.shape_cast %get3A_82 : vector<1x256x128xf32> to vector<256x128xf32>
    %get3A_84 = arith.constant 0 : index
    %get3A_85 = arith.constant 0 : index
    %get3A_86 = vector.load %arg3[%get3A_84, %get3A_85] : memref<128x16xf32, #tpu.memory_space<vmem>>, vector<128x16xf32>
    %dot_general3A_87 = arith.constant dense<0.000000e+00> : vector<256x16xf32>
    %dot_general3A_88 = tpu.matmul %get3A_83, %get3A_86, %dot_general3A_87 {dimension_numbers = #tpu.dot_dimension_numbers<[1], [0], [0], [1], [0, 0, 1, 1], [], []>, precision = #tpu.contract_precision<fp32>, transpose_lhs_hint = false} : vector<256x128xf32>, vector<128x16xf32>, vector<256x16xf32> -> vector<256x16xf32>
    %get3A_89 = arith.constant 0 : index
    %get3A_90 = arith.constant 0 : index
    %get3A_91 = vector.load %arg4[%get3A_89, %get3A_90] : memref<16x8xf32, #tpu.memory_space<vmem>>, vector<16x8xf32>
    %dot_general3A_92 = arith.constant dense<0.000000e+00> : vector<256x8xf32>
    %dot_general3A_93 = tpu.matmul %dot_general3A_88, %get3A_91, %dot_general3A_92 {dimension_numbers = #tpu.dot_dimension_numbers<[1], [0], [0], [1], [0, 0, 1, 1], [], []>, precision = #tpu.contract_precision<fp32>, transpose_lhs_hint = false} : vector<256x16xf32>, vector<16x8xf32>, vector<256x8xf32> -> vector<256x8xf32>
    %mul3A_94 = vector.broadcast %mul3A_20 : vector<256x1xf32> to vector<256x8xf32>
    %mul3A_95 = arith.mulf %dot_general3A_93, %mul3A_94 : vector<256x8xf32>
    %swap3A_96 = arith.constant 0 : index
    %swap3A_97 = arith.constant 24 : index
    %swap3A_98 = vector.load %arg5[%swap3A_96, %swap3A_97] : memref<256x40xf32, #tpu.memory_space<vmem>>, vector<256x8xf32>
    tpu.vector_store %arg5[%swap3A_96, %swap3A_97], %mul3A_95 {strides = array<i32>} : memref<256x40xf32, #tpu.memory_space<vmem>>, vector<256x8xf32>,
    %get3A_99 = arith.constant 4 : index
    %get3A_100 = arith.constant 0 : index
    %get3A_101 = arith.constant 0 : index
    %get3A_102 = vector.load %arg1[%get3A_99, %get3A_100, %get3A_101] : memref<5x256x128xf32, #tpu.memory_space<vmem>>, vector<1x256x128xf32>
    %get3A_103 = vector.shape_cast %get3A_102 : vector<1x256x128xf32> to vector<256x128xf32>
    %get3A_104 = arith.constant 0 : index
    %get3A_105 = arith.constant 0 : index
    %get3A_106 = vector.load %arg3[%get3A_104, %get3A_105] : memref<128x16xf32, #tpu.memory_space<vmem>>, vector<128x16xf32>
    %dot_general3A_107 = arith.constant dense<0.000000e+00> : vector<256x16xf32>
    %dot_general3A_108 = tpu.matmul %get3A_103, %get3A_106, %dot_general3A_107 {dimension_numbers = #tpu.dot_dimension_numbers<[1], [0], [0], [1], [0, 0, 1, 1], [], []>, precision = #tpu.contract_precision<fp32>, transpose_lhs_hint = false} : vector<256x128xf32>, vector<128x16xf32>, vector<256x16xf32> -> vector<256x16xf32>
    %get3A_109 = arith.constant 0 : index
    %get3A_110 = arith.constant 0 : index
    %get3A_111 = vector.load %arg4[%get3A_109, %get3A_110] : memref<16x8xf32, #tpu.memory_space<vmem>>, vector<16x8xf32>
    %dot_general3A_112 = arith.constant dense<0.000000e+00> : vector<256x8xf32>
    %dot_general3A_113 = tpu.matmul %dot_general3A_108, %get3A_111, %dot_general3A_112 {dimension_numbers = #tpu.dot_dimension_numbers<[1], [0], [0], [1], [0, 0, 1, 1], [], []>, precision = #tpu.contract_precision<fp32>, transpose_lhs_hint = false} : vector<256x16xf32>, vector<16x8xf32>, vector<256x8xf32> -> vector<256x8xf32>
    %mul3A_114 = vector.broadcast %mul3A_20 : vector<256x1xf32> to vector<256x8xf32>
    %mul3A_115 = arith.mulf %dot_general3A_113, %mul3A_114 : vector<256x8xf32>
    %swap3A_116 = arith.constant 0 : index
    %swap3A_117 = arith.constant 32 : index
    %swap3A_118 = vector.load %arg5[%swap3A_116, %swap3A_117] : memref<256x40xf32, #tpu.memory_space<vmem>>, vector<256x8xf32>
    tpu.vector_store %arg5[%swap3A_116, %swap3A_117], %mul3A_115 {strides = array<i32>} : memref<256x40xf32, #tpu.memory_space<vmem>>, vector<256x8xf32>,
    %swap3A_119 = arith.constant 0 : index
    %swap3A_120 = arith.constant 0 : index
    %swap3A_121 = vector.load %arg6[%swap3A_119, %swap3A_120] : memref<256x1xf32, #tpu.memory_space<vmem>>, vector<256x1xf32>
    tpu.vector_store %arg6[%swap3A_119, %swap3A_120], %mul3A_20 {strides = array<i32>} : memref<256x1xf32, #tpu.memory_space<vmem>>, vector<256x1xf32>,
    return
  }
  func.func @transform_0(%arg0: i32) -> (i32, i32, i32) {
    %c0_i32 = arith.constant 0 : i32
    %c0_i32_0 = arith.constant 0 : i32
    %c0_i32_1 = arith.constant 0 : i32
    return %c0_i32, %arg0, %c0_i32_0 : i32, i32, i32
  }
  func.func @transform_1(%arg0: i32) -> (i32, i32, i32) {
    %c0_i32 = arith.constant 0 : i32
    %c0_i32_0 = arith.constant 0 : i32
    %c0_i32_1 = arith.constant 0 : i32
    return %c0_i32, %arg0, %c0_i32_0 : i32, i32, i32
  }
  func.func @transform_2(%arg0: i32) -> (i32, i32) {
    %c0_i32 = arith.constant 0 : i32
    %c0_i32_0 = arith.constant 0 : i32
    %c0_i32_1 = arith.constant 0 : i32
    return %c0_i32, %c0_i32_0 : i32, i32
  }
  func.func @transform_3(%arg0: i32) -> (i32, i32) {
    %c0_i32 = arith.constant 0 : i32
    %c0_i32_0 = arith.constant 0 : i32
    %c0_i32_1 = arith.constant 0 : i32
    return %c0_i32, %c0_i32_0 : i32, i32
  }
  func.func @transform_4(%arg0: i32) -> (i32, i32) {
    %c0_i32 = arith.constant 0 : i32
    %c0_i32_0 = arith.constant 0 : i32
    return %arg0, %c0_i32 : i32, i32
  }
  func.func @transform_5(%arg0: i32) -> (i32, i32) {
    %c0_i32 = arith.constant 0 : i32
    %c0_i32_0 = arith.constant 0 : i32
    return %arg0, %c0_i32 : i32, i32
  }
}

module attributes {stable_mosaic.version = 14 : i64} {
  func.func @_tc2_body(%arg0: i32, %arg1: memref<2x256x40xf32, #tpu.memory_space<vmem>>, %arg2: memref<256x40xf32, #tpu.memory_space<vmem>>, %arg3: memref<256x1xf32, #tpu.memory_space<vmem>>, %arg4: memref<1x16xf32, #tpu.memory_space<vmem>>, %arg5: memref<16x8xf32, #tpu.memory_space<vmem>>, %arg6: memref<256x40xf32, #tpu.memory_space<vmem>>) attributes {dimension_semantics = [#tpu.dimension_semantics<arbitrary>], iteration_bounds = array<i64: 40>, scalar_prefetch = 0 : i64, scratch_operands = 0 : i64, tpu.core_type = #tpu.core_type<tc>, window_params = [{transform_indices = @transform_0, window_bounds = array<i64: 2, 256, 40>}, {transform_indices = @transform_1, window_bounds = array<i64: 256, 40>}, {transform_indices = @transform_2, window_bounds = array<i64: 256, 1>}, {pipeline_mode = #tpu.pipeline_mode<synchronous>, transform_indices = @transform_3, window_bounds = array<i64: 1, 16>}, {pipeline_mode = #tpu.pipeline_mode<synchronous>, transform_indices = @transform_4, window_bounds = array<i64: 16, 8>}, {transform_indices = @transform_5, window_bounds = array<i64: 256, 40>}]} {
    %get3A = arith.constant 0 : index
    %get3A_0 = arith.constant 0 : index
    %get3A_1 = vector.load %arg3[%get3A, %get3A_0] : memref<256x1xf32, #tpu.memory_space<vmem>>, vector<256x1xf32>
    %get3A_2 = arith.constant 0 : index
    %get3A_3 = arith.constant 0 : index
    %get3A_4 = arith.constant 0 : index
    %get3A_5 = vector.load %arg1[%get3A_2, %get3A_3, %get3A_4] : memref<2x256x40xf32, #tpu.memory_space<vmem>>, vector<1x256x40xf32>
    %get3A_6 = vector.shape_cast %get3A_5 : vector<1x256x40xf32> to vector<256x40xf32>
    %get3A_7 = arith.constant 1 : index
    %get3A_8 = arith.constant 0 : index
    %get3A_9 = arith.constant 0 : index
    %get3A_10 = vector.load %arg1[%get3A_7, %get3A_8, %get3A_9] : memref<2x256x40xf32, #tpu.memory_space<vmem>>, vector<1x256x40xf32>
    %get3A_11 = vector.shape_cast %get3A_10 : vector<1x256x40xf32> to vector<256x40xf32>
    %add3A = arith.addf %get3A_6, %get3A_11 : vector<256x40xf32>
    %get3A_12 = arith.constant 0 : index
    %get3A_13 = arith.constant 0 : index
    %get3A_14 = vector.load %arg2[%get3A_12, %get3A_13] : memref<256x40xf32, #tpu.memory_space<vmem>>, vector<256x40xf32>
    %add3A_15 = arith.addf %add3A, %get3A_14 : vector<256x40xf32>
    %mul3A = vector.broadcast %get3A_1 : vector<256x1xf32> to vector<256x40xf32>
    %mul3A_16 = arith.mulf %add3A_15, %mul3A : vector<256x40xf32>
    %get3A_17 = arith.constant 0 : index
    %get3A_18 = arith.constant 0 : index
    %get3A_19 = vector.load %arg4[%get3A_17, %get3A_18] : memref<1x16xf32, #tpu.memory_space<vmem>>, vector<1x16xf32>
    %get3A_20 = arith.constant 0 : index
    %get3A_21 = arith.constant 0 : index
    %get3A_22 = vector.load %arg5[%get3A_20, %get3A_21] : memref<16x8xf32, #tpu.memory_space<vmem>>, vector<16x8xf32>
    %dot_general3A = arith.constant dense<0.000000e+00> : vector<1x8xf32>
    %dot_general3A_23 = tpu.matmul %get3A_19, %get3A_22, %dot_general3A {dimension_numbers = #tpu.dot_dimension_numbers<[1], [0], [0], [1], [0, 0, 1, 1], [], []>, precision = #tpu.contract_precision<fp32>, transpose_lhs_hint = false} : vector<1x16xf32>, vector<16x8xf32>, vector<1x8xf32> -> vector<1x8xf32>
    %concatenate3A = tpu.concatenate %dot_general3A_23, %dot_general3A_23, %dot_general3A_23, %dot_general3A_23, %dot_general3A_23 in 1 : vector<1x8xf32>, vector<1x8xf32>, vector<1x8xf32>, vector<1x8xf32>, vector<1x8xf32> -> vector<1x40xf32>
    %add3A_24 = vector.broadcast %concatenate3A : vector<1x40xf32> to vector<256x40xf32>
    %add3A_25 = arith.addf %mul3A_16, %add3A_24 : vector<256x40xf32>
    %mul3A_26 = vector.broadcast %get3A_1 : vector<256x1xf32> to vector<256x40xf32>
    %mul3A_27 = arith.mulf %add3A_25, %mul3A_26 : vector<256x40xf32>
    %swap3A = arith.constant 0 : index
    %swap3A_28 = arith.constant 0 : index
    %swap3A_29 = vector.load %arg6[%swap3A, %swap3A_28] : memref<256x40xf32, #tpu.memory_space<vmem>>, vector<256x40xf32>
    tpu.vector_store %arg6[%swap3A, %swap3A_28], %mul3A_27 {strides = array<i32>} : memref<256x40xf32, #tpu.memory_space<vmem>>, vector<256x40xf32>,
    return
  }
  func.func @transform_0(%arg0: i32) -> (i32, i32, i32) {
    %c0_i32 = arith.constant 0 : i32
    %c0_i32_0 = arith.constant 0 : i32
    %c0_i32_1 = arith.constant 0 : i32
    return %c0_i32, %arg0, %c0_i32_0 : i32, i32, i32
  }
  func.func @transform_1(%arg0: i32) -> (i32, i32) {
    %c0_i32 = arith.constant 0 : i32
    %c0_i32_0 = arith.constant 0 : i32
    return %arg0, %c0_i32 : i32, i32
  }
  func.func @transform_2(%arg0: i32) -> (i32, i32) {
    %c0_i32 = arith.constant 0 : i32
    %c0_i32_0 = arith.constant 0 : i32
    return %arg0, %c0_i32 : i32, i32
  }
  func.func @transform_3(%arg0: i32) -> (i32, i32) {
    %c0_i32 = arith.constant 0 : i32
    %c0_i32_0 = arith.constant 0 : i32
    %c0_i32_1 = arith.constant 0 : i32
    return %c0_i32, %c0_i32_0 : i32, i32
  }
  func.func @transform_4(%arg0: i32) -> (i32, i32) {
    %c0_i32 = arith.constant 0 : i32
    %c0_i32_0 = arith.constant 0 : i32
    %c0_i32_1 = arith.constant 0 : i32
    return %c0_i32, %c0_i32_0 : i32, i32
  }
  func.func @transform_5(%arg0: i32) -> (i32, i32) {
    %c0_i32 = arith.constant 0 : i32
    %c0_i32_0 = arith.constant 0 : i32
    return %arg0, %c0_i32 : i32, i32
  }
}

module attributes {stable_mosaic.version = 14 : i64} {
  func.func @_tc3a_body(%arg0: i32, %arg1: memref<2x256x40xf32, #tpu.memory_space<vmem>>, %arg2: memref<256x40xf32, #tpu.memory_space<vmem>>, %arg3: memref<256x1xf32, #tpu.memory_space<vmem>>, %arg4: memref<5x256x4xf32, #tpu.memory_space<vmem>>, %arg5: memref<1x4xf32, #tpu.memory_space<vmem>>, %arg6: memref<1x4xf32, #tpu.memory_space<vmem>>, %arg7: memref<5x256x4xf32, #tpu.memory_space<vmem>>, %arg8: memref<256x4xf32, #tpu.memory_space<vmem>>, %arg9: memref<256x4xf32, #tpu.memory_space<vmem>>) attributes {dimension_semantics = [#tpu.dimension_semantics<arbitrary>], iteration_bounds = array<i64: 40>, scalar_prefetch = 0 : i64, scratch_operands = 0 : i64, tpu.core_type = #tpu.core_type<tc>, window_params = [{transform_indices = @transform_0, window_bounds = array<i64: 2, 256, 40>}, {transform_indices = @transform_1, window_bounds = array<i64: 256, 40>}, {transform_indices = @transform_2, window_bounds = array<i64: 256, 1>}, {transform_indices = @transform_3, window_bounds = array<i64: 5, 256, 4>}, {pipeline_mode = #tpu.pipeline_mode<synchronous>, transform_indices = @transform_4, window_bounds = array<i64: 1, 4>}, {pipeline_mode = #tpu.pipeline_mode<synchronous>, transform_indices = @transform_5, window_bounds = array<i64: 1, 4>}, {transform_indices = @transform_6, window_bounds = array<i64: 5, 256, 4>}, {transform_indices = @transform_7, window_bounds = array<i64: 256, 4>}, {transform_indices = @transform_8, window_bounds = array<i64: 256, 4>}]} {
    %get3A = arith.constant 0 : index
    %get3A_0 = arith.constant 0 : index
    %get3A_1 = arith.constant 0 : index
    %get3A_2 = vector.load %arg1[%get3A, %get3A_0, %get3A_1] : memref<2x256x40xf32, #tpu.memory_space<vmem>>, vector<1x256x40xf32>
    %get3A_3 = vector.shape_cast %get3A_2 : vector<1x256x40xf32> to vector<256x40xf32>
    %get3A_4 = arith.constant 1 : index
    %get3A_5 = arith.constant 0 : index
    %get3A_6 = arith.constant 0 : index
    %get3A_7 = vector.load %arg1[%get3A_4, %get3A_5, %get3A_6] : memref<2x256x40xf32, #tpu.memory_space<vmem>>, vector<1x256x40xf32>
    %get3A_8 = vector.shape_cast %get3A_7 : vector<1x256x40xf32> to vector<256x40xf32>
    %add3A = arith.addf %get3A_3, %get3A_8 : vector<256x40xf32>
    %get3A_9 = arith.constant 0 : index
    %get3A_10 = arith.constant 0 : index
    %get3A_11 = vector.load %arg2[%get3A_9, %get3A_10] : memref<256x40xf32, #tpu.memory_space<vmem>>, vector<256x40xf32>
    %add3A_12 = arith.addf %add3A, %get3A_11 : vector<256x40xf32>
    %get3A_13 = arith.constant 0 : index
    %get3A_14 = arith.constant 0 : index
    %get3A_15 = vector.load %arg3[%get3A_13, %get3A_14] : memref<256x1xf32, #tpu.memory_space<vmem>>, vector<256x1xf32>
    %mul3A = vector.broadcast %get3A_15 : vector<256x1xf32> to vector<256x40xf32>
    %mul3A_16 = arith.mulf %add3A_12, %mul3A : vector<256x40xf32>
    %slice3A = vector.extract_strided_slice %mul3A_16 {offsets = [0, 0], sizes = [256, 4], strides = [1, 1]} : vector<256x40xf32> to vector<256x4xf32>
    %get3A_17 = arith.constant 0 : index
    %get3A_18 = arith.constant 0 : index
    %get3A_19 = vector.load %arg5[%get3A_17, %get3A_18] : memref<1x4xf32, #tpu.memory_space<vmem>>, vector<1x4xf32>
    %add3A_20 = vector.broadcast %get3A_19 : vector<1x4xf32> to vector<256x4xf32>
    %add3A_21 = arith.addf %slice3A, %add3A_20 : vector<256x4xf32>
    %slice3A_22 = vector.extract_strided_slice %mul3A_16 {offsets = [0, 4], sizes = [256, 4], strides = [1, 1]} : vector<256x40xf32> to vector<256x4xf32>
    %get3A_23 = arith.constant 0 : index
    %get3A_24 = arith.constant 0 : index
    %get3A_25 = vector.load %arg6[%get3A_23, %get3A_24] : memref<1x4xf32, #tpu.memory_space<vmem>>, vector<1x4xf32>
    %add3A_26 = vector.broadcast %get3A_25 : vector<1x4xf32> to vector<256x4xf32>
    %add3A_27 = arith.addf %slice3A_22, %add3A_26 : vector<256x4xf32>
    %get3A_28 = arith.constant 0 : index
    %get3A_29 = arith.constant 0 : index
    %get3A_30 = arith.constant 0 : index
    %get3A_31 = vector.load %arg4[%get3A_28, %get3A_29, %get3A_30] : memref<5x256x4xf32, #tpu.memory_space<vmem>>, vector<1x256x4xf32>
    %get3A_32 = vector.shape_cast %get3A_31 : vector<1x256x4xf32> to vector<256x4xf32>
    %mul3A_33 = arith.constant 5.000000e-01 : f32
    %mul3A_34 = vector.broadcast %mul3A_33 : f32 to vector<256x4xf32>
    %mul3A_35 = arith.mulf %mul3A_34, %add3A_27 : vector<256x4xf32>
    %exp3A = math.exp %mul3A_35 : vector<256x4xf32>
    %mul3A_36 = arith.mulf %get3A_32, %exp3A : vector<256x4xf32>
    %add3A_37 = arith.addf %add3A_21, %mul3A_36 : vector<256x4xf32>
    %swap3A = arith.constant 0 : index
    %swap3A_38 = arith.constant 0 : index
    %swap3A_39 = arith.constant 0 : index
    %swap3A_40 = vector.load %arg7[%swap3A, %swap3A_38, %swap3A_39] : memref<5x256x4xf32, #tpu.memory_space<vmem>>, vector<1x256x4xf32>
    %swap3A_41 = vector.shape_cast %swap3A_40 : vector<1x256x4xf32> to vector<256x4xf32>
    %swap3A_42 = vector.shape_cast %add3A_37 : vector<256x4xf32> to vector<1x256x4xf32>
    tpu.vector_store %arg7[%swap3A, %swap3A_38, %swap3A_39], %swap3A_42 {strides = array<i32>} : memref<5x256x4xf32, #tpu.memory_space<vmem>>, vector<1x256x4xf32>,
    %add3A_43 = arith.constant 0.000000e+00 : f32
    %add3A_44 = vector.broadcast %add3A_43 : f32 to vector<256x4xf32>
    %add3A_45 = arith.addf %add3A_44, %add3A_21 : vector<256x4xf32>
    %add3A_46 = arith.constant 0.000000e+00 : f32
    %add3A_47 = vector.broadcast %add3A_46 : f32 to vector<256x4xf32>
    %add3A_48 = arith.addf %add3A_47, %add3A_27 : vector<256x4xf32>
    %slice3A_49 = vector.extract_strided_slice %mul3A_16 {offsets = [0, 8], sizes = [256, 4], strides = [1, 1]} : vector<256x40xf32> to vector<256x4xf32>
    %get3A_50 = arith.constant 0 : index
    %get3A_51 = arith.constant 0 : index
    %get3A_52 = vector.load %arg5[%get3A_50, %get3A_51] : memref<1x4xf32, #tpu.memory_space<vmem>>, vector<1x4xf32>
    %add3A_53 = vector.broadcast %get3A_52 : vector<1x4xf32> to vector<256x4xf32>
    %add3A_54 = arith.addf %slice3A_49, %add3A_53 : vector<256x4xf32>
    %slice3A_55 = vector.extract_strided_slice %mul3A_16 {offsets = [0, 12], sizes = [256, 4], strides = [1, 1]} : vector<256x40xf32> to vector<256x4xf32>
    %get3A_56 = arith.constant 0 : index
    %get3A_57 = arith.constant 0 : index
    %get3A_58 = vector.load %arg6[%get3A_56, %get3A_57] : memref<1x4xf32, #tpu.memory_space<vmem>>, vector<1x4xf32>
    %add3A_59 = vector.broadcast %get3A_58 : vector<1x4xf32> to vector<256x4xf32>
    %add3A_60 = arith.addf %slice3A_55, %add3A_59 : vector<256x4xf32>
    %get3A_61 = arith.constant 1 : index
    %get3A_62 = arith.constant 0 : index
    %get3A_63 = arith.constant 0 : index
    %get3A_64 = vector.load %arg4[%get3A_61, %get3A_62, %get3A_63] : memref<5x256x4xf32, #tpu.memory_space<vmem>>, vector<1x256x4xf32>
    %get3A_65 = vector.shape_cast %get3A_64 : vector<1x256x4xf32> to vector<256x4xf32>
    %mul3A_66 = arith.constant 5.000000e-01 : f32
    %mul3A_67 = vector.broadcast %mul3A_66 : f32 to vector<256x4xf32>
    %mul3A_68 = arith.mulf %mul3A_67, %add3A_60 : vector<256x4xf32>
    %exp3A_69 = math.exp %mul3A_68 : vector<256x4xf32>
    %mul3A_70 = arith.mulf %get3A_65, %exp3A_69 : vector<256x4xf32>
    %add3A_71 = arith.addf %add3A_54, %mul3A_70 : vector<256x4xf32>
    %swap3A_72 = arith.constant 1 : index
    %swap3A_73 = arith.constant 0 : index
    %swap3A_74 = arith.constant 0 : index
    %swap3A_75 = vector.load %arg7[%swap3A_72, %swap3A_73, %swap3A_74] : memref<5x256x4xf32, #tpu.memory_space<vmem>>, vector<1x256x4xf32>
    %swap3A_76 = vector.shape_cast %swap3A_75 : vector<1x256x4xf32> to vector<256x4xf32>
    %swap3A_77 = vector.shape_cast %add3A_71 : vector<256x4xf32> to vector<1x256x4xf32>
    tpu.vector_store %arg7[%swap3A_72, %swap3A_73, %swap3A_74], %swap3A_77 {strides = array<i32>} : memref<5x256x4xf32, #tpu.memory_space<vmem>>, vector<1x256x4xf32>,
    %add3A_78 = arith.addf %add3A_45, %add3A_54 : vector<256x4xf32>
    %add3A_79 = arith.addf %add3A_48, %add3A_60 : vector<256x4xf32>
    %slice3A_80 = vector.extract_strided_slice %mul3A_16 {offsets = [0, 16], sizes = [256, 4], strides = [1, 1]} : vector<256x40xf32> to vector<256x4xf32>
    %get3A_81 = arith.constant 0 : index
    %get3A_82 = arith.constant 0 : index
    %get3A_83 = vector.load %arg5[%get3A_81, %get3A_82] : memref<1x4xf32, #tpu.memory_space<vmem>>, vector<1x4xf32>
    %add3A_84 = vector.broadcast %get3A_83 : vector<1x4xf32> to vector<256x4xf32>
    %add3A_85 = arith.addf %slice3A_80, %add3A_84 : vector<256x4xf32>
    %slice3A_86 = vector.extract_strided_slice %mul3A_16 {offsets = [0, 20], sizes = [256, 4], strides = [1, 1]} : vector<256x40xf32> to vector<256x4xf32>
    %get3A_87 = arith.constant 0 : index
    %get3A_88 = arith.constant 0 : index
    %get3A_89 = vector.load %arg6[%get3A_87, %get3A_88] : memref<1x4xf32, #tpu.memory_space<vmem>>, vector<1x4xf32>
    %add3A_90 = vector.broadcast %get3A_89 : vector<1x4xf32> to vector<256x4xf32>
    %add3A_91 = arith.addf %slice3A_86, %add3A_90 : vector<256x4xf32>
    %get3A_92 = arith.constant 2 : index
    %get3A_93 = arith.constant 0 : index
    %get3A_94 = arith.constant 0 : index
    %get3A_95 = vector.load %arg4[%get3A_92, %get3A_93, %get3A_94] : memref<5x256x4xf32, #tpu.memory_space<vmem>>, vector<1x256x4xf32>
    %get3A_96 = vector.shape_cast %get3A_95 : vector<1x256x4xf32> to vector<256x4xf32>
    %mul3A_97 = arith.constant 5.000000e-01 : f32
    %mul3A_98 = vector.broadcast %mul3A_97 : f32 to vector<256x4xf32>
    %mul3A_99 = arith.mulf %mul3A_98, %add3A_91 : vector<256x4xf32>
    %exp3A_100 = math.exp %mul3A_99 : vector<256x4xf32>
    %mul3A_101 = arith.mulf %get3A_96, %exp3A_100 : vector<256x4xf32>
    %add3A_102 = arith.addf %add3A_85, %mul3A_101 : vector<256x4xf32>
    %swap3A_103 = arith.constant 2 : index
    %swap3A_104 = arith.constant 0 : index
    %swap3A_105 = arith.constant 0 : index
    %swap3A_106 = vector.load %arg7[%swap3A_103, %swap3A_104, %swap3A_105] : memref<5x256x4xf32, #tpu.memory_space<vmem>>, vector<1x256x4xf32>
    %swap3A_107 = vector.shape_cast %swap3A_106 : vector<1x256x4xf32> to vector<256x4xf32>
    %swap3A_108 = vector.shape_cast %add3A_102 : vector<256x4xf32> to vector<1x256x4xf32>
    tpu.vector_store %arg7[%swap3A_103, %swap3A_104, %swap3A_105], %swap3A_108 {strides = array<i32>} : memref<5x256x4xf32, #tpu.memory_space<vmem>>, vector<1x256x4xf32>,
    %add3A_109 = arith.addf %add3A_78, %add3A_85 : vector<256x4xf32>
    %add3A_110 = arith.addf %add3A_79, %add3A_91 : vector<256x4xf32>
    %slice3A_111 = vector.extract_strided_slice %mul3A_16 {offsets = [0, 24], sizes = [256, 4], strides = [1, 1]} : vector<256x40xf32> to vector<256x4xf32>
    %get3A_112 = arith.constant 0 : index
    %get3A_113 = arith.constant 0 : index
    %get3A_114 = vector.load %arg5[%get3A_112, %get3A_113] : memref<1x4xf32, #tpu.memory_space<vmem>>, vector<1x4xf32>
    %add3A_115 = vector.broadcast %get3A_114 : vector<1x4xf32> to vector<256x4xf32>
    %add3A_116 = arith.addf %slice3A_111, %add3A_115 : vector<256x4xf32>
    %slice3A_117 = vector.extract_strided_slice %mul3A_16 {offsets = [0, 28], sizes = [256, 4], strides = [1, 1]} : vector<256x40xf32> to vector<256x4xf32>
    %get3A_118 = arith.constant 0 : index
    %get3A_119 = arith.constant 0 : index
    %get3A_120 = vector.load %arg6[%get3A_118, %get3A_119] : memref<1x4xf32, #tpu.memory_space<vmem>>, vector<1x4xf32>
    %add3A_121 = vector.broadcast %get3A_120 : vector<1x4xf32> to vector<256x4xf32>
    %add3A_122 = arith.addf %slice3A_117, %add3A_121 : vector<256x4xf32>
    %get3A_123 = arith.constant 3 : index
    %get3A_124 = arith.constant 0 : index
    %get3A_125 = arith.constant 0 : index
    %get3A_126 = vector.load %arg4[%get3A_123, %get3A_124, %get3A_125] : memref<5x256x4xf32, #tpu.memory_space<vmem>>, vector<1x256x4xf32>
    %get3A_127 = vector.shape_cast %get3A_126 : vector<1x256x4xf32> to vector<256x4xf32>
    %mul3A_128 = arith.constant 5.000000e-01 : f32
    %mul3A_129 = vector.broadcast %mul3A_128 : f32 to vector<256x4xf32>
    %mul3A_130 = arith.mulf %mul3A_129, %add3A_122 : vector<256x4xf32>
    %exp3A_131 = math.exp %mul3A_130 : vector<256x4xf32>
    %mul3A_132 = arith.mulf %get3A_127, %exp3A_131 : vector<256x4xf32>
    %add3A_133 = arith.addf %add3A_116, %mul3A_132 : vector<256x4xf32>
    %swap3A_134 = arith.constant 3 : index
    %swap3A_135 = arith.constant 0 : index
    %swap3A_136 = arith.constant 0 : index
    %swap3A_137 = vector.load %arg7[%swap3A_134, %swap3A_135, %swap3A_136] : memref<5x256x4xf32, #tpu.memory_space<vmem>>, vector<1x256x4xf32>
    %swap3A_138 = vector.shape_cast %swap3A_137 : vector<1x256x4xf32> to vector<256x4xf32>
    %swap3A_139 = vector.shape_cast %add3A_133 : vector<256x4xf32> to vector<1x256x4xf32>
    tpu.vector_store %arg7[%swap3A_134, %swap3A_135, %swap3A_136], %swap3A_139 {strides = array<i32>} : memref<5x256x4xf32, #tpu.memory_space<vmem>>, vector<1x256x4xf32>,
    %add3A_140 = arith.addf %add3A_109, %add3A_116 : vector<256x4xf32>
    %add3A_141 = arith.addf %add3A_110, %add3A_122 : vector<256x4xf32>
    %slice3A_142 = vector.extract_strided_slice %mul3A_16 {offsets = [0, 32], sizes = [256, 4], strides = [1, 1]} : vector<256x40xf32> to vector<256x4xf32>
    %get3A_143 = arith.constant 0 : index
    %get3A_144 = arith.constant 0 : index
    %get3A_145 = vector.load %arg5[%get3A_143, %get3A_144] : memref<1x4xf32, #tpu.memory_space<vmem>>, vector<1x4xf32>
    %add3A_146 = vector.broadcast %get3A_145 : vector<1x4xf32> to vector<256x4xf32>
    %add3A_147 = arith.addf %slice3A_142, %add3A_146 : vector<256x4xf32>
    %slice3A_148 = vector.extract_strided_slice %mul3A_16 {offsets = [0, 36], sizes = [256, 4], strides = [1, 1]} : vector<256x40xf32> to vector<256x4xf32>
    %get3A_149 = arith.constant 0 : index
    %get3A_150 = arith.constant 0 : index
    %get3A_151 = vector.load %arg6[%get3A_149, %get3A_150] : memref<1x4xf32, #tpu.memory_space<vmem>>, vector<1x4xf32>
    %add3A_152 = vector.broadcast %get3A_151 : vector<1x4xf32> to vector<256x4xf32>
    %add3A_153 = arith.addf %slice3A_148, %add3A_152 : vector<256x4xf32>
    %get3A_154 = arith.constant 4 : index
    %get3A_155 = arith.constant 0 : index
    %get3A_156 = arith.constant 0 : index
    %get3A_157 = vector.load %arg4[%get3A_154, %get3A_155, %get3A_156] : memref<5x256x4xf32, #tpu.memory_space<vmem>>, vector<1x256x4xf32>
    %get3A_158 = vector.shape_cast %get3A_157 : vector<1x256x4xf32> to vector<256x4xf32>
    %mul3A_159 = arith.constant 5.000000e-01 : f32
    %mul3A_160 = vector.broadcast %mul3A_159 : f32 to vector<256x4xf32>
    %mul3A_161 = arith.mulf %mul3A_160, %add3A_153 : vector<256x4xf32>
    %exp3A_162 = math.exp %mul3A_161 : vector<256x4xf32>
    %mul3A_163 = arith.mulf %get3A_158, %exp3A_162 : vector<256x4xf32>
    %add3A_164 = arith.addf %add3A_147, %mul3A_163 : vector<256x4xf32>
    %swap3A_165 = arith.constant 4 : index
    %swap3A_166 = arith.constant 0 : index
    %swap3A_167 = arith.constant 0 : index
    %swap3A_168 = vector.load %arg7[%swap3A_165, %swap3A_166, %swap3A_167] : memref<5x256x4xf32, #tpu.memory_space<vmem>>, vector<1x256x4xf32>
    %swap3A_169 = vector.shape_cast %swap3A_168 : vector<1x256x4xf32> to vector<256x4xf32>
    %swap3A_170 = vector.shape_cast %add3A_164 : vector<256x4xf32> to vector<1x256x4xf32>
    tpu.vector_store %arg7[%swap3A_165, %swap3A_166, %swap3A_167], %swap3A_170 {strides = array<i32>} : memref<5x256x4xf32, #tpu.memory_space<vmem>>, vector<1x256x4xf32>,
    %add3A_171 = arith.addf %add3A_140, %add3A_147 : vector<256x4xf32>
    %add3A_172 = arith.addf %add3A_141, %add3A_153 : vector<256x4xf32>
    %mul3A_173 = arith.constant 2.000000e-01 : f32
    %mul3A_174 = vector.broadcast %mul3A_173 : f32 to vector<256x4xf32>
    %mul3A_175 = arith.mulf %add3A_171, %mul3A_174 : vector<256x4xf32>
    %swap3A_176 = arith.constant 0 : index
    %swap3A_177 = arith.constant 0 : index
    %swap3A_178 = vector.load %arg8[%swap3A_176, %swap3A_177] : memref<256x4xf32, #tpu.memory_space<vmem>>, vector<256x4xf32>
    tpu.vector_store %arg8[%swap3A_176, %swap3A_177], %mul3A_175 {strides = array<i32>} : memref<256x4xf32, #tpu.memory_space<vmem>>, vector<256x4xf32>,
    %mul3A_179 = arith.constant 2.000000e-01 : f32
    %mul3A_180 = vector.broadcast %mul3A_179 : f32 to vector<256x4xf32>
    %mul3A_181 = arith.mulf %add3A_172, %mul3A_180 : vector<256x4xf32>
    %swap3A_182 = arith.constant 0 : index
    %swap3A_183 = arith.constant 0 : index
    %swap3A_184 = vector.load %arg9[%swap3A_182, %swap3A_183] : memref<256x4xf32, #tpu.memory_space<vmem>>, vector<256x4xf32>
    tpu.vector_store %arg9[%swap3A_182, %swap3A_183], %mul3A_181 {strides = array<i32>} : memref<256x4xf32, #tpu.memory_space<vmem>>, vector<256x4xf32>,
    return
  }
  func.func @transform_0(%arg0: i32) -> (i32, i32, i32) {
    %c0_i32 = arith.constant 0 : i32
    %c0_i32_0 = arith.constant 0 : i32
    %c0_i32_1 = arith.constant 0 : i32
    return %c0_i32, %arg0, %c0_i32_0 : i32, i32, i32
  }
  func.func @transform_1(%arg0: i32) -> (i32, i32) {
    %c0_i32 = arith.constant 0 : i32
    %c0_i32_0 = arith.constant 0 : i32
    return %arg0, %c0_i32 : i32, i32
  }
  func.func @transform_2(%arg0: i32) -> (i32, i32) {
    %c0_i32 = arith.constant 0 : i32
    %c0_i32_0 = arith.constant 0 : i32
    return %arg0, %c0_i32 : i32, i32
  }
  func.func @transform_3(%arg0: i32) -> (i32, i32, i32) {
    %c0_i32 = arith.constant 0 : i32
    %c0_i32_0 = arith.constant 0 : i32
    %c0_i32_1 = arith.constant 0 : i32
    return %c0_i32, %arg0, %c0_i32_0 : i32, i32, i32
  }
  func.func @transform_4(%arg0: i32) -> (i32, i32) {
    %c0_i32 = arith.constant 0 : i32
    %c0_i32_0 = arith.constant 0 : i32
    %c0_i32_1 = arith.constant 0 : i32
    return %c0_i32, %c0_i32_0 : i32, i32
  }
  func.func @transform_5(%arg0: i32) -> (i32, i32) {
    %c0_i32 = arith.constant 0 : i32
    %c0_i32_0 = arith.constant 0 : i32
    %c0_i32_1 = arith.constant 0 : i32
    return %c0_i32, %c0_i32_0 : i32, i32
  }
  func.func @transform_6(%arg0: i32) -> (i32, i32, i32) {
    %c0_i32 = arith.constant 0 : i32
    %c0_i32_0 = arith.constant 0 : i32
    %c0_i32_1 = arith.constant 0 : i32
    return %c0_i32, %arg0, %c0_i32_0 : i32, i32, i32
  }
  func.func @transform_7(%arg0: i32) -> (i32, i32) {
    %c0_i32 = arith.constant 0 : i32
    %c0_i32_0 = arith.constant 0 : i32
    return %arg0, %c0_i32 : i32, i32
  }
  func.func @transform_8(%arg0: i32) -> (i32, i32) {
    %c0_i32 = arith.constant 0 : i32
    %c0_i32_0 = arith.constant 0 : i32
    return %arg0, %c0_i32 : i32, i32
  }
}

module attributes {stable_mosaic.version = 14 : i64} {
  func.func @_tc3b_body(%arg0: i32, %arg1: memref<4000x1xf32, #tpu.memory_space<vmem>>, %arg2: memref<4000x64xf32, #tpu.memory_space<vmem>>, %arg3: memref<1x64xf32, #tpu.memory_space<vmem>>, %arg4: memref<64x1xf32, #tpu.memory_space<vmem>>, %arg5: memref<1x1xf32, #tpu.memory_space<vmem>>, %arg6: memref<1x1xf32, #tpu.memory_space<vmem>>, %arg7: memref<1x64xf32, #tpu.memory_space<vmem>>) attributes {dimension_semantics = [#tpu.dimension_semantics<arbitrary>], iteration_bounds = array<i64: 50>, scalar_prefetch = 0 : i64, scratch_operands = 1 : i64, tpu.core_type = #tpu.core_type<tc>, window_params = [{transform_indices = @transform_0, window_bounds = array<i64: 4000, 1>}, {transform_indices = @transform_1, window_bounds = array<i64: 4000, 64>}, {pipeline_mode = #tpu.pipeline_mode<synchronous>, transform_indices = @transform_2, window_bounds = array<i64: 1, 64>}, {pipeline_mode = #tpu.pipeline_mode<synchronous>, transform_indices = @transform_3, window_bounds = array<i64: 64, 1>}, {pipeline_mode = #tpu.pipeline_mode<synchronous>, transform_indices = @transform_4, window_bounds = array<i64: 1, 1>}, {pipeline_mode = #tpu.pipeline_mode<synchronous>, transform_indices = @transform_5, window_bounds = array<i64: 1, 1>}]} {
    %get3A = arith.constant 0 : index
    %get3A_0 = arith.constant 0 : index
    %get3A_1 = vector.load %arg1[%get3A, %get3A_0] : memref<4000x1xf32, #tpu.memory_space<vmem>>, vector<4000x1xf32>
    %get3A_2 = arith.constant 0 : index
    %get3A_3 = arith.constant 0 : index
    %get3A_4 = vector.load %arg2[%get3A_2, %get3A_3] : memref<4000x64xf32, #tpu.memory_space<vmem>>, vector<4000x64xf32>
    %mul3A = vector.broadcast %get3A_1 : vector<4000x1xf32> to vector<4000x64xf32>
    %mul3A_5 = arith.mulf %mul3A, %get3A_4 : vector<4000x64xf32>
    %reduce_sum3A = arith.constant dense<0.000000e+00> : vector<64xf32>
    %reduce_sum3A_6 = vector.multi_reduction <add>, %mul3A_5, %reduce_sum3A [0] : vector<4000x64xf32> to vector<64xf32>
    %broadcast_in_dim3A = vector.shape_cast %reduce_sum3A_6 : vector<64xf32> to vector<1x64xf32>
    %eq3A = arith.constant 0 : i32
    %eq3A_7 = arith.cmpi eq, %arg0, %eq3A : i32
    %convert_element_type3A = arith.extui %eq3A_7 : i1 to i32
    %cond3A = arith.constant 0 : i32
    %cond3A_8 = arith.cmpi ne, %convert_element_type3A, %cond3A : i32
    scf.if %cond3A_8 {
      %swap3A = arith.constant 0 : index
      %swap3A_18 = arith.constant 0 : index
      %swap3A_19 = vector.load %arg7[%swap3A, %swap3A_18] : memref<1x64xf32, #tpu.memory_space<vmem>>, vector<1x64xf32>
      tpu.vector_store %arg7[%swap3A, %swap3A_18], %broadcast_in_dim3A {strides = array<i32>} : memref<1x64xf32, #tpu.memory_space<vmem>>, vector<1x64xf32>,
    } else {
    }
    %gt3A = arith.constant 0 : i32
    %gt3A_9 = arith.cmpi sgt, %arg0, %gt3A : i32
    %convert_element_type3A_10 = arith.extui %gt3A_9 : i1 to i32
    %cond3A_11 = arith.constant 0 : i32
    %cond3A_12 = arith.cmpi ne, %convert_element_type3A_10, %cond3A_11 : i32
    scf.if %cond3A_12 {
      %get3A_18 = arith.constant 0 : index
      %get3A_19 = arith.constant 0 : index
      %get3A_20 = vector.load %arg7[%get3A_18, %get3A_19] : memref<1x64xf32, #tpu.memory_space<vmem>>, vector<1x64xf32>
      %add3A = arith.addf %get3A_20, %broadcast_in_dim3A : vector<1x64xf32>
      %swap3A = arith.constant 0 : index
      %swap3A_21 = arith.constant 0 : index
      %swap3A_22 = vector.load %arg7[%swap3A, %swap3A_21] : memref<1x64xf32, #tpu.memory_space<vmem>>, vector<1x64xf32>
      tpu.vector_store %arg7[%swap3A, %swap3A_21], %add3A {strides = array<i32>} : memref<1x64xf32, #tpu.memory_space<vmem>>, vector<1x64xf32>,
    } else {
    }
    %eq3A_13 = arith.constant 49 : i32
    %eq3A_14 = arith.cmpi eq, %arg0, %eq3A_13 : i32
    %convert_element_type3A_15 = arith.extui %eq3A_14 : i1 to i32
    %cond3A_16 = arith.constant 0 : i32
    %cond3A_17 = arith.cmpi ne, %convert_element_type3A_15, %cond3A_16 : i32
    scf.if %cond3A_17 {
      %get3A_18 = arith.constant 0 : index
      %get3A_19 = arith.constant 0 : index
      %get3A_20 = vector.load %arg7[%get3A_18, %get3A_19] : memref<1x64xf32, #tpu.memory_space<vmem>>, vector<1x64xf32>
      %get3A_21 = arith.constant 0 : index
      %get3A_22 = arith.constant 0 : index
      %get3A_23 = vector.load %arg3[%get3A_21, %get3A_22] : memref<1x64xf32, #tpu.memory_space<vmem>>, vector<1x64xf32>
      %add3A = arith.addf %get3A_20, %get3A_23 : vector<1x64xf32>
      %logistic3A = arith.negf %add3A : vector<1x64xf32>
      %logistic3A_24 = math.exp %logistic3A : vector<1x64xf32>
      %logistic3A_25 = arith.constant 1.000000e+00 : f32
      %logistic3A_26 = vector.broadcast %logistic3A_25 : f32 to vector<1x64xf32>
      %logistic3A_27 = arith.addf %logistic3A_26, %logistic3A_24 : vector<1x64xf32>
      %logistic3A_28 = arith.divf %logistic3A_26, %logistic3A_27 : vector<1x64xf32>
      %get3A_29 = arith.constant 0 : index
      %get3A_30 = arith.constant 0 : index
      %get3A_31 = vector.load %arg4[%get3A_29, %get3A_30] : memref<64x1xf32, #tpu.memory_space<vmem>>, vector<64x1xf32>
      %dot_general3A = arith.constant dense<0.000000e+00> : vector<1x1xf32>
      %dot_general3A_32 = tpu.matmul %logistic3A_28, %get3A_31, %dot_general3A {dimension_numbers = #tpu.dot_dimension_numbers<[1], [0], [0], [1], [0, 0, 1, 1], [], []>, transpose_lhs_hint = false} : vector<1x64xf32>, vector<64x1xf32>, vector<1x1xf32> -> vector<1x1xf32>
      %get3A_33 = arith.constant 0 : index
      %get3A_34 = arith.constant 0 : index
      %get3A_35 = vector.load %arg5[%get3A_33, %get3A_34] : memref<1x1xf32, #tpu.memory_space<vmem>>, vector<1x1xf32>
      %add3A_36 = arith.addf %dot_general3A_32, %get3A_35 : vector<1x1xf32>
      %swap3A = arith.constant 0 : index
      %swap3A_37 = arith.constant 0 : index
      %swap3A_38 = vector.load %arg6[%swap3A, %swap3A_37] : memref<1x1xf32, #tpu.memory_space<vmem>>, vector<1x1xf32>
      tpu.vector_store %arg6[%swap3A, %swap3A_37], %add3A_36 {strides = array<i32>} : memref<1x1xf32, #tpu.memory_space<vmem>>, vector<1x1xf32>,
    } else {
    }
    return
  }
  func.func @transform_0(%arg0: i32) -> (i32, i32) {
    %c0_i32 = arith.constant 0 : i32
    %c0_i32_0 = arith.constant 0 : i32
    return %arg0, %c0_i32 : i32, i32
  }
  func.func @transform_1(%arg0: i32) -> (i32, i32) {
    %c0_i32 = arith.constant 0 : i32
    %c0_i32_0 = arith.constant 0 : i32
    return %arg0, %c0_i32 : i32, i32
  }
  func.func @transform_2(%arg0: i32) -> (i32, i32) {
    %c0_i32 = arith.constant 0 : i32
    %c0_i32_0 = arith.constant 0 : i32
    %c0_i32_1 = arith.constant 0 : i32
    return %c0_i32, %c0_i32_0 : i32, i32
  }
  func.func @transform_3(%arg0: i32) -> (i32, i32) {
    %c0_i32 = arith.constant 0 : i32
    %c0_i32_0 = arith.constant 0 : i32
    %c0_i32_1 = arith.constant 0 : i32
    return %c0_i32, %c0_i32_0 : i32, i32
  }
  func.func @transform_4(%arg0: i32) -> (i32, i32) {
    %c0_i32 = arith.constant 0 : i32
    %c0_i32_0 = arith.constant 0 : i32
    %c0_i32_1 = arith.constant 0 : i32
    return %c0_i32, %c0_i32_0 : i32, i32
  }
  func.func @transform_5(%arg0: i32) -> (i32, i32) {
    %c0_i32 = arith.constant 0 : i32
    %c0_i32_0 = arith.constant 0 : i32
    %c0_i32_1 = arith.constant 0 : i32
    return %c0_i32, %c0_i32_0 : i32, i32
  }
}

</mosaic_0001>

<sc_bundles>
// kernel: kernel.14.cloned.1.call-start
scs
__scs_entry_jumppad:
0x0: {  	(pc) =	sbr.rel $0x88, $3  }
0x1: {  	(tag) =	ssettag $0x0;
	lr =	simm.s32 $0x1  }
0x2: {  	[smem:$0x3F95] =	sst lr;
	_ =	strace $0xD0000000  }
0x3: {  	_ = 	snop  }
0x4: {  	_ = 	snop  }
0x5: {  	_ = 	snop  }
0x6: {  	_ = 	snop  }
0x7: {  	_ = 	snop  }
__scs_overlays_trampoline_lowered:
0x8: {  	[smem:$0x3FA4] =	sst s0  }
0x9: {  	[smem:$0x3FA5] =	sst s1  }
0xa: {  	[smem:$0x3FA6] =	sst s2  }
0xb: {  	[smem:$0x3FA7] =	sst s3  }
0xc: {  	[smem:$0x3FA8] =	sst s4  }
0xd: {  	[smem:$0x3FA9] =	sst s5  }
0xe: {  	[smem:$0x3FAA] =	sst s6  }
0xf: {  	[smem:$0x3FAB] =	sst s7  }
0x10: {  	[smem:$0x3FAC] =	sst s8  }
0x11: {  	[smem:$0x3FAD] =	sst s9;
	s0 =	simm.s32 @!p0 $0x0  }
0x12: {  	s1 =	sld [smem:$0x3F93];
	s0 =	simm.s32 @p0 $0x1  }
0x13: {  	[smem:$0x3FAE] =	sst s0;
	s0 =	simm.s32 @!p1 $0x0  }
0x14: {  	s2 =	sld [smem:$0x3F92];
	s0 =	simm.s32 @p1 $0x1  }
0x15: {  	[smem:$0x3FAF] =	sst s0;
	s0 =	simm.s32 @!p2 $0x0  }
0x16: {  	s3 =	sld [smem:$0x3FDB];
	s0 =	simm.s32 @p2 $0x1  }
0x17: {  	s4 =	simm.s32 $0x1BF5;
	[smem:$0x3FB1] =	sst s0  }
0x18: {  	s0 =	sld [smem:$0x3F94];
	_ =	swait.ge [sflag:s4], $0x0  }
0x19: {  	s7 =	sld [smem:$0x3F95]  }
0x1a: {  	s8 =	sadd.s32 $0xFFFFE003, lr  }
0x1b: {  	s9 =	sadd.s32 $0xFFFFFEF7, lr;
	s5 =	simm.s32 $0xFFFFFFFF;
	p2 =	slt.u32 s8, $0xFFFFF086  }
0x1c: {  	p1 =	slt.u32 s9, $0xF7A;
	s5 =	simm.s32 @!p2 $0x0  }
0x1d: {  	s5 =	simm.s32 @p1 $0x1;
	p0 =	seq.s32 s7, s2  }
0x1e: {  	s7 =	smul.u32 @!p0 $0xF7A, s2;
	p2 =	seq.s32 @!p0 s5, $0x0  }
0x1f: {  	s9 =	smul.u32 $0xF7A, s1;
	s8 =	simm.s32 @!p0 $0x1BF5;
	p2 =	por !p2, p0  }
0x20: {  	[sflag:s8] =	ssyncset.s32 @!p0 $0xFFFFF086;
	s6 =	sadd.s32 @!p0 s3, s7;
	s7 =	simm.s32 @!p0 $0x108  }
0x21: {  	s3 =	sadd.s32 s3, s9;
	s6 =	sadd.s32 @!p0 $0x88, s6;
	s7 =	simm.s32 @p2 $0x1082  }
0x22: {  	[simem:s7], [sflag:s8] =	dma.local @!p0 [hbm:s6], $0xF7A  }
0x23: {  	s9 =	sor.u32 $0xD0000000, s2;
	s6 =	simm.s32 $0x108;
	_ =	swait.ge @!p0 [sflag:s8], $0x0  }
0x24: {  	s3 =	sadd.s32 $0x88, s3;
	s6 =	simm.s32 @!p1 $0x1082;
	[sflag:s4] =	ssyncset.s32 $0xFFFFF086  }
0x25: {  	[simem:s6], [sflag:s4] =	dma.local [hbm:s3], $0xF7A  }
0x26: {  	[smem:$0x3F95] =	sst s1;
	(tag) =	ssettag s2;
	_ =	strace s9  }
0x27: {  	s1 =	sld [smem:$0x3FA5]  }
0x28: {  	s2 =	sld [smem:$0x3FA6]  }
0x29: {  	s4 =	sld [smem:$0x3FA8]  }
0x2a: {  	p0 =	seq.s32 s5, $0x0;
	s5 =	sld [smem:$0x3FA9]  }
0x2b: {  	s6 =	sld [smem:$0x3FAA]  }
0x2c: {  	s7 =	sld [smem:$0x3FAB]  }
0x2d: {  	s3 =	simm.s32 $0x108;
	s8 =	sld [smem:$0x3FAC]  }
0x2e: {  	s3 =	simm.s32 @!p0 $0x1082;
	s9 =	sld [smem:$0x3FAD]  }
0x2f: {  	lr =	sadd.s32 s0, s3;
	s0 =	sld [smem:$0x3FA4]  }
0x30: {  	s3 =	sld [smem:$0x3FA7]  }
0x31: {  	[smem:$0x3FB0] =	sst s10  }
0x32: {  	s10 =	sld [smem:$0x3FAE];
	_ =	sdelay $0x3  }
0x33: {  	p0 =	seq.s32 s10, $0x1;
	s10 =	sld [smem:$0x3FB0];
	_ =	sdelay $0x3  }
0x34: {  	[smem:$0x3FB0] =	sst s10  }
0x35: {  	s10 =	sld [smem:$0x3FAF];
	_ =	sdelay $0x3  }
0x36: {  	p1 =	seq.s32 s10, $0x1;
	s10 =	sld [smem:$0x3FB0];
	_ =	sdelay $0x3  }
0x37: {  	[smem:$0x3FB0] =	sst s10  }
0x38: {  	s10 =	sld [smem:$0x3FB1]  }
0x39: {  	_ = 	snop;
	(pc) =	sbr.ind lr, $3  }
0x3a: {  	_ = 	snop  }
0x3b: {  	_ = 	snop  }
0x3c: {  	p2 =	seq.s32 s10, $0x1;
	s10 =	sld [smem:$0x3FB0]  }
0x3d: {  	_ =	shalt  }
0x3e: {  	_ =	shalt  }
0x3f: {  	_ =	shalt  }
0x40: {  	_ =	shalt  }
0x41: {  	_ =	shalt  }
0x42: {  	_ =	shalt  }
0x43: {  	_ =	shalt  }
0x44: {  	_ =	shalt  }
0x45: {  	_ =	shalt  }
0x46: {  	_ =	shalt  }
0x47: {  	_ =	shalt  }
0x48: {  	_ =	shalt  }
0x49: {  	_ =	shalt  }
0x4a: {  	_ =	shalt  }
0x4b: {  	_ =	shalt  }
0x4c: {  	_ =	shalt  }
0x4d: {  	_ =	shalt  }
0x4e: {  	_ =	shalt  }
0x4f: {  	_ =	shalt  }
0x50: {  	_ =	shalt  }
0x51: {  	_ =	shalt  }
0x52: {  	_ =	shalt  }
0x53: {  	_ =	shalt  }
0x54: {  	_ =	shalt  }
0x55: {  	_ =	shalt  }
0x56: {  	_ =	shalt  }
0x57: {  	_ =	shalt  }
0x58: {  	_ =	shalt  }
0x59: {  	_ =	shalt  }
0x5a: {  	_ =	shalt  }
0x5b: {  	_ =	shalt  }
0x5c: {  	_ =	shalt  }
0x5d: {  	_ =	shalt  }
0x5e: {  	_ =	shalt  }
0x5f: {  	_ =	shalt  }
0x60: {  	_ =	shalt  }
0x61: {  	_ =	shalt  }
0x62: {  	_ =	shalt  }
0x63: {  	_ =	shalt  }
0x64: {  	_ =	shalt  }
0x65: {  	_ =	shalt  }
0x66: {  	_ =	shalt  }
0x67: {  	_ =	shalt  }
0x68: {  	_ =	shalt  }
0x69: {  	_ =	shalt  }
0x6a: {  	_ =	shalt  }
0x6b: {  	_ =	shalt  }
0x6c: {  	_ =	shalt  }
0x6d: {  	_ =	shalt  }
0x6e: {  	_ =	shalt  }
0x6f: {  	_ =	shalt  }
0x70: {  	_ =	shalt  }
0x71: {  	_ =	shalt  }
0x72: {  	_ =	shalt  }
0x73: {  	_ =	shalt  }
0x74: {  	_ =	shalt  }
0x75: {  	_ =	shalt  }
0x76: {  	_ =	shalt  }
0x77: {  	_ =	shalt  }
0x78: {  	_ =	shalt  }
0x79: {  	_ =	shalt  }
0x7a: {  	_ =	shalt  }
0x7b: {  	_ =	shalt  }
0x7c: {  	_ =	shalt  }
0x7d: {  	_ =	shalt  }
0x7e: {  	_ =	shalt  }
0x7f: {  	_ =	shalt  }
0x80: {  	_ =	shalt  }
0x81: {  	_ =	shalt  }
0x82: {  	_ =	shalt  }
0x83: {  	_ =	shalt  }
0x84: {  	_ =	shalt  }
0x85: {  	_ =	shalt  }
0x86: {  	_ =	shalt  }
0x87: {  	_ =	shalt  }
.Lfunc_end0:
.L_simem_size_0:
called_computation.1_lowered:
.L_overlay_start_0:
0x88: {  	s2 =	sld [smem:$0x3FD9]  }
0x89: {  	s3 =	sld [smem:$0x3FFE];
	_ =	sdelay $0x1  }
0x8a: {  	s1 =	srdreg.scid  }
0x8b: {  	s0 =	sand.u32 $0x1, s1  }
0x8c: {  	s16 =	sshll.u32 s0, $0xA;
	s2 =	sadd.s32 s3, s2  }
0x8d: {  	s2 =	sadd.s32 s2, s16  }
0x8e: {  	[smem:$0x3FBC] =	sst s2  }
0x8f: {  	_ = 	snop  }
0x90: {  	(tm) =	ssettm $0x1  }
0x91: {  	s17 =	sld [smem:$0x3FFB];
	_ =	sdelay $0x3  }
0x92: {  	_ =	strace s17  }
0x93: {  	s2 =	sld [smem:$0x3FFC];
	_ =	sdelay $0x3  }
0x94: {  	_ =	strace s2  }
0x95: {  	s2 =	sld [smem:$0x3FFD];
	_ =	sdelay $0x3  }
0x96: {  	_ =	strace s2  }
0x97: {  	_ =	strace $0x8FFFFFFF  }
0x98: {  	s18 =	sld [smem:$0x3FDB];
	_ =	sdelay $0x1  }
0x99: {  	s19 =	simm.s32 $_scs_section_size  }
0x9a: {  	s4 =	simm.s32 $_size__tile_overlayer_lowered;
	s5 =	simm.s32 $_tile_overlayer_lowered  }
0x9b: {  	s22 =	simm.s32 $0x1BFF;
	s21 =	sshll.u32 s5, $0x1;
	s2 =	sadd.s32 s19, s18  }
0x9c: {  	s6 =	simm.s32 $0x0;
	s20 =	sshll.u32 s4, $0x1;
	s4 =	sadd.s32 s21, s2  }
0x9d: {  	[timem:s6], [sflag:s22] =	dma.local [hbm:s4], s20  }
0x9e: {  	_ =	swait.ge [sflag:s22], s20  }
0x9f: {  	s3 =	ssub.s32 $0x0, s20;
	[sflag:s22] =	ssyncset.done $0x0  }
0xa0: {  	[sflag:s22] =	ssyncadd.s32 s3;
	_ =	sdelay $0x1  }
0xa1: {  	s23 =	simm.s32 $0x1B8B  }
0xa2: {  	_ =	swait.ge [sflag:s23], $0x1  }
0xa3: {  	[sflag:s23] =	ssyncset.done $0x0  }
0xa4: {  	s25 =	simm.s32 $0x1B8E;
	s24 =	sld [smem:$0x3FFE];
	[sflag:s23] =	ssyncadd.s32 $0xFFFFFFFF  }
0xa5: {  	s26 =	simm.s32 $execute0_lowered;
	[smem:$0x3FD2] =	sst s25  }
0xa6: {  	s4 =	sshll.u32 s26, $0x1;
	_ =	strace $0x80000049;
	[dreg:$0x1] =	wrdreg $0xFFFFFFFF  }
0xa7: {  	s28 =	simm.s32 $_size_execute0_lowered;
	s2 =	sadd.s32 s2, s4;
	[dreg:$0x0] =	wrdreg $0x0  }
0xa8: {  	s4 =	sshll.u32 s28, $0x1;
	[dreg:$0x2] =	wrdreg s2  }
0xa9: {  	[dreg:$0x3] =	wrdreg s4  }
0xaa: {  	[dreg:$0x4] =	wrdreg $0xC0  }
0xab: {  	_ =	task [dreg:s6], $0x5FFFF  }
0xac: {  	[dreg:$0x1] =	wrdreg $0xFFFFFFFF  }
0xad: {  	[dreg:$0x0] =	wrdreg $0x60  }
0xae: {  	[dreg:$0x2] =	wrdreg s24  }
0xaf: {  	[dreg:$0x3] =	wrdreg $0xF0000  }
0xb0: {  	[dreg:$0x4] =	wrdreg $0x9  }
0xb1: {  	_ =	task.clear_ibuf [dreg:s6], $0x5FFFF;
	_ =	strace $0x90000049  }
0xb2: {  	s29 =	simm.s32 $0x9;
	_ =	strace $0x8000004B  }
0xb3: {  	_ =	swait.ge [sflag:s29], $0x1  }
0xb4: {  	[sflag:s29] =	ssyncadd.s32 $0xFFFFFFFF  }
0xb5: {  	_ =	strace $0x9000004B  }
0xb6: {  	_ =	sfence  }
0xb7: {  	s30 =	sld [smem:$0x0];
	_ =	sdelay $0x2  }
0xb8: {  	s31 =	sshll.u32 s1, $0xD;
	s1 =	sshrl.u32 s1, $0x2  }
0xb9: {  	s3 =	sand.u32 $0x4000, s31;
	s1 =	sadd.s32 s1, s30  }
0xba: {  	s0 =	sor.u32 s3, s0;
	s1 =	sshll.u32 s1, $0x11  }
0xbb: {  	s0 =	sor.u32 s1, s0  }
0xbc: {  	s0 =	sadd.s32 $0x8F2B, s0  }
0xbd: {  	[sflag:s0] =	ssyncadd.remote.s32 $0x1  }
0xbe: {  	_ =	sfence.sel $0xFFFF  }
0xbf: {  	[dreg:$0x0] =	wrdreg $0xFFFFFFFF;
	(pc) =	sbr.abs _section_cstart, $3  }
0xc0: {  	[dreg:$0x1] =	wrdreg $0xFFFFFFFF  }
0xc1: {  	_ =	task.clear_ibuf [dreg:s6], $0x2FFFF;
	_ =	strace $0x9FFFFFFF  }
0xc2: {  	(tm) =	ssettm $0x7FFFFFFF  }
0xc3: {  	_ =	shalt  }
tec
execute0_lowered:
.L_overlay_start_1:
0x0: {  	(tag) =	ssettag $0x1  }
0x1: {  	s0 =	srdreg.scid  }
0x2: {  	s11 =	stileid.u32;
	s5 =	rddreg [dreg:$0x0]  }
0x3: {  	s2 =	rddreg [dreg:$0x1];
	s3 =	simm.s32 $0x0;
	s10 =	simm.s32 $0x9  }
0x4: {  	s14 =	simm.s32 $0x80;
	s15 =	simm.s32 $0x5000;
	s18 =	simm.s32 $0x7800  }
0x5: {  	s22 =	simm.s32 $0xA000;
	s29 =	simm.s32 $0xDC00;
	s30 =	simm.s32 $0x1  }
0x6: {  	s31 =	simm.s32 $0x3;
	s16 =	simm.s32 $0x0;
	s0 =	sand.u32 $0x1, s0  }
0x7: {  	s7 =	smul.u32 $0x6400, s11;
	[smem:$0x7FF] =	sst s3;
	s4 =	sadd.s32 $0x16E00, s5  }
0x8: {  	s28 =	sshll.u32 s11, $0x6;
	s1 =	sshll.u32 s0, $0x4;
	s6 =	smul.u32 $0x64000, s0  }
0x9: {  	_ =	strace $0x8000004A;
	s0 =	ssub.s32 $0x2, s0;
	s12 =	sor.u32 $0x1C09, s28  }
0xa: {  	s1 =	sor.u32 s11, s1;
	s8 =	sshrl.u32 s7, $0x3;
	s24 =	sshrl.u32 s0, $0x1  }
0xb: {  	s26 =	sadd.s32 s7, s2;
	s11 =	simm.s32 $0x8;
	s1 =	smul.u32 $0x500, s1  }
0xc: {  	s6 =	sadd.s32 s7, s6;
	s8 =	sadd.s32 s8, s5;
	s0 =	ssub.s32 s0, s24  }
.Ltmp0:
0xd: {  	s13 =	sshrl.u32 s26, $0x3;
	s26 =	simm.s32 $0xC800;
	(pc) =	sbr.rel .LBB2_1-.Ltmp0, $4  }
0xe: {  	s6 =	sshrl.u32 s6, $0x3;
	s7 =	sadd.s32 $0x23200, s8;
	s1 =	sadd.s32 s1, s5  }
0xf: {  	s9 =	sadd.s32 s6, s5;
	s25 =	sadd.s32 $0xCE00, s1;
	s1 =	sadd.s32 $0x2E00, s1  }
0x10: {  	s8 =	sadd.s32 $0x2FA00, s9;
	s9 =	smax.u32 s0, $0x1;
	[dreg:$0x3] =	wrdreg s25  }
0x11: {  	s0 =	simm.s32 $0x7;
	[dreg:$0x4] =	wrdreg s1;
	s1 =	simm.s32 $0x5  }
.LBB2_3:
0x12: {  	_ =	swait.ge [sflag:s11], $0x1400  }
0x13: {  	[sflag:s11] =	ssyncset.done $0x0  }
0x14: {  	s5 =	sadd.s32 $0x2B80, s19;
	[sflag:s11] =	ssyncadd.s32 $0xFFFFEC00  }
0x15: {  	[spmem:s2] =	stream.indirect.scatter.add.f32 [tilespmem:s29], [sflag:$0x9], $0x28, s5, s14, $0xb8;
	[tilespmem:$0x15400] =	vst v63  }
0x16: {  	_ =	swait.ge [sflag:s10], $0x1400  }
0x17: {  	[sflag:s10] =	ssyncset.done $0x0  }
0x18: {  	[sflag:s10] =	ssyncadd.s32 $0xFFFFEC00  }
.LBB2_5:
0x19: {  	s16 =	sadd.s32 $0x1, s16  }
0x1a: {  	p0 =	sne.s32 s16, s9  }
.Ltmp1:
0x1b: {  	[bflag:$0x0] =	sbarrier.arrive $0xFFFF;
	(pc) =	sbr.rel @!p0 .LBB2_6-.Ltmp1, $4  }
0x1c: {  	[hbm:s8], [sflag:s12] =	dma.local [spmem:s13], $0xC80  }
0x1d: {  	_ =	swait.ge [sflag:s10], $0xC80  }
0x1e: {  	[sflag:s10] =	ssyncset.done $0x0  }
0x1f: {  	[sflag:s10] =	ssyncadd.s32 $0xFFFFF380  }
.LBB2_1:
0x20: {  	s5 =	rddreg [dreg:$0x3]  }
0x21: {  	[tilespmem:s3], [sflag:$0x9] =	stream.linear.gather [hbm4b:s5+s3], $0x2800, $0x38;
	[tilespmem:$0x15400] =	vst v63  }
0x22: {  	_ =	swait.ge [sflag:s10], $0x2800  }
0x23: {  	[sflag:s10] =	ssyncset.done $0x0  }
0x24: {  	s6 =	simm.s32 $0x2800;
	s28 =	rddreg [dreg:$0x4];
	[sflag:s10] =	ssyncadd.s32 $0xFFFFD800  }
0x25: {  	[tilespmem:s6], [sflag:$0x9] =	stream.linear.gather [hbm4b:s28+s3], $0x2800, $0x38;
	[tilespmem:$0x15400] =	vst v63  }
0x26: {  	_ =	swait.ge [sflag:s10], $0x2800  }
0x27: {  	[sflag:s10] =	ssyncset.done $0x0  }
0x28: {  	[sflag:s10] =	ssyncadd.s32 $0xFFFFD800  }
0x29: {  	[spmem:s13], [sflag:s12] =	dma.local [hbm:s7], $0xC80  }
0x2a: {  	_ =	swait.ge [sflag:s10], $0xC80  }
0x2b: {  	[sflag:s10] =	ssyncset.done $0x0  }
0x2c: {  	[sflag:s10] =	ssyncadd.s32 $0xFFFFF380  }
0x2d: {  	[bflag:$0x0] =	sbarrier.arrive $0xFFFF  }
0x2e: {  	[tilespmem:s15], [sflag:$0x1] =	stream.indirect.gather [hbm4b:s4+s14], $0x28, s3, s14, $0xb8;
	[tilespmem:$0x15400] =	vst v63  }
0x2f: {  	s6 =	simm.s32 $0x6400  }
0x30: {  	[tilespmem:s6], [sflag:$0x2] =	stream.indirect.gather [hbm4b:s4+s14], $0x28, s14, s14, $0xb8;
	[tilespmem:$0x15400] =	vst v63  }
0x31: {  	s17 =	simm.s32 $0x100  }
0x32: {  	[tilespmem:s18], [sflag:$0x3] =	stream.indirect.gather [hbm4b:s4+s14], $0x28, s17, s14, $0xb8;
	[tilespmem:$0x15400] =	vst v63  }
0x33: {  	s19 =	simm.s32 $0x180;
	s20 =	simm.s32 $0x8C00  }
0x34: {  	[tilespmem:s20], [sflag:$0x4] =	stream.indirect.gather [hbm4b:s4+s14], $0x28, s19, s14, $0xb8;
	[tilespmem:$0x15400] =	vst v63  }
0x35: {  	s21 =	simm.s32 $0x200  }
0x36: {  	[tilespmem:s22], [sflag:$0x5] =	stream.indirect.gather [hbm4b:s4+s14], $0x28, s21, s14, $0xb8;
	[tilespmem:$0x15400] =	vst v63  }
0x37: {  	s23 =	simm.s32 $0x280;
	s24 =	simm.s32 $0xB400  }
0x38: {  	[tilespmem:s24], [sflag:$0x6] =	stream.indirect.gather [hbm4b:s4+s14], $0x28, s23, s14, $0xb8;
	[tilespmem:$0x15400] =	vst v63  }
0x39: {  	s25 =	simm.s32 $0x300  }
0x3a: {  	[tilespmem:s26], [sflag:$0x7] =	stream.indirect.gather [hbm4b:s4+s14], $0x28, s25, s14, $0xb8;
	[tilespmem:$0x15400] =	vst v63  }
0x3b: {  	s28 =	simm.s32 $0x380;
	s17 =	simm.s32 $0x0  }
0x3c: {  	[tilespmem:s29], [sflag:$0x8] =	stream.indirect.gather [hbm4b:s4+s14], $0x28, s28, s14, $0xb8;
	[tilespmem:$0x15400] =	vst v63  }
.LBB2_2:
0x3d: {  	_ =	swait.ge [sflag:s30], $0x1400  }
0x3e: {  	s19 =	sshra.s32 s17, $0x2;
	[sflag:s30] =	ssyncset.done $0x0  }
0x3f: {  	s20 =	sadd.s32 $0x2800, s19;
	[sflag:s30] =	ssyncadd.s32 $0xFFFFEC00  }
0x40: {  	[spmem:s2] =	stream.indirect.scatter.add.f32 [tilespmem:s15], [sflag:$0x9], $0x28, s20, s14, $0xb8;
	[tilespmem:$0x15400] =	vst v63  }
0x41: {  	_ =	swait.ge [sflag:s10], $0x1400  }
0x42: {  	p0 =	seq.s32 s17, $0x9000;
	[sflag:s10] =	ssyncset.done $0x0  }
0x43: {  	s20 =	simm.s32 @p0 $0x2;
	[sflag:s10] =	ssyncadd.s32 $0xFFFFEC00  }
0x44: {  	s23 =	sshra.s32 @p0 s17, $0x2;
	_ =	swait.ge @p0 [sflag:s20], $0x1400  }
0x45: {  	s24 =	simm.s32 @p0 $0x80;
	s21 =	simm.s32 @p0 $0x6400;
	[sflag:s20] =	ssyncset.done @p0 $0x0  }
0x46: {  	s25 =	simm.s32 @p0 $0x9;
	[sflag:s20] =	ssyncadd.s32 @p0 $0xFFFFEC00;
	s20 =	sadd.s32 @p0 $0x2880, s23  }
0x47: {  	[spmem:s2] =	stream.indirect.scatter.add.f32 @p0 [tilespmem:s21], [sflag:$0x9], $0x28, s20, s24, $0xb8;
	[tilespmem:$0x15400] =	vst v63  }
0x48: {  	_ =	swait.ge @p0 [sflag:s25], $0x1400  }
0x49: {  	s5 =	simm.s32 @!p0 $0x5000;
	s20 =	sshra.s32 @!p0 s17, $0x2;
	[sflag:s25] =	ssyncset.done @p0 $0x0  }
0x4a: {  	s21 =	simm.s32 @!p0 $0x80;
	s28 =	sadd.s32 @!p0 $0x400, s20;
	[sflag:s25] =	ssyncadd.s32 @p0 $0xFFFFEC00  }
0x4b: {  	[tilespmem:s5], [sflag:$0x1] =	stream.indirect.gather @!p0 [hbm4b:s4+s21], $0x28, s28, s21, $0xb8;
	[tilespmem:$0x15400] =	vst v63  }
0x4c: {  	s5 =	simm.s32 @!p0 $0x2  }
0x4d: {  	_ =	swait.ge @!p0 [sflag:s5], $0x1400  }
0x4e: {  	s6 =	simm.s32 @!p0 $0x6400;
	[sflag:s5] =	ssyncset.done @!p0 $0x0  }
0x4f: {  	s28 =	simm.s32 @!p0 $0x9;
	[sflag:s5] =	ssyncadd.s32 @!p0 $0xFFFFEC00;
	s5 =	sadd.s32 @!p0 $0x2880, s20  }
0x50: {  	[spmem:s2] =	stream.indirect.scatter.add.f32 @!p0 [tilespmem:s6], [sflag:$0x9], $0x28, s5, s21, $0xb8;
	[tilespmem:$0x15400] =	vst v63  }
0x51: {  	_ =	swait.ge @!p0 [sflag:s28], $0x1400  }
0x52: {  	[sflag:s28] =	ssyncset.done @!p0 $0x0  }
0x53: {  	s5 =	sadd.s32 @!p0 $0x480, s20;
	[sflag:s28] =	ssyncadd.s32 @!p0 $0xFFFFEC00  }
0x54: {  	[tilespmem:s6], [sflag:$0x2] =	stream.indirect.gather @!p0 [hbm4b:s4+s21], $0x28, s5, s21, $0xb8;
	[tilespmem:$0x15400] =	vst v63  }
0x55: {  	_ =	swait.ge [sflag:s31], $0x1400  }
0x56: {  	[sflag:s31] =	ssyncset.done $0x0  }
0x57: {  	s6 =	sadd.s32 $0x2900, s19;
	[sflag:s31] =	ssyncadd.s32 $0xFFFFEC00  }
0x58: {  	[spmem:s2] =	stream.indirect.scatter.add.f32 [tilespmem:s18], [sflag:$0x9], $0x28, s6, s14, $0xb8;
	[tilespmem:$0x15400] =	vst v63  }
0x59: {  	_ =	swait.ge [sflag:s10], $0x1400  }
0x5a: {  	[sflag:s10] =	ssyncset.done $0x0  }
0x5b: {  	s5 =	simm.s32 @p0 $0x4;
	[sflag:s10] =	ssyncadd.s32 $0xFFFFEC00  }
0x5c: {  	_ =	swait.ge @p0 [sflag:s5], $0x1400  }
0x5d: {  	[sflag:s5] =	ssyncset.done @p0 $0x0  }
0x5e: {  	s6 =	simm.s32 @p0 $0x8C00;
	[sflag:s5] =	ssyncadd.s32 @p0 $0xFFFFEC00;
	s5 =	sadd.s32 @p0 $0x2980, s23  }
0x5f: {  	[spmem:s2] =	stream.indirect.scatter.add.f32 @p0 [tilespmem:s6], [sflag:$0x9], $0x28, s5, s24, $0xb8;
	[tilespmem:$0x15400] =	vst v63  }
0x60: {  	_ =	swait.ge @p0 [sflag:s25], $0x1400  }
0x61: {  	[sflag:s25] =	ssyncset.done @p0 $0x0  }
0x62: {  	s5 =	sadd.s32 @!p0 $0x500, s20;
	s6 =	simm.s32 @!p0 $0x7800;
	[sflag:s25] =	ssyncadd.s32 @p0 $0xFFFFEC00  }
0x63: {  	[tilespmem:s6], [sflag:$0x3] =	stream.indirect.gather @!p0 [hbm4b:s4+s21], $0x28, s5, s21, $0xb8;
	[tilespmem:$0x15400] =	vst v63  }
0x64: {  	s5 =	simm.s32 @!p0 $0x4  }
0x65: {  	_ =	swait.ge @!p0 [sflag:s5], $0x1400  }
0x66: {  	[sflag:s5] =	ssyncset.done @!p0 $0x0  }
0x67: {  	s6 =	simm.s32 @!p0 $0x8C00;
	[sflag:s5] =	ssyncadd.s32 @!p0 $0xFFFFEC00;
	s5 =	sadd.s32 @!p0 $0x2980, s20  }
0x68: {  	[spmem:s2] =	stream.indirect.scatter.add.f32 @!p0 [tilespmem:s6], [sflag:$0x9], $0x28, s5, s21, $0xb8;
	[tilespmem:$0x15400] =	vst v63  }
0x69: {  	_ =	swait.ge @!p0 [sflag:s28], $0x1400  }
0x6a: {  	[sflag:s28] =	ssyncset.done @!p0 $0x0  }
0x6b: {  	s5 =	sadd.s32 @!p0 $0x580, s20;
	[sflag:s28] =	ssyncadd.s32 @!p0 $0xFFFFEC00  }
0x6c: {  	[tilespmem:s6], [sflag:$0x4] =	stream.indirect.gather @!p0 [hbm4b:s4+s21], $0x28, s5, s21, $0xb8;
	[tilespmem:$0x15400] =	vst v63  }
0x6d: {  	_ =	swait.ge [sflag:s1], $0x1400  }
0x6e: {  	[sflag:s1] =	ssyncset.done $0x0  }
0x6f: {  	s6 =	sadd.s32 $0x2A00, s19;
	[sflag:s1] =	ssyncadd.s32 $0xFFFFEC00  }
0x70: {  	[spmem:s2] =	stream.indirect.scatter.add.f32 [tilespmem:s22], [sflag:$0x9], $0x28, s6, s14, $0xb8;
	[tilespmem:$0x15400] =	vst v63  }
0x71: {  	_ =	swait.ge [sflag:s10], $0x1400  }
0x72: {  	[sflag:s10] =	ssyncset.done $0x0  }
0x73: {  	s5 =	simm.s32 @p0 $0x6;
	[sflag:s10] =	ssyncadd.s32 $0xFFFFEC00  }
0x74: {  	_ =	swait.ge @p0 [sflag:s5], $0x1400  }
0x75: {  	[sflag:s5] =	ssyncset.done @p0 $0x0  }
0x76: {  	s6 =	simm.s32 @p0 $0xB400;
	[sflag:s5] =	ssyncadd.s32 @p0 $0xFFFFEC00;
	s5 =	sadd.s32 @p0 $0x2A80, s23  }
0x77: {  	[spmem:s2] =	stream.indirect.scatter.add.f32 @p0 [tilespmem:s6], [sflag:$0x9], $0x28, s5, s24, $0xb8;
	[tilespmem:$0x15400] =	vst v63  }
0x78: {  	_ =	swait.ge @p0 [sflag:s25], $0x1400  }
0x79: {  	[sflag:s25] =	ssyncset.done @p0 $0x0  }
0x7a: {  	s5 =	sadd.s32 @!p0 $0x600, s20;
	s6 =	simm.s32 @!p0 $0xA000;
	[sflag:s25] =	ssyncadd.s32 @p0 $0xFFFFEC00  }
0x7b: {  	[tilespmem:s6], [sflag:$0x5] =	stream.indirect.gather @!p0 [hbm4b:s4+s21], $0x28, s5, s21, $0xb8;
	[tilespmem:$0x15400] =	vst v63  }
0x7c: {  	s5 =	simm.s32 @!p0 $0x6  }
0x7d: {  	_ =	swait.ge @!p0 [sflag:s5], $0x1400  }
0x7e: {  	[sflag:s5] =	ssyncset.done @!p0 $0x0  }
0x7f: {  	s6 =	simm.s32 @!p0 $0xB400;
	[sflag:s5] =	ssyncadd.s32 @!p0 $0xFFFFEC00;
	s5 =	sadd.s32 @!p0 $0x2A80, s20  }
0x80: {  	[spmem:s2] =	stream.indirect.scatter.add.f32 @!p0 [tilespmem:s6], [sflag:$0x9], $0x28, s5, s21, $0xb8;
	[tilespmem:$0x15400] =	vst v63  }
0x81: {  	_ =	swait.ge @!p0 [sflag:s28], $0x1400  }
0x82: {  	[sflag:s28] =	ssyncset.done @!p0 $0x0  }
0x83: {  	s5 =	sadd.s32 @!p0 $0x680, s20;
	[sflag:s28] =	ssyncadd.s32 @!p0 $0xFFFFEC00  }
0x84: {  	[tilespmem:s6], [sflag:$0x6] =	stream.indirect.gather @!p0 [hbm4b:s4+s21], $0x28, s5, s21, $0xb8;
	[tilespmem:$0x15400] =	vst v63  }
0x85: {  	_ =	swait.ge [sflag:s0], $0x1400  }
0x86: {  	p0 =	sne.s32 s17, $0x9000;
	[sflag:s0] =	ssyncset.done $0x0  }
.Ltmp2:
0x87: {  	s28 =	sadd.s32 $0x2B00, s19;
	[sflag:s0] =	ssyncadd.s32 $0xFFFFEC00;
	(pc) =	sbr.rel @!p0 .LBB2_3-.Ltmp2, $4  }
0x88: {  	[spmem:s2] =	stream.indirect.scatter.add.f32 [tilespmem:s26], [sflag:$0x9], $0x28, s28, s14, $0xb8;
	[tilespmem:$0x15400] =	vst v63  }
0x89: {  	_ =	swait.ge [sflag:s10], $0x1400  }
0x8a: {  	[sflag:s10] =	ssyncset.done $0x0  }
0x8b: {  	[sflag:s10] =	ssyncadd.s32 $0xFFFFEC00  }
0x8c: {  	s5 =	sadd.s32 $0x700, s19  }
0x8d: {  	[tilespmem:s26], [sflag:$0x7] =	stream.indirect.gather [hbm4b:s4+s14], $0x28, s5, s14, $0xb8;
	[tilespmem:$0x15400] =	vst v63  }
0x8e: {  	_ =	swait.ge [sflag:s11], $0x1400  }
0x8f: {  	s17 =	sadd.s32 $0x1000, s17;
	[sflag:s11] =	ssyncset.done $0x0  }
0x90: {  	s25 =	sadd.s32 $0x2B80, s19;
	p0 =	sne.s32 s17, $0xA000;
	[sflag:s11] =	ssyncadd.s32 $0xFFFFEC00  }
0x91: {  	[spmem:s2] =	stream.indirect.scatter.add.f32 [tilespmem:s29], [sflag:$0x9], $0x28, s25, s14, $0xb8;
	[tilespmem:$0x15400] =	vst v63  }
.Ltmp3:
0x92: {  	_ = 	snop;
	(pc) =	sbr.rel @p0 .LBB2_2-.Ltmp3, $4  }
.Ltmp4:
0x93: {  	_ =	swait.ge [sflag:s10], $0x1400;
	(pc) =	sbr.rel @!p0 .LBB2_5-.Ltmp4, $4  }
0x94: {  	[sflag:s10] =	ssyncset.done $0x0  }
0x95: {  	s28 =	sadd.s32 $0x780, s19;
	[sflag:s10] =	ssyncadd.s32 $0xFFFFEC00  }
0x96: {  	[tilespmem:s29], [sflag:$0x8] =	stream.indirect.gather [hbm4b:s4+s14], $0x28, s28, s14, $0xb8;
	[tilespmem:$0x15400] =	vst v63  }
0x97: {  	_ = 	snop  }
.LBB2_6:
0x98: {  	_ =	sfence.sel $0x180000  }
0x99: {  	[bflag:$0x0] =	sbarrier.arrive $0xFFFF  }
0x9a: {  	_ =	strace $0x9000004A  }
0x9b: {  	s0 =	stileid.u32;
	[bflag:$0x2] =	sbarrier.arrive $0xFFFF  }
0x9c: {  	p0 =	sne.s32 s0, $0x0;
	s0 =	rddreg [dreg:$0x2]  }
0x9d: {  	s0 =	sadd.s32 @!p0 $0x100000, s0  }
0x9e: {  	[sflag:s0] =	ssyncadd.tile.s32 @!p0 $0x1;
	_ =	shalt  }
.Lfunc_end2:
_tile_overlayer_lowered:
.L_overlay_start_2:
0x9f: {  	(tag) =	ssettag $0x2  }
0xa0: {  	s0 =	rddreg [dreg:$0x0];
	s2 =	stileid.u32  }
0xa1: {  	s1 =	rddreg [dreg:$0x1];
	p0 =	sne.s32 s2, $0x0  }
0xa2: {  	s3 =	rddreg [dreg:$0x2];
	[bflag:$0x3] =	sbarrier.arrive $0xFFFF;
	s2 =	simm.s32 @!p0 $0x1C09  }
0xa3: {  	[timem:s3], [sflag:s2] =	dma.local @!p0 [hbm:s0], s1  }
0xa4: {  	s0 =	simm.s32 @!p0 $0x9  }
0xa5: {  	_ =	swait.ge @!p0 [sflag:s0], s1  }
0xa6: {  	s1 =	ssub.s32 @!p0 $0x0, s1;
	[sflag:s0] =	ssyncset.done @!p0 $0x0  }
0xa7: {  	[sflag:s0] =	ssyncadd.s32 @!p0 s1  }
0xa8: {  	[bflag:$0x3] =	sbarrier.arrive $0xFFFF  }
0xa9: {  	_ =	shalt  }

// kernel: kernel.17.cloned.1.call-start
scs
__scs_entry_jumppad:
0x0: {  	(pc) =	sbr.rel $0x88, $3  }
0x1: {  	(tag) =	ssettag $0x0;
	lr =	simm.s32 $0x1  }
0x2: {  	[smem:$0x3F95] =	sst lr;
	_ =	strace $0xD0000000  }
0x3: {  	_ = 	snop  }
0x4: {  	_ = 	snop  }
0x5: {  	_ = 	snop  }
0x6: {  	_ = 	snop  }
0x7: {  	_ = 	snop  }
__scs_overlays_trampoline_lowered:
0x8: {  	[smem:$0x3FA4] =	sst s0  }
0x9: {  	[smem:$0x3FA5] =	sst s1  }
0xa: {  	[smem:$0x3FA6] =	sst s2  }
0xb: {  	[smem:$0x3FA7] =	sst s3  }
0xc: {  	[smem:$0x3FA8] =	sst s4  }
0xd: {  	[smem:$0x3FA9] =	sst s5  }
0xe: {  	[smem:$0x3FAA] =	sst s6  }
0xf: {  	[smem:$0x3FAB] =	sst s7  }
0x10: {  	[smem:$0x3FAC] =	sst s8  }
0x11: {  	[smem:$0x3FAD] =	sst s9;
	s0 =	simm.s32 @!p0 $0x0  }
0x12: {  	s1 =	sld [smem:$0x3F93];
	s0 =	simm.s32 @p0 $0x1  }
0x13: {  	[smem:$0x3FAE] =	sst s0;
	s0 =	simm.s32 @!p1 $0x0  }
0x14: {  	s2 =	sld [smem:$0x3F92];
	s0 =	simm.s32 @p1 $0x1  }
0x15: {  	[smem:$0x3FAF] =	sst s0;
	s0 =	simm.s32 @!p2 $0x0  }
0x16: {  	s3 =	sld [smem:$0x3FDB];
	s0 =	simm.s32 @p2 $0x1  }
0x17: {  	s4 =	simm.s32 $0x1BF5;
	[smem:$0x3FB1] =	sst s0  }
0x18: {  	s0 =	sld [smem:$0x3F94];
	_ =	swait.ge [sflag:s4], $0x0  }
0x19: {  	s7 =	sld [smem:$0x3F95]  }
0x1a: {  	s8 =	sadd.s32 $0xFFFFE003, lr  }
0x1b: {  	s9 =	sadd.s32 $0xFFFFFEF7, lr;
	s5 =	simm.s32 $0xFFFFFFFF;
	p2 =	slt.u32 s8, $0xFFFFF086  }
0x1c: {  	p1 =	slt.u32 s9, $0xF7A;
	s5 =	simm.s32 @!p2 $0x0  }
0x1d: {  	s5 =	simm.s32 @p1 $0x1;
	p0 =	seq.s32 s7, s2  }
0x1e: {  	s7 =	smul.u32 @!p0 $0xF7A, s2;
	p2 =	seq.s32 @!p0 s5, $0x0  }
0x1f: {  	s9 =	smul.u32 $0xF7A, s1;
	s8 =	simm.s32 @!p0 $0x1BF5;
	p2 =	por !p2, p0  }
0x20: {  	[sflag:s8] =	ssyncset.s32 @!p0 $0xFFFFF086;
	s6 =	sadd.s32 @!p0 s3, s7;
	s7 =	simm.s32 @!p0 $0x108  }
0x21: {  	s3 =	sadd.s32 s3, s9;
	s6 =	sadd.s32 @!p0 $0x88, s6;
	s7 =	simm.s32 @p2 $0x1082  }
0x22: {  	[simem:s7], [sflag:s8] =	dma.local @!p0 [hbm:s6], $0xF7A  }
0x23: {  	s9 =	sor.u32 $0xD0000000, s2;
	s6 =	simm.s32 $0x108;
	_ =	swait.ge @!p0 [sflag:s8], $0x0  }
0x24: {  	s3 =	sadd.s32 $0x88, s3;
	s6 =	simm.s32 @!p1 $0x1082;
	[sflag:s4] =	ssyncset.s32 $0xFFFFF086  }
0x25: {  	[simem:s6], [sflag:s4] =	dma.local [hbm:s3], $0xF7A  }
0x26: {  	[smem:$0x3F95] =	sst s1;
	(tag) =	ssettag s2;
	_ =	strace s9  }
0x27: {  	s1 =	sld [smem:$0x3FA5]  }
0x28: {  	s2 =	sld [smem:$0x3FA6]  }
0x29: {  	s4 =	sld [smem:$0x3FA8]  }
0x2a: {  	p0 =	seq.s32 s5, $0x0;
	s5 =	sld [smem:$0x3FA9]  }
0x2b: {  	s6 =	sld [smem:$0x3FAA]  }
0x2c: {  	s7 =	sld [smem:$0x3FAB]  }
0x2d: {  	s3 =	simm.s32 $0x108;
	s8 =	sld [smem:$0x3FAC]  }
0x2e: {  	s3 =	simm.s32 @!p0 $0x1082;
	s9 =	sld [smem:$0x3FAD]  }
0x2f: {  	lr =	sadd.s32 s0, s3;
	s0 =	sld [smem:$0x3FA4]  }
0x30: {  	s3 =	sld [smem:$0x3FA7]  }
0x31: {  	[smem:$0x3FB0] =	sst s10  }
0x32: {  	s10 =	sld [smem:$0x3FAE];
	_ =	sdelay $0x3  }
0x33: {  	p0 =	seq.s32 s10, $0x1;
	s10 =	sld [smem:$0x3FB0];
	_ =	sdelay $0x3  }
0x34: {  	[smem:$0x3FB0] =	sst s10  }
0x35: {  	s10 =	sld [smem:$0x3FAF];
	_ =	sdelay $0x3  }
0x36: {  	p1 =	seq.s32 s10, $0x1;
	s10 =	sld [smem:$0x3FB0];
	_ =	sdelay $0x3  }
0x37: {  	[smem:$0x3FB0] =	sst s10  }
0x38: {  	s10 =	sld [smem:$0x3FB1]  }
0x39: {  	_ = 	snop;
	(pc) =	sbr.ind lr, $3  }
0x3a: {  	_ = 	snop  }
0x3b: {  	_ = 	snop  }
0x3c: {  	p2 =	seq.s32 s10, $0x1;
	s10 =	sld [smem:$0x3FB0]  }
0x3d: {  	_ =	shalt  }
0x3e: {  	_ =	shalt  }
0x3f: {  	_ =	shalt  }
0x40: {  	_ =	shalt  }
0x41: {  	_ =	shalt  }
0x42: {  	_ =	shalt  }
0x43: {  	_ =	shalt  }
0x44: {  	_ =	shalt  }
0x45: {  	_ =	shalt  }
0x46: {  	_ =	shalt  }
0x47: {  	_ =	shalt  }
0x48: {  	_ =	shalt  }
0x49: {  	_ =	shalt  }
0x4a: {  	_ =	shalt  }
0x4b: {  	_ =	shalt  }
0x4c: {  	_ =	shalt  }
0x4d: {  	_ =	shalt  }
0x4e: {  	_ =	shalt  }
0x4f: {  	_ =	shalt  }
0x50: {  	_ =	shalt  }
0x51: {  	_ =	shalt  }
0x52: {  	_ =	shalt  }
0x53: {  	_ =	shalt  }
0x54: {  	_ =	shalt  }
0x55: {  	_ =	shalt  }
0x56: {  	_ =	shalt  }
0x57: {  	_ =	shalt  }
0x58: {  	_ =	shalt  }
0x59: {  	_ =	shalt  }
0x5a: {  	_ =	shalt  }
0x5b: {  	_ =	shalt  }
0x5c: {  	_ =	shalt  }
0x5d: {  	_ =	shalt  }
0x5e: {  	_ =	shalt  }
0x5f: {  	_ =	shalt  }
0x60: {  	_ =	shalt  }
0x61: {  	_ =	shalt  }
0x62: {  	_ =	shalt  }
0x63: {  	_ =	shalt  }
0x64: {  	_ =	shalt  }
0x65: {  	_ =	shalt  }
0x66: {  	_ =	shalt  }
0x67: {  	_ =	shalt  }
0x68: {  	_ =	shalt  }
0x69: {  	_ =	shalt  }
0x6a: {  	_ =	shalt  }
0x6b: {  	_ =	shalt  }
0x6c: {  	_ =	shalt  }
0x6d: {  	_ =	shalt  }
0x6e: {  	_ =	shalt  }
0x6f: {  	_ =	shalt  }
0x70: {  	_ =	shalt  }
0x71: {  	_ =	shalt  }
0x72: {  	_ =	shalt  }
0x73: {  	_ =	shalt  }
0x74: {  	_ =	shalt  }
0x75: {  	_ =	shalt  }
0x76: {  	_ =	shalt  }
0x77: {  	_ =	shalt  }
0x78: {  	_ =	shalt  }
0x79: {  	_ =	shalt  }
0x7a: {  	_ =	shalt  }
0x7b: {  	_ =	shalt  }
0x7c: {  	_ =	shalt  }
0x7d: {  	_ =	shalt  }
0x7e: {  	_ =	shalt  }
0x7f: {  	_ =	shalt  }
0x80: {  	_ =	shalt  }
0x81: {  	_ =	shalt  }
0x82: {  	_ =	shalt  }
0x83: {  	_ =	shalt  }
0x84: {  	_ =	shalt  }
0x85: {  	_ =	shalt  }
0x86: {  	_ =	shalt  }
0x87: {  	_ =	shalt  }
.Lfunc_end0:
.L_simem_size_0:
called_computation.2_lowered:
.L_overlay_start_0:
0x88: {  	s2 =	sld [smem:$0x3FD9]  }
0x89: {  	s3 =	sld [smem:$0x3FFE];
	_ =	sdelay $0x1  }
0x8a: {  	s1 =	srdreg.scid  }
0x8b: {  	s0 =	sand.u32 $0x1, s1  }
0x8c: {  	s16 =	sshll.u32 s0, $0xA;
	s2 =	sadd.s32 s3, s2  }
0x8d: {  	s2 =	sadd.s32 s2, s16  }
0x8e: {  	[smem:$0x3FBC] =	sst s2  }
0x8f: {  	_ = 	snop  }
0x90: {  	(tm) =	ssettm $0x1  }
0x91: {  	s17 =	sld [smem:$0x3FFB];
	_ =	sdelay $0x3  }
0x92: {  	_ =	strace s17  }
0x93: {  	s2 =	sld [smem:$0x3FFC];
	_ =	sdelay $0x3  }
0x94: {  	_ =	strace s2  }
0x95: {  	s2 =	sld [smem:$0x3FFD];
	_ =	sdelay $0x3  }
0x96: {  	_ =	strace s2  }
0x97: {  	_ =	strace $0x8FFFFFFF  }
0x98: {  	s18 =	sld [smem:$0x3FDB];
	_ =	sdelay $0x1  }
0x99: {  	s19 =	simm.s32 $_scs_section_size  }
0x9a: {  	s4 =	simm.s32 $_size__tile_overlayer_lowered;
	s5 =	simm.s32 $_tile_overlayer_lowered  }
0x9b: {  	s22 =	simm.s32 $0x1BFF;
	s21 =	sshll.u32 s5, $0x1;
	s2 =	sadd.s32 s19, s18  }
0x9c: {  	s6 =	simm.s32 $0x0;
	s20 =	sshll.u32 s4, $0x1;
	s4 =	sadd.s32 s21, s2  }
0x9d: {  	[timem:s6], [sflag:s22] =	dma.local [hbm:s4], s20  }
0x9e: {  	_ =	swait.ge [sflag:s22], s20  }
0x9f: {  	s3 =	ssub.s32 $0x0, s20;
	[sflag:s22] =	ssyncset.done $0x0  }
0xa0: {  	[sflag:s22] =	ssyncadd.s32 s3;
	_ =	sdelay $0x1  }
0xa1: {  	s23 =	simm.s32 $0x1B8B  }
0xa2: {  	_ =	swait.ge [sflag:s23], $0x1  }
0xa3: {  	[sflag:s23] =	ssyncset.done $0x0  }
0xa4: {  	s25 =	simm.s32 $0x1B8E;
	s24 =	sld [smem:$0x3FFE];
	[sflag:s23] =	ssyncadd.s32 $0xFFFFFFFF  }
0xa5: {  	s26 =	simm.s32 $execute0_lowered;
	[smem:$0x3FD2] =	sst s25  }
0xa6: {  	s4 =	sshll.u32 s26, $0x1;
	_ =	strace $0x8000004C;
	[dreg:$0x1] =	wrdreg $0xFFFFFFFF  }
0xa7: {  	s28 =	simm.s32 $_size_execute0_lowered;
	s2 =	sadd.s32 s2, s4;
	[dreg:$0x0] =	wrdreg $0x0  }
0xa8: {  	s4 =	sshll.u32 s28, $0x1;
	[dreg:$0x2] =	wrdreg s2  }
0xa9: {  	[dreg:$0x3] =	wrdreg s4  }
0xaa: {  	[dreg:$0x4] =	wrdreg $0xC0  }
0xab: {  	_ =	task [dreg:s6], $0x5FFFF  }
0xac: {  	[dreg:$0x1] =	wrdreg $0xFFFFFFFF  }
0xad: {  	[dreg:$0x0] =	wrdreg $0x60  }
0xae: {  	[dreg:$0x2] =	wrdreg s24  }
0xaf: {  	[dreg:$0x3] =	wrdreg $0xF0000  }
0xb0: {  	[dreg:$0x4] =	wrdreg $0x9  }
0xb1: {  	_ =	task.clear_ibuf [dreg:s6], $0x5FFFF;
	_ =	strace $0x9000004C  }
0xb2: {  	s29 =	simm.s32 $0x9;
	_ =	strace $0x8000004E  }
0xb3: {  	_ =	swait.ge [sflag:s29], $0x1  }
0xb4: {  	[sflag:s29] =	ssyncadd.s32 $0xFFFFFFFF  }
0xb5: {  	_ =	strace $0x9000004E  }
0xb6: {  	_ =	sfence  }
0xb7: {  	s30 =	sld [smem:$0x0];
	_ =	sdelay $0x2  }
0xb8: {  	s31 =	sshll.u32 s1, $0xD;
	s1 =	sshrl.u32 s1, $0x2  }
0xb9: {  	s3 =	sand.u32 $0x4000, s31;
	s1 =	sadd.s32 s1, s30  }
0xba: {  	s0 =	sor.u32 s3, s0;
	s1 =	sshll.u32 s1, $0x11  }
0xbb: {  	s0 =	sor.u32 s1, s0  }
0xbc: {  	s0 =	sadd.s32 $0x8F2B, s0  }
0xbd: {  	[sflag:s0] =	ssyncadd.remote.s32 $0x1  }
0xbe: {  	_ =	sfence.sel $0xFFFF  }
0xbf: {  	[dreg:$0x0] =	wrdreg $0xFFFFFFFF;
	(pc) =	sbr.abs _section_cstart, $3  }
0xc0: {  	[dreg:$0x1] =	wrdreg $0xFFFFFFFF  }
0xc1: {  	_ =	task.clear_ibuf [dreg:s6], $0x2FFFF;
	_ =	strace $0x9FFFFFFF  }
0xc2: {  	(tm) =	ssettm $0x7FFFFFFF  }
0xc3: {  	_ =	shalt  }
tec
execute0_lowered:
.L_overlay_start_1:
0x0: {  	(tag) =	ssettag $0x1  }
0x1: {  	s0 =	srdreg.scid  }
0x2: {  	s11 =	stileid.u32;
	s5 =	rddreg [dreg:$0x0]  }
0x3: {  	s2 =	rddreg [dreg:$0x1];
	s3 =	simm.s32 $0x0;
	s10 =	simm.s32 $0x9  }
0x4: {  	s14 =	simm.s32 $0x80;
	s15 =	simm.s32 $0x5000;
	s18 =	simm.s32 $0x7800  }
0x5: {  	s22 =	simm.s32 $0xA000;
	s29 =	simm.s32 $0xDC00;
	s30 =	simm.s32 $0x1  }
0x6: {  	s31 =	simm.s32 $0x3;
	s16 =	simm.s32 $0x0;
	s0 =	sand.u32 $0x1, s0  }
0x7: {  	s7 =	smul.u32 $0x6400, s11;
	[smem:$0x7FF] =	sst s3;
	s4 =	sadd.s32 $0x16E00, s5  }
0x8: {  	s28 =	sshll.u32 s11, $0x6;
	s1 =	sshll.u32 s0, $0x4;
	s6 =	smul.u32 $0x64000, s0  }
0x9: {  	_ =	strace $0x8000004D;
	s0 =	ssub.s32 $0x2, s0;
	s12 =	sor.u32 $0x1C09, s28  }
0xa: {  	s1 =	sor.u32 s11, s1;
	s8 =	sshrl.u32 s7, $0x3;
	s24 =	sshrl.u32 s0, $0x1  }
0xb: {  	s26 =	sadd.s32 s7, s2;
	s11 =	simm.s32 $0x8;
	s1 =	smul.u32 $0x500, s1  }
0xc: {  	s6 =	sadd.s32 s7, s6;
	s8 =	sadd.s32 s8, s5;
	s0 =	ssub.s32 s0, s24  }
.Ltmp0:
0xd: {  	s13 =	sshrl.u32 s26, $0x3;
	s26 =	simm.s32 $0xC800;
	(pc) =	sbr.rel .LBB2_1-.Ltmp0, $4  }
0xe: {  	s6 =	sshrl.u32 s6, $0x3;
	s7 =	sadd.s32 $0x23200, s8;
	s1 =	sadd.s32 s1, s5  }
0xf: {  	s9 =	sadd.s32 s6, s5;
	s25 =	sadd.s32 $0xCE00, s1;
	s1 =	sadd.s32 $0x2E00, s1  }
0x10: {  	s8 =	sadd.s32 $0x2FA00, s9;
	s9 =	smax.u32 s0, $0x1;
	[dreg:$0x3] =	wrdreg s25  }
0x11: {  	s0 =	simm.s32 $0x7;
	[dreg:$0x4] =	wrdreg s1;
	s1 =	simm.s32 $0x5  }
.LBB2_3:
0x12: {  	_ =	swait.ge [sflag:s11], $0x1400  }
0x13: {  	[sflag:s11] =	ssyncset.done $0x0  }
0x14: {  	s5 =	sadd.s32 $0x2B80, s19;
	[sflag:s11] =	ssyncadd.s32 $0xFFFFEC00  }
0x15: {  	[spmem:s2] =	stream.indirect.scatter.add.f32 [tilespmem:s29], [sflag:$0x9], $0x28, s5, s14, $0xb8;
	[tilespmem:$0x15400] =	vst v63  }
0x16: {  	_ =	swait.ge [sflag:s10], $0x1400  }
0x17: {  	[sflag:s10] =	ssyncset.done $0x0  }
0x18: {  	[sflag:s10] =	ssyncadd.s32 $0xFFFFEC00  }
.LBB2_5:
0x19: {  	s16 =	sadd.s32 $0x1, s16  }
0x1a: {  	p0 =	sne.s32 s16, s9  }
.Ltmp1:
0x1b: {  	[bflag:$0x0] =	sbarrier.arrive $0xFFFF;
	(pc) =	sbr.rel @!p0 .LBB2_6-.Ltmp1, $4  }
0x1c: {  	[hbm:s8], [sflag:s12] =	dma.local [spmem:s13], $0xC80  }
0x1d: {  	_ =	swait.ge [sflag:s10], $0xC80  }
0x1e: {  	[sflag:s10] =	ssyncset.done $0x0  }
0x1f: {  	[sflag:s10] =	ssyncadd.s32 $0xFFFFF380  }
.LBB2_1:
0x20: {  	s5 =	rddreg [dreg:$0x3]  }
0x21: {  	[tilespmem:s3], [sflag:$0x9] =	stream.linear.gather [hbm4b:s5+s3], $0x2800, $0x38;
	[tilespmem:$0x15400] =	vst v63  }
0x22: {  	_ =	swait.ge [sflag:s10], $0x2800  }
0x23: {  	[sflag:s10] =	ssyncset.done $0x0  }
0x24: {  	s6 =	simm.s32 $0x2800;
	s28 =	rddreg [dreg:$0x4];
	[sflag:s10] =	ssyncadd.s32 $0xFFFFD800  }
0x25: {  	[tilespmem:s6], [sflag:$0x9] =	stream.linear.gather [hbm4b:s28+s3], $0x2800, $0x38;
	[tilespmem:$0x15400] =	vst v63  }
0x26: {  	_ =	swait.ge [sflag:s10], $0x2800  }
0x27: {  	[sflag:s10] =	ssyncset.done $0x0  }
0x28: {  	[sflag:s10] =	ssyncadd.s32 $0xFFFFD800  }
0x29: {  	[spmem:s13], [sflag:s12] =	dma.local [hbm:s7], $0xC80  }
0x2a: {  	_ =	swait.ge [sflag:s10], $0xC80  }
0x2b: {  	[sflag:s10] =	ssyncset.done $0x0  }
0x2c: {  	[sflag:s10] =	ssyncadd.s32 $0xFFFFF380  }
0x2d: {  	[bflag:$0x0] =	sbarrier.arrive $0xFFFF  }
0x2e: {  	[tilespmem:s15], [sflag:$0x1] =	stream.indirect.gather [hbm4b:s4+s14], $0x28, s3, s14, $0xb8;
	[tilespmem:$0x15400] =	vst v63  }
0x2f: {  	s6 =	simm.s32 $0x6400  }
0x30: {  	[tilespmem:s6], [sflag:$0x2] =	stream.indirect.gather [hbm4b:s4+s14], $0x28, s14, s14, $0xb8;
	[tilespmem:$0x15400] =	vst v63  }
0x31: {  	s17 =	simm.s32 $0x100  }
0x32: {  	[tilespmem:s18], [sflag:$0x3] =	stream.indirect.gather [hbm4b:s4+s14], $0x28, s17, s14, $0xb8;
	[tilespmem:$0x15400] =	vst v63  }
0x33: {  	s19 =	simm.s32 $0x180;
	s20 =	simm.s32 $0x8C00  }
0x34: {  	[tilespmem:s20], [sflag:$0x4] =	stream.indirect.gather [hbm4b:s4+s14], $0x28, s19, s14, $0xb8;
	[tilespmem:$0x15400] =	vst v63  }
0x35: {  	s21 =	simm.s32 $0x200  }
0x36: {  	[tilespmem:s22], [sflag:$0x5] =	stream.indirect.gather [hbm4b:s4+s14], $0x28, s21, s14, $0xb8;
	[tilespmem:$0x15400] =	vst v63  }
0x37: {  	s23 =	simm.s32 $0x280;
	s24 =	simm.s32 $0xB400  }
0x38: {  	[tilespmem:s24], [sflag:$0x6] =	stream.indirect.gather [hbm4b:s4+s14], $0x28, s23, s14, $0xb8;
	[tilespmem:$0x15400] =	vst v63  }
0x39: {  	s25 =	simm.s32 $0x300  }
0x3a: {  	[tilespmem:s26], [sflag:$0x7] =	stream.indirect.gather [hbm4b:s4+s14], $0x28, s25, s14, $0xb8;
	[tilespmem:$0x15400] =	vst v63  }
0x3b: {  	s28 =	simm.s32 $0x380;
	s17 =	simm.s32 $0x0  }
0x3c: {  	[tilespmem:s29], [sflag:$0x8] =	stream.indirect.gather [hbm4b:s4+s14], $0x28, s28, s14, $0xb8;
	[tilespmem:$0x15400] =	vst v63  }
.LBB2_2:
0x3d: {  	_ =	swait.ge [sflag:s30], $0x1400  }
0x3e: {  	s19 =	sshra.s32 s17, $0x2;
	[sflag:s30] =	ssyncset.done $0x0  }
0x3f: {  	s20 =	sadd.s32 $0x2800, s19;
	[sflag:s30] =	ssyncadd.s32 $0xFFFFEC00  }
0x40: {  	[spmem:s2] =	stream.indirect.scatter.add.f32 [tilespmem:s15], [sflag:$0x9], $0x28, s20, s14, $0xb8;
	[tilespmem:$0x15400] =	vst v63  }
0x41: {  	_ =	swait.ge [sflag:s10], $0x1400  }
0x42: {  	p0 =	seq.s32 s17, $0x9000;
	[sflag:s10] =	ssyncset.done $0x0  }
0x43: {  	s20 =	simm.s32 @p0 $0x2;
	[sflag:s10] =	ssyncadd.s32 $0xFFFFEC00  }
0x44: {  	s23 =	sshra.s32 @p0 s17, $0x2;
	_ =	swait.ge @p0 [sflag:s20], $0x1400  }
0x45: {  	s24 =	simm.s32 @p0 $0x80;
	s21 =	simm.s32 @p0 $0x6400;
	[sflag:s20] =	ssyncset.done @p0 $0x0  }
0x46: {  	s25 =	simm.s32 @p0 $0x9;
	[sflag:s20] =	ssyncadd.s32 @p0 $0xFFFFEC00;
	s20 =	sadd.s32 @p0 $0x2880, s23  }
0x47: {  	[spmem:s2] =	stream.indirect.scatter.add.f32 @p0 [tilespmem:s21], [sflag:$0x9], $0x28, s20, s24, $0xb8;
	[tilespmem:$0x15400] =	vst v63  }
0x48: {  	_ =	swait.ge @p0 [sflag:s25], $0x1400  }
0x49: {  	s5 =	simm.s32 @!p0 $0x5000;
	s20 =	sshra.s32 @!p0 s17, $0x2;
	[sflag:s25] =	ssyncset.done @p0 $0x0  }
0x4a: {  	s21 =	simm.s32 @!p0 $0x80;
	s28 =	sadd.s32 @!p0 $0x400, s20;
	[sflag:s25] =	ssyncadd.s32 @p0 $0xFFFFEC00  }
0x4b: {  	[tilespmem:s5], [sflag:$0x1] =	stream.indirect.gather @!p0 [hbm4b:s4+s21], $0x28, s28, s21, $0xb8;
	[tilespmem:$0x15400] =	vst v63  }
0x4c: {  	s5 =	simm.s32 @!p0 $0x2  }
0x4d: {  	_ =	swait.ge @!p0 [sflag:s5], $0x1400  }
0x4e: {  	s6 =	simm.s32 @!p0 $0x6400;
	[sflag:s5] =	ssyncset.done @!p0 $0x0  }
0x4f: {  	s28 =	simm.s32 @!p0 $0x9;
	[sflag:s5] =	ssyncadd.s32 @!p0 $0xFFFFEC00;
	s5 =	sadd.s32 @!p0 $0x2880, s20  }
0x50: {  	[spmem:s2] =	stream.indirect.scatter.add.f32 @!p0 [tilespmem:s6], [sflag:$0x9], $0x28, s5, s21, $0xb8;
	[tilespmem:$0x15400] =	vst v63  }
0x51: {  	_ =	swait.ge @!p0 [sflag:s28], $0x1400  }
0x52: {  	[sflag:s28] =	ssyncset.done @!p0 $0x0  }
0x53: {  	s5 =	sadd.s32 @!p0 $0x480, s20;
	[sflag:s28] =	ssyncadd.s32 @!p0 $0xFFFFEC00  }
0x54: {  	[tilespmem:s6], [sflag:$0x2] =	stream.indirect.gather @!p0 [hbm4b:s4+s21], $0x28, s5, s21, $0xb8;
	[tilespmem:$0x15400] =	vst v63  }
0x55: {  	_ =	swait.ge [sflag:s31], $0x1400  }
0x56: {  	[sflag:s31] =	ssyncset.done $0x0  }
0x57: {  	s6 =	sadd.s32 $0x2900, s19;
	[sflag:s31] =	ssyncadd.s32 $0xFFFFEC00  }
0x58: {  	[spmem:s2] =	stream.indirect.scatter.add.f32 [tilespmem:s18], [sflag:$0x9], $0x28, s6, s14, $0xb8;
	[tilespmem:$0x15400] =	vst v63  }
0x59: {  	_ =	swait.ge [sflag:s10], $0x1400  }
0x5a: {  	[sflag:s10] =	ssyncset.done $0x0  }
0x5b: {  	s5 =	simm.s32 @p0 $0x4;
	[sflag:s10] =	ssyncadd.s32 $0xFFFFEC00  }
0x5c: {  	_ =	swait.ge @p0 [sflag:s5], $0x1400  }
0x5d: {  	[sflag:s5] =	ssyncset.done @p0 $0x0  }
0x5e: {  	s6 =	simm.s32 @p0 $0x8C00;
	[sflag:s5] =	ssyncadd.s32 @p0 $0xFFFFEC00;
	s5 =	sadd.s32 @p0 $0x2980, s23  }
0x5f: {  	[spmem:s2] =	stream.indirect.scatter.add.f32 @p0 [tilespmem:s6], [sflag:$0x9], $0x28, s5, s24, $0xb8;
	[tilespmem:$0x15400] =	vst v63  }
0x60: {  	_ =	swait.ge @p0 [sflag:s25], $0x1400  }
0x61: {  	[sflag:s25] =	ssyncset.done @p0 $0x0  }
0x62: {  	s5 =	sadd.s32 @!p0 $0x500, s20;
	s6 =	simm.s32 @!p0 $0x7800;
	[sflag:s25] =	ssyncadd.s32 @p0 $0xFFFFEC00  }
0x63: {  	[tilespmem:s6], [sflag:$0x3] =	stream.indirect.gather @!p0 [hbm4b:s4+s21], $0x28, s5, s21, $0xb8;
	[tilespmem:$0x15400] =	vst v63  }
0x64: {  	s5 =	simm.s32 @!p0 $0x4  }
0x65: {  	_ =	swait.ge @!p0 [sflag:s5], $0x1400  }
0x66: {  	[sflag:s5] =	ssyncset.done @!p0 $0x0  }
0x67: {  	s6 =	simm.s32 @!p0 $0x8C00;
	[sflag:s5] =	ssyncadd.s32 @!p0 $0xFFFFEC00;
	s5 =	sadd.s32 @!p0 $0x2980, s20  }
0x68: {  	[spmem:s2] =	stream.indirect.scatter.add.f32 @!p0 [tilespmem:s6], [sflag:$0x9], $0x28, s5, s21, $0xb8;
	[tilespmem:$0x15400] =	vst v63  }
0x69: {  	_ =	swait.ge @!p0 [sflag:s28], $0x1400  }
0x6a: {  	[sflag:s28] =	ssyncset.done @!p0 $0x0  }
0x6b: {  	s5 =	sadd.s32 @!p0 $0x580, s20;
	[sflag:s28] =	ssyncadd.s32 @!p0 $0xFFFFEC00  }
0x6c: {  	[tilespmem:s6], [sflag:$0x4] =	stream.indirect.gather @!p0 [hbm4b:s4+s21], $0x28, s5, s21, $0xb8;
	[tilespmem:$0x15400] =	vst v63  }
0x6d: {  	_ =	swait.ge [sflag:s1], $0x1400  }
0x6e: {  	[sflag:s1] =	ssyncset.done $0x0  }
0x6f: {  	s6 =	sadd.s32 $0x2A00, s19;
	[sflag:s1] =	ssyncadd.s32 $0xFFFFEC00  }
0x70: {  	[spmem:s2] =	stream.indirect.scatter.add.f32 [tilespmem:s22], [sflag:$0x9], $0x28, s6, s14, $0xb8;
	[tilespmem:$0x15400] =	vst v63  }
0x71: {  	_ =	swait.ge [sflag:s10], $0x1400  }
0x72: {  	[sflag:s10] =	ssyncset.done $0x0  }
0x73: {  	s5 =	simm.s32 @p0 $0x6;
	[sflag:s10] =	ssyncadd.s32 $0xFFFFEC00  }
0x74: {  	_ =	swait.ge @p0 [sflag:s5], $0x1400  }
0x75: {  	[sflag:s5] =	ssyncset.done @p0 $0x0  }
0x76: {  	s6 =	simm.s32 @p0 $0xB400;
	[sflag:s5] =	ssyncadd.s32 @p0 $0xFFFFEC00;
	s5 =	sadd.s32 @p0 $0x2A80, s23  }
0x77: {  	[spmem:s2] =	stream.indirect.scatter.add.f32 @p0 [tilespmem:s6], [sflag:$0x9], $0x28, s5, s24, $0xb8;
	[tilespmem:$0x15400] =	vst v63  }
0x78: {  	_ =	swait.ge @p0 [sflag:s25], $0x1400  }
0x79: {  	[sflag:s25] =	ssyncset.done @p0 $0x0  }
0x7a: {  	s5 =	sadd.s32 @!p0 $0x600, s20;
	s6 =	simm.s32 @!p0 $0xA000;
	[sflag:s25] =	ssyncadd.s32 @p0 $0xFFFFEC00  }
0x7b: {  	[tilespmem:s6], [sflag:$0x5] =	stream.indirect.gather @!p0 [hbm4b:s4+s21], $0x28, s5, s21, $0xb8;
	[tilespmem:$0x15400] =	vst v63  }
0x7c: {  	s5 =	simm.s32 @!p0 $0x6  }
0x7d: {  	_ =	swait.ge @!p0 [sflag:s5], $0x1400  }
0x7e: {  	[sflag:s5] =	ssyncset.done @!p0 $0x0  }
0x7f: {  	s6 =	simm.s32 @!p0 $0xB400;
	[sflag:s5] =	ssyncadd.s32 @!p0 $0xFFFFEC00;
	s5 =	sadd.s32 @!p0 $0x2A80, s20  }
0x80: {  	[spmem:s2] =	stream.indirect.scatter.add.f32 @!p0 [tilespmem:s6], [sflag:$0x9], $0x28, s5, s21, $0xb8;
	[tilespmem:$0x15400] =	vst v63  }
0x81: {  	_ =	swait.ge @!p0 [sflag:s28], $0x1400  }
0x82: {  	[sflag:s28] =	ssyncset.done @!p0 $0x0  }
0x83: {  	s5 =	sadd.s32 @!p0 $0x680, s20;
	[sflag:s28] =	ssyncadd.s32 @!p0 $0xFFFFEC00  }
0x84: {  	[tilespmem:s6], [sflag:$0x6] =	stream.indirect.gather @!p0 [hbm4b:s4+s21], $0x28, s5, s21, $0xb8;
	[tilespmem:$0x15400] =	vst v63  }
0x85: {  	_ =	swait.ge [sflag:s0], $0x1400  }
0x86: {  	p0 =	sne.s32 s17, $0x9000;
	[sflag:s0] =	ssyncset.done $0x0  }
.Ltmp2:
0x87: {  	s28 =	sadd.s32 $0x2B00, s19;
	[sflag:s0] =	ssyncadd.s32 $0xFFFFEC00;
	(pc) =	sbr.rel @!p0 .LBB2_3-.Ltmp2, $4  }
0x88: {  	[spmem:s2] =	stream.indirect.scatter.add.f32 [tilespmem:s26], [sflag:$0x9], $0x28, s28, s14, $0xb8;
	[tilespmem:$0x15400] =	vst v63  }
0x89: {  	_ =	swait.ge [sflag:s10], $0x1400  }
0x8a: {  	[sflag:s10] =	ssyncset.done $0x0  }
0x8b: {  	[sflag:s10] =	ssyncadd.s32 $0xFFFFEC00  }
0x8c: {  	s5 =	sadd.s32 $0x700, s19  }
0x8d: {  	[tilespmem:s26], [sflag:$0x7] =	stream.indirect.gather [hbm4b:s4+s14], $0x28, s5, s14, $0xb8;
	[tilespmem:$0x15400] =	vst v63  }
0x8e: {  	_ =	swait.ge [sflag:s11], $0x1400  }
0x8f: {  	s17 =	sadd.s32 $0x1000, s17;
	[sflag:s11] =	ssyncset.done $0x0  }
0x90: {  	s25 =	sadd.s32 $0x2B80, s19;
	p0 =	sne.s32 s17, $0xA000;
	[sflag:s11] =	ssyncadd.s32 $0xFFFFEC00  }
0x91: {  	[spmem:s2] =	stream.indirect.scatter.add.f32 [tilespmem:s29], [sflag:$0x9], $0x28, s25, s14, $0xb8;
	[tilespmem:$0x15400] =	vst v63  }
.Ltmp3:
0x92: {  	_ = 	snop;
	(pc) =	sbr.rel @p0 .LBB2_2-.Ltmp3, $4  }
.Ltmp4:
0x93: {  	_ =	swait.ge [sflag:s10], $0x1400;
	(pc) =	sbr.rel @!p0 .LBB2_5-.Ltmp4, $4  }
0x94: {  	[sflag:s10] =	ssyncset.done $0x0  }
0x95: {  	s28 =	sadd.s32 $0x780, s19;
	[sflag:s10] =	ssyncadd.s32 $0xFFFFEC00  }
0x96: {  	[tilespmem:s29], [sflag:$0x8] =	stream.indirect.gather [hbm4b:s4+s14], $0x28, s28, s14, $0xb8;
	[tilespmem:$0x15400] =	vst v63  }
0x97: {  	_ = 	snop  }
.LBB2_6:
0x98: {  	_ =	sfence.sel $0x180000  }
0x99: {  	[bflag:$0x0] =	sbarrier.arrive $0xFFFF  }
0x9a: {  	_ =	strace $0x9000004D  }
0x9b: {  	s0 =	stileid.u32;
	[bflag:$0x2] =	sbarrier.arrive $0xFFFF  }
0x9c: {  	p0 =	sne.s32 s0, $0x0;
	s0 =	rddreg [dreg:$0x2]  }
0x9d: {  	s0 =	sadd.s32 @!p0 $0x100000, s0  }
0x9e: {  	[sflag:s0] =	ssyncadd.tile.s32 @!p0 $0x1;
	_ =	shalt  }
.Lfunc_end2:
_tile_overlayer_lowered:
.L_overlay_start_2:
0x9f: {  	(tag) =	ssettag $0x2  }
0xa0: {  	s0 =	rddreg [dreg:$0x0];
	s2 =	stileid.u32  }
0xa1: {  	s1 =	rddreg [dreg:$0x1];
	p0 =	sne.s32 s2, $0x0  }
0xa2: {  	s3 =	rddreg [dreg:$0x2];
	[bflag:$0x3] =	sbarrier.arrive $0xFFFF;
	s2 =	simm.s32 @!p0 $0x1C09  }
0xa3: {  	[timem:s3], [sflag:s2] =	dma.local @!p0 [hbm:s0], s1  }
0xa4: {  	s0 =	simm.s32 @!p0 $0x9  }
0xa5: {  	_ =	swait.ge @!p0 [sflag:s0], s1  }
0xa6: {  	s1 =	ssub.s32 @!p0 $0x0, s1;
	[sflag:s0] =	ssyncset.done @!p0 $0x0  }
0xa7: {  	[sflag:s0] =	ssyncadd.s32 @!p0 s1  }
0xa8: {  	[bflag:$0x3] =	sbarrier.arrive $0xFFFF  }
0xa9: {  	_ =	shalt  }

// kernel: kernel.9.cloned.1.call-start
scs
__scs_entry_jumppad:
0x0: {  	(pc) =	sbr.rel $0x88, $3  }
0x1: {  	(tag) =	ssettag $0x0;
	lr =	simm.s32 $0x1  }
0x2: {  	[smem:$0x3F95] =	sst lr;
	_ =	strace $0xD0000000  }
0x3: {  	_ = 	snop  }
0x4: {  	_ = 	snop  }
0x5: {  	_ = 	snop  }
0x6: {  	_ = 	snop  }
0x7: {  	_ = 	snop  }
__scs_overlays_trampoline_lowered:
0x8: {  	[smem:$0x3FA4] =	sst s0  }
0x9: {  	[smem:$0x3FA5] =	sst s1  }
0xa: {  	[smem:$0x3FA6] =	sst s2  }
0xb: {  	[smem:$0x3FA7] =	sst s3  }
0xc: {  	[smem:$0x3FA8] =	sst s4  }
0xd: {  	[smem:$0x3FA9] =	sst s5  }
0xe: {  	[smem:$0x3FAA] =	sst s6  }
0xf: {  	[smem:$0x3FAB] =	sst s7  }
0x10: {  	[smem:$0x3FAC] =	sst s8  }
0x11: {  	[smem:$0x3FAD] =	sst s9;
	s0 =	simm.s32 @!p0 $0x0  }
0x12: {  	s1 =	sld [smem:$0x3F93];
	s0 =	simm.s32 @p0 $0x1  }
0x13: {  	[smem:$0x3FAE] =	sst s0;
	s0 =	simm.s32 @!p1 $0x0  }
0x14: {  	s2 =	sld [smem:$0x3F92];
	s0 =	simm.s32 @p1 $0x1  }
0x15: {  	[smem:$0x3FAF] =	sst s0;
	s0 =	simm.s32 @!p2 $0x0  }
0x16: {  	s3 =	sld [smem:$0x3FDB];
	s0 =	simm.s32 @p2 $0x1  }
0x17: {  	s4 =	simm.s32 $0x1BF5;
	[smem:$0x3FB1] =	sst s0  }
0x18: {  	s0 =	sld [smem:$0x3F94];
	_ =	swait.ge [sflag:s4], $0x0  }
0x19: {  	s7 =	sld [smem:$0x3F95]  }
0x1a: {  	s8 =	sadd.s32 $0xFFFFE003, lr  }
0x1b: {  	s9 =	sadd.s32 $0xFFFFFEF7, lr;
	s5 =	simm.s32 $0xFFFFFFFF;
	p2 =	slt.u32 s8, $0xFFFFF086  }
0x1c: {  	p1 =	slt.u32 s9, $0xF7A;
	s5 =	simm.s32 @!p2 $0x0  }
0x1d: {  	s5 =	simm.s32 @p1 $0x1;
	p0 =	seq.s32 s7, s2  }
0x1e: {  	s7 =	smul.u32 @!p0 $0xF7A, s2;
	p2 =	seq.s32 @!p0 s5, $0x0  }
0x1f: {  	s9 =	smul.u32 $0xF7A, s1;
	s8 =	simm.s32 @!p0 $0x1BF5;
	p2 =	por !p2, p0  }
0x20: {  	[sflag:s8] =	ssyncset.s32 @!p0 $0xFFFFF086;
	s6 =	sadd.s32 @!p0 s3, s7;
	s7 =	simm.s32 @!p0 $0x108  }
0x21: {  	s3 =	sadd.s32 s3, s9;
	s6 =	sadd.s32 @!p0 $0x88, s6;
	s7 =	simm.s32 @p2 $0x1082  }
0x22: {  	[simem:s7], [sflag:s8] =	dma.local @!p0 [hbm:s6], $0xF7A  }
0x23: {  	s9 =	sor.u32 $0xD0000000, s2;
	s6 =	simm.s32 $0x108;
	_ =	swait.ge @!p0 [sflag:s8], $0x0  }
0x24: {  	s3 =	sadd.s32 $0x88, s3;
	s6 =	simm.s32 @!p1 $0x1082;
	[sflag:s4] =	ssyncset.s32 $0xFFFFF086  }
0x25: {  	[simem:s6], [sflag:s4] =	dma.local [hbm:s3], $0xF7A  }
0x26: {  	[smem:$0x3F95] =	sst s1;
	(tag) =	ssettag s2;
	_ =	strace s9  }
0x27: {  	s1 =	sld [smem:$0x3FA5]  }
0x28: {  	s2 =	sld [smem:$0x3FA6]  }
0x29: {  	s4 =	sld [smem:$0x3FA8]  }
0x2a: {  	p0 =	seq.s32 s5, $0x0;
	s5 =	sld [smem:$0x3FA9]  }
0x2b: {  	s6 =	sld [smem:$0x3FAA]  }
0x2c: {  	s7 =	sld [smem:$0x3FAB]  }
0x2d: {  	s3 =	simm.s32 $0x108;
	s8 =	sld [smem:$0x3FAC]  }
0x2e: {  	s3 =	simm.s32 @!p0 $0x1082;
	s9 =	sld [smem:$0x3FAD]  }
0x2f: {  	lr =	sadd.s32 s0, s3;
	s0 =	sld [smem:$0x3FA4]  }
0x30: {  	s3 =	sld [smem:$0x3FA7]  }
0x31: {  	[smem:$0x3FB0] =	sst s10  }
0x32: {  	s10 =	sld [smem:$0x3FAE];
	_ =	sdelay $0x3  }
0x33: {  	p0 =	seq.s32 s10, $0x1;
	s10 =	sld [smem:$0x3FB0];
	_ =	sdelay $0x3  }
0x34: {  	[smem:$0x3FB0] =	sst s10  }
0x35: {  	s10 =	sld [smem:$0x3FAF];
	_ =	sdelay $0x3  }
0x36: {  	p1 =	seq.s32 s10, $0x1;
	s10 =	sld [smem:$0x3FB0];
	_ =	sdelay $0x3  }
0x37: {  	[smem:$0x3FB0] =	sst s10  }
0x38: {  	s10 =	sld [smem:$0x3FB1]  }
0x39: {  	_ = 	snop;
	(pc) =	sbr.ind lr, $3  }
0x3a: {  	_ = 	snop  }
0x3b: {  	_ = 	snop  }
0x3c: {  	p2 =	seq.s32 s10, $0x1;
	s10 =	sld [smem:$0x3FB0]  }
0x3d: {  	_ =	shalt  }
0x3e: {  	_ =	shalt  }
0x3f: {  	_ =	shalt  }
0x40: {  	_ =	shalt  }
0x41: {  	_ =	shalt  }
0x42: {  	_ =	shalt  }
0x43: {  	_ =	shalt  }
0x44: {  	_ =	shalt  }
0x45: {  	_ =	shalt  }
0x46: {  	_ =	shalt  }
0x47: {  	_ =	shalt  }
0x48: {  	_ =	shalt  }
0x49: {  	_ =	shalt  }
0x4a: {  	_ =	shalt  }
0x4b: {  	_ =	shalt  }
0x4c: {  	_ =	shalt  }
0x4d: {  	_ =	shalt  }
0x4e: {  	_ =	shalt  }
0x4f: {  	_ =	shalt  }
0x50: {  	_ =	shalt  }
0x51: {  	_ =	shalt  }
0x52: {  	_ =	shalt  }
0x53: {  	_ =	shalt  }
0x54: {  	_ =	shalt  }
0x55: {  	_ =	shalt  }
0x56: {  	_ =	shalt  }
0x57: {  	_ =	shalt  }
0x58: {  	_ =	shalt  }
0x59: {  	_ =	shalt  }
0x5a: {  	_ =	shalt  }
0x5b: {  	_ =	shalt  }
0x5c: {  	_ =	shalt  }
0x5d: {  	_ =	shalt  }
0x5e: {  	_ =	shalt  }
0x5f: {  	_ =	shalt  }
0x60: {  	_ =	shalt  }
0x61: {  	_ =	shalt  }
0x62: {  	_ =	shalt  }
0x63: {  	_ =	shalt  }
0x64: {  	_ =	shalt  }
0x65: {  	_ =	shalt  }
0x66: {  	_ =	shalt  }
0x67: {  	_ =	shalt  }
0x68: {  	_ =	shalt  }
0x69: {  	_ =	shalt  }
0x6a: {  	_ =	shalt  }
0x6b: {  	_ =	shalt  }
0x6c: {  	_ =	shalt  }
0x6d: {  	_ =	shalt  }
0x6e: {  	_ =	shalt  }
0x6f: {  	_ =	shalt  }
0x70: {  	_ =	shalt  }
0x71: {  	_ =	shalt  }
0x72: {  	_ =	shalt  }
0x73: {  	_ =	shalt  }
0x74: {  	_ =	shalt  }
0x75: {  	_ =	shalt  }
0x76: {  	_ =	shalt  }
0x77: {  	_ =	shalt  }
0x78: {  	_ =	shalt  }
0x79: {  	_ =	shalt  }
0x7a: {  	_ =	shalt  }
0x7b: {  	_ =	shalt  }
0x7c: {  	_ =	shalt  }
0x7d: {  	_ =	shalt  }
0x7e: {  	_ =	shalt  }
0x7f: {  	_ =	shalt  }
0x80: {  	_ =	shalt  }
0x81: {  	_ =	shalt  }
0x82: {  	_ =	shalt  }
0x83: {  	_ =	shalt  }
0x84: {  	_ =	shalt  }
0x85: {  	_ =	shalt  }
0x86: {  	_ =	shalt  }
0x87: {  	_ =	shalt  }
.Lfunc_end0:
.L_simem_size_0:
called_computation_lowered:
.L_overlay_start_0:
0x88: {  	s2 =	sld [smem:$0x3FD9]  }
0x89: {  	s3 =	sld [smem:$0x3FFE];
	_ =	sdelay $0x1  }
0x8a: {  	s1 =	srdreg.scid  }
0x8b: {  	s0 =	sand.u32 $0x1, s1  }
0x8c: {  	s14 =	sshll.u32 s0, $0xA;
	s2 =	sadd.s32 s3, s2  }
0x8d: {  	s2 =	sadd.s32 s2, s14  }
0x8e: {  	[smem:$0x3FBC] =	sst s2  }
0x8f: {  	_ = 	snop  }
0x90: {  	s2 =	sld [smem:$0x3FD0];
	_ =	sdelay $0x2  }
0x91: {  	s15 =	simm.s32 $0xA;
	s4 =	simm.s32 $0x10  }
0x92: {  	[smem:s4], [sflag:s15] =	dma.local [hbm:s2], $0x1  }
0x93: {  	_ =	swait.eq [sflag:s15], $0x1  }
0x94: {  	[sflag:s15] =	ssyncset.done $0x0  }
0x95: {  	s16 =	sld [smem:$0x11];
	[sflag:s15] =	ssyncadd.s32 $0xFFFFFFFF  }
0x96: {  	s17 =	sld [smem:$0x12];
	(tm) =	ssettm $0x1  }
0x97: {  	s18 =	sld [smem:$0x3FFB];
	_ =	sdelay $0x3  }
0x98: {  	_ =	strace s18  }
0x99: {  	s4 =	sld [smem:$0x3FFC];
	_ =	sdelay $0x3  }
0x9a: {  	_ =	strace s4  }
0x9b: {  	s4 =	sld [smem:$0x3FFD];
	_ =	sdelay $0x3  }
0x9c: {  	_ =	strace s4  }
0x9d: {  	_ =	strace $0x8FFFFFFF  }
0x9e: {  	s19 =	sld [smem:$0x3FDB];
	_ =	sdelay $0x1  }
0x9f: {  	s5 =	simm.s32 $_scs_section_size  }
0xa0: {  	s6 =	simm.s32 $_size__tile_overlayer_lowered;
	s7 =	simm.s32 $_tile_overlayer_lowered  }
0xa1: {  	s22 =	simm.s32 $0x1BFF;
	s21 =	sshll.u32 s7, $0x1;
	s4 =	sadd.s32 s5, s19  }
0xa2: {  	s8 =	simm.s32 $0x0;
	s20 =	sshll.u32 s6, $0x1;
	s6 =	sadd.s32 s21, s4  }
0xa3: {  	[timem:s8], [sflag:s22] =	dma.local [hbm:s6], s20  }
0xa4: {  	_ =	swait.ge [sflag:s22], s20  }
0xa5: {  	s5 =	ssub.s32 $0x0, s20;
	[sflag:s22] =	ssyncset.done $0x0  }
0xa6: {  	[sflag:s22] =	ssyncadd.s32 s5;
	_ =	sdelay $0x1  }
0xa7: {  	s23 =	simm.s32 $0x1B8B  }
0xa8: {  	_ =	swait.ge [sflag:s23], $0x1  }
0xa9: {  	[sflag:s23] =	ssyncset.done $0x0  }
0xaa: {  	s25 =	simm.s32 $0x1B8E;
	s24 =	sld [smem:$0x3FFE];
	[sflag:s23] =	ssyncadd.s32 $0xFFFFFFFF  }
0xab: {  	s26 =	simm.s32 $execute0_lowered;
	[smem:$0x3FD2] =	sst s25  }
0xac: {  	s6 =	sshll.u32 s26, $0x1;
	_ =	strace $0x80000046;
	[dreg:$0x1] =	wrdreg $0xFFFFFFFF  }
0xad: {  	s28 =	simm.s32 $_size_execute0_lowered;
	s4 =	sadd.s32 s4, s6;
	[dreg:$0x0] =	wrdreg $0x0  }
0xae: {  	s6 =	sshll.u32 s28, $0x1;
	[dreg:$0x2] =	wrdreg s4  }
0xaf: {  	[dreg:$0x3] =	wrdreg s6  }
0xb0: {  	[dreg:$0x4] =	wrdreg $0xC0  }
0xb1: {  	_ =	task [dreg:s8], $0x5FFFF  }
0xb2: {  	[dreg:$0x1] =	wrdreg $0xFFFFFFFF  }
0xb3: {  	[dreg:$0x0] =	wrdreg $0x60  }
0xb4: {  	[dreg:$0x2] =	wrdreg s24  }
0xb5: {  	[dreg:$0x3] =	wrdreg s16  }
0xb6: {  	[dreg:$0x4] =	wrdreg s17  }
0xb7: {  	[dreg:$0x5] =	wrdreg $0x28800  }
0xb8: {  	[dreg:$0x6] =	wrdreg $0x9  }
0xb9: {  	_ =	task.clear_ibuf [dreg:s8], $0x7FFFF;
	_ =	strace $0x90000046  }
0xba: {  	s29 =	simm.s32 $0x9;
	_ =	strace $0x80000048  }
0xbb: {  	_ =	swait.ge [sflag:s29], $0x1  }
0xbc: {  	[sflag:s29] =	ssyncadd.s32 $0xFFFFFFFF  }
0xbd: {  	_ =	strace $0x90000048  }
0xbe: {  	_ =	sfence  }
0xbf: {  	s30 =	sld [smem:$0x0];
	_ =	sdelay $0x2  }
0xc0: {  	s31 =	sshll.u32 s1, $0xD;
	s1 =	sshrl.u32 s1, $0x2  }
0xc1: {  	s3 =	sand.u32 $0x4000, s31;
	s1 =	sadd.s32 s1, s30  }
0xc2: {  	s0 =	sor.u32 s3, s0;
	s1 =	sshll.u32 s1, $0x11  }
0xc3: {  	s0 =	sor.u32 s1, s0  }
0xc4: {  	s0 =	sadd.s32 $0x8F2B, s0  }
0xc5: {  	[sflag:s0] =	ssyncadd.remote.s32 $0x1  }
0xc6: {  	_ =	sfence.sel $0xFFFF  }
0xc7: {  	[dreg:$0x0] =	wrdreg $0xFFFFFFFF;
	(pc) =	sbr.abs _section_cstart, $3  }
0xc8: {  	[dreg:$0x1] =	wrdreg $0xFFFFFFFF  }
0xc9: {  	_ =	task.clear_ibuf [dreg:s8], $0x2FFFF;
	_ =	strace $0x9FFFFFFF  }
0xca: {  	(tm) =	ssettm $0x7FFFFFFF  }
0xcb: {  	_ =	shalt  }
tec
execute0_lowered:
.L_overlay_start_1:
0x0: {  	(tag) =	ssettag $0x1  }
0x1: {  	s4 =	rddreg [dreg:$0x0]  }
0x2: {  	s5 =	rddreg [dreg:$0x1]  }
0x3: {  	s7 =	rddreg [dreg:$0x2]  }
0x4: {  	s0 =	srdreg.scid;
	s2 =	rddreg [dreg:$0x3]  }
0x5: {  	s12 =	simm.s32 $0x2800;
	s6 =	sand.u32 $0x1, s0;
	s0 =	stileid.u32  }
0x6: {  	s13 =	simm.s32 $0x0;
	s1 =	sshll.u32 s6, $0x4;
	s10 =	smul.u32 $0x280, s0  }
0x7: {  	s9 =	ssub.s32 $0x2, s6;
	s6 =	smul.u32 $0x2800, s6;
	s31 =	sshll.u32 s0, $0x6  }
0x8: {  	s3 =	sor.u32 s0, s1;
	s1 =	rddreg [dreg:$0x4];
	s11 =	sshrl.u32 s9, $0x1  }
0x9: {  	s8 =	smul.u32 $0x500, s3;
	s3 =	simm.s32 $0x0;
	s29 =	ssub.s32 s9, s11  }
0xa: {  	s30 =	sshrl.u32 s10, $0x3;
	s6 =	sadd.s32 s10, s6;
	s10 =	sadd.s32 s10, s2  }
0xb: {  	s9 =	sor.u32 $0x1C01, s31;
	s11 =	simm.s32 $0x80;
	[smem:$0x7FF] =	sst s3  }
0xc: {  	s5 =	sadd.s32 s5, s30;
	s6 =	sshrl.u32 s6, $0x3;
	s10 =	sshrl.u32 s10, $0x3  }
0xd: {  	_ =	strace $0x80000047;
	s4 =	sadd.s32 s8, s4;
	s6 =	sadd.s32 s7, s6  }
0xe: {  	v0 =	vimm.f32 $1.000000000e+00;
	s7 =	smax.u32 s29, $0x1;
	s8 =	simm.s32 $0x1;
	s4 =	sadd.s32 $0x2E00, s4  }
.LBB2_1:
0xf: {  	[tilespmem:s3], [sflag:$0x1] =	stream.linear.gather [hbm4b:s4+s3], $0x2800, $0x38;
	[tilespmem:$0x2B00] =	vst v63  }
0x10: {  	_ =	swait.ge [sflag:s8], $0x2800  }
0x11: {  	[sflag:s8] =	ssyncset.done $0x0  }
0x12: {  	[sflag:s8] =	ssyncadd.s32 $0xFFFFD800  }
0x13: {  	[tilespmem:$0x2800] =	vst v0  }
0x14: {  	[tilespmem:$0x2810] =	vst v0  }
0x15: {  	[tilespmem:$0x2820] =	vst v0  }
0x16: {  	[tilespmem:$0x2830] =	vst v0  }
0x17: {  	[tilespmem:$0x2840] =	vst v0  }
0x18: {  	[tilespmem:$0x2850] =	vst v0  }
0x19: {  	[tilespmem:$0x2860] =	vst v0  }
0x1a: {  	[tilespmem:$0x2870] =	vst v0  }
0x1b: {  	[spmem:s10], [sflag:s9] =	dma.local [hbm:s5], $0x50  }
0x1c: {  	_ =	swait.ge [sflag:s8], $0x50  }
0x1d: {  	[sflag:s8] =	ssyncset.done $0x0  }
0x1e: {  	[sflag:s8] =	ssyncadd.s32 $0xFFFFFFB0  }
0x1f: {  	s14 =	simm.s32 $0x0;
	[bflag:$0x0] =	sbarrier.arrive $0xFFFF  }
0x20: {  	[spmem:s2] =	stream.indirect.scatter.add.f32 [tilespmem:s12], [sflag:$0x1], $0x1, s14, s11, $0xb8;
	[tilespmem:$0x2B00] =	vst v63  }
0x21: {  	_ =	swait.ge [sflag:s8], $0x80  }
0x22: {  	s14 =	simm.s32 $0x200;
	[sflag:s8] =	ssyncset.done $0x0  }
.LBB2_2:
0x23: {  	s15 =	sshra.s32 s14, $0x2;
	[sflag:s8] =	ssyncadd.s32 $0xFFFFFF80;
	p0 =	sne.s32 s14, $0x9E00  }
0x24: {  	[spmem:s2] =	stream.indirect.scatter.add.f32 [tilespmem:s12], [sflag:$0x1], $0x1, s15, s11, $0xb8;
	[tilespmem:$0x2B00] =	vst v63  }
.Ltmp0:
0x25: {  	_ = 	snop;
	(pc) =	sbr.rel @p0 .LBB2_2-.Ltmp0, $4  }
0x26: {  	_ = 	snop  }
0x27: {  	s14 =	sadd.s32 $0x200, s14  }
0x28: {  	_ =	swait.ge [sflag:s8], $0x80  }
0x29: {  	[sflag:s8] =	ssyncset.done $0x0  }
0x2a: {  	s13 =	sadd.s32 $0x1, s13  }
0x2b: {  	[sflag:s8] =	ssyncadd.s32 $0xFFFFFF80;
	p0 =	sne.s32 s13, s7  }
.Ltmp1:
0x2c: {  	[bflag:$0x0] =	sbarrier.arrive $0xFFFF;
	(pc) =	sbr.rel @p0 .LBB2_1-.Ltmp1, $4  }
0x2d: {  	[hbm:s6], [sflag:s9] =	dma.local [spmem:s10], $0x50  }
0x2e: {  	_ =	swait.ge [sflag:s8], $0x50  }
0x2f: {  	[sflag:s8] =	ssyncset.done $0x0  }
0x30: {  	[sflag:s8] =	ssyncadd.s32 $0xFFFFFFB0  }
0x31: {  	_ =	sfence.sel $0x180000  }
0x32: {  	[bflag:$0x0] =	sbarrier.arrive $0xFFFF  }
0x33: {  	p0 =	sne.s32 s0, $0x0;
	_ =	strace $0x90000047  }
0x34: {  	s0 =	sadd.s32 @!p0 $0x100000, s1;
	[bflag:$0x2] =	sbarrier.arrive $0xFFFF  }
0x35: {  	[sflag:s0] =	ssyncadd.tile.s32 @!p0 $0x1;
	_ =	shalt  }
.Lfunc_end2:
_tile_overlayer_lowered:
.L_overlay_start_2:
0x36: {  	(tag) =	ssettag $0x2  }
0x37: {  	s0 =	rddreg [dreg:$0x0];
	s2 =	stileid.u32  }
0x38: {  	s1 =	rddreg [dreg:$0x1];
	p0 =	sne.s32 s2, $0x0  }
0x39: {  	s3 =	rddreg [dreg:$0x2];
	[bflag:$0x3] =	sbarrier.arrive $0xFFFF;
	s2 =	simm.s32 @!p0 $0x1C01  }
0x3a: {  	[timem:s3], [sflag:s2] =	dma.local @!p0 [hbm:s0], s1  }
0x3b: {  	s0 =	simm.s32 @!p0 $0x1  }
0x3c: {  	_ =	swait.ge @!p0 [sflag:s0], s1  }
0x3d: {  	s1 =	ssub.s32 @!p0 $0x0, s1;
	[sflag:s0] =	ssyncset.done @!p0 $0x0  }
0x3e: {  	[sflag:s0] =	ssyncadd.s32 @!p0 s1  }
0x3f: {  	[bflag:$0x3] =	sbarrier.arrive $0xFFFF  }
0x40: {  	_ =	shalt  }

</sc_bundles>
